<compile_context>
chip_gen: v7x
topology: tpu7x:2x2x1
jax: 0.10.2.dev20260603
libtpu: 0.0.44.dev20260713+nightly
codegen_flags: <defaults>
</compile_context>

<pallas_src>
import functools
import jax
import jax.numpy as jnp
from jax import lax
from jax.experimental import pallas as pl
from jax.experimental.pallas import tpu as pltpu
from jax.experimental.pallas import tpu_sc as plsc

N = 2048
G = 2
K = 64
NEG = -1e30

NC = 2
NS = 16
L = 16
NW = NC * NS
PTS = N // NW
EPW = N * K // NW


def _sc_mesh():
    return plsc.VectorSubcoreMesh(
        core_axis_name="c", subcore_axis_name="s", num_cores=NC,
        num_subcores=NS)



def _nbr_body(CH, posx_h, posy_h, posz_h, batch_h, t1_h, e1_h, nbr2_h, posx_v,
              posy_v, posz_v, batch_v, n1_v, n2_v, rows0_v, rows1_v, tshared_v,
              sem0, sem1):
    wid = lax.axis_index("s") * NC + lax.axis_index("c")
    base = wid * PTS

    @pl.when(lax.axis_index("s") == 0)
    def _stage():
        pltpu.sync_copy(t1_h, tshared_v)

    pltpu.sync_copy(posx_h, posx_v)
    pltpu.sync_copy(posy_h, posy_v)
    pltpu.sync_copy(posz_h, posz_v)
    pltpu.sync_copy(batch_h, batch_v)
    plsc.subcore_barrier()
    lanes = lax.broadcasted_iota(jnp.int32, (L,), 0)
    zeros16 = jnp.zeros((L,), jnp.int32)

    def _cnt0(t, acc):
        b = batch_v[pl.ds(t * L, L)]
        inc = plsc.cumsum(jnp.where(b == 0, 1, 0))
        return acc + jnp.max(inc)
    s0 = lax.fori_loop(0, N // L, _cnt0, jnp.int32(0))

    def _point(p, carry):
        i = base + p
        i_v = jnp.full((L,), i, jnp.int32)
        px = plsc.load_gather(posx_v, [i_v])
        py = plsc.load_gather(posy_v, [i_v])
        pz = plsc.load_gather(posz_v, [i_v])
        bi = plsc.load_gather(batch_v, [i_v])
        bi_s = jnp.max(bi)
        gs = jnp.where(bi_s == 0, 0, s0)
        ge = jnp.where(bi_s == 0, s0, N)
        t_lo = gs // L
        t_hi = (ge + (L - 1)) // L
        pbase = p * K
        pb_v = jnp.full((L,), pbase, jnp.int32)

        def _chunk(t, cs):
            c1, c2 = cs
            j0 = t * L
            jv = lanes + j0
            xs = posx_v[pl.ds(j0, L)]
            ys = posy_v[pl.ds(j0, L)]
            zs = posz_v[pl.ds(j0, L)]
            bs = batch_v[pl.ds(j0, L)]
            dx = xs - px
            dy = ys - py
            dz = zs - pz
            d2 = dx * dx + dy * dy + dz * dz
            same = bs == bi
            v1 = (d2 <= 0.04) & same
            v2 = (d2 <= 0.16) & same
            packed = plsc.cumsum(jnp.where(v1, 1, 0)
                                 + jnp.where(v2, 65536, 0))
            inc1 = packed & 0xFFFF
            inc2 = lax.shift_right_logical(packed, 16)
            p1 = c1 + inc1 - 1
            p2 = c2 + inc2 - 1
            plsc.store_scatter(n1_v, [pb_v + p1], jv, mask=v1 & (p1 < K))
            plsc.store_scatter(n2_v, [pb_v + p2], jv, mask=v2 & (p2 < K))
            cmax = jnp.max(packed)
            c1 = c1 + (cmax & 0xFFFF)
            c2 = c2 + lax.shift_right_logical(cmax, 16)
            return c1, c2

        c1, c2 = lax.fori_loop(t_lo, t_hi, _chunk,
                               (jnp.int32(0), jnp.int32(0)))
        first1 = plsc.load_gather(n1_v, [pb_v])
        first2 = plsc.load_gather(n2_v, [pb_v])
        for q in range(K // L):
            sl = lanes + q * L
            idx = pb_v + sl
            cur1 = plsc.load_gather(n1_v, [idx])
            cur2 = plsc.load_gather(n2_v, [idx])
            plsc.store_scatter(n1_v, [idx], jnp.where(sl < c1, cur1, first1))
            plsc.store_scatter(n2_v, [idx], jnp.where(sl < c2, cur2, first2))
        return carry

    lax.fori_loop(0, PTS, _point, 0)
    pltpu.sync_copy(n2_v, nbr2_h.at[pl.ds(base * K, PTS * K)])

    ebase = base * K
    nch = PTS * K // CH
    bufs = (rows0_v, rows1_v)
    sems = (sem0, sem1)

    def _start(c):
        return pltpu.async_copy(
            tshared_v.at[n1_v.at[pl.ds(c * CH, CH)]], bufs[c % 2],
            sems[c % 2])

    pending = _start(0)
    for c in range(nch):
        nxt = _start(c + 1) if c + 1 < nch else None
        pending.wait()
        pltpu.sync_copy(bufs[c % 2], e1_h.at[pl.ds(ebase + c * CH, CH)])
        pending = nxt


def _sc_neighbors_e1(posx, posy, posz, batch, t1, CH=256):
    D = t1.shape[1]
    f = pl.kernel(
        functools.partial(_nbr_body, CH),
        out_type=(jax.ShapeDtypeStruct((N * K, D), jnp.float32),
                  jax.ShapeDtypeStruct((N * K,), jnp.int32)),
        mesh=_sc_mesh(),
        scratch_types=[
            pltpu.VMEM((N,), jnp.float32),
            pltpu.VMEM((N,), jnp.float32),
            pltpu.VMEM((N,), jnp.float32),
            pltpu.VMEM((N,), jnp.int32),
            pltpu.VMEM((PTS * K,), jnp.int32),
            pltpu.VMEM((PTS * K,), jnp.int32),
            pltpu.VMEM((CH, 128), jnp.float32),
            pltpu.VMEM((CH, 128), jnp.float32),
            pltpu.VMEM_SHARED((N, 128), jnp.float32),
            pltpu.SemaphoreType.DMA,
            pltpu.SemaphoreType.DMA,
        ],
        compiler_params=pltpu.CompilerParams(needs_layout_passes=False),
    )
    return f(posx, posy, posz, batch, t1)



def _gather_body(CH, D, table_h, idx_h, out_h, idx_v, rows0_v, rows1_v,
                 tshared_v, sem0, sem1):
    wid = lax.axis_index("s") * NC + lax.axis_index("c")
    base = wid * EPW
    @pl.when(lax.axis_index("s") == 0)
    def _stage():
        pltpu.sync_copy(table_h, tshared_v)

    pltpu.sync_copy(idx_h.at[pl.ds(base, EPW)], idx_v)
    plsc.subcore_barrier()
    nch = EPW // CH
    bufs = (rows0_v, rows1_v)
    sems = (sem0, sem1)

    def _start(c):
        return pltpu.async_copy(
            tshared_v.at[idx_v.at[pl.ds(c * CH, CH)]], bufs[c % 2],
            sems[c % 2])

    pending = _start(0)
    for c in range(nch):
        nxt = _start(c + 1) if c + 1 < nch else None
        pending.wait()
        pltpu.sync_copy(bufs[c % 2], out_h.at[pl.ds(base + c * CH, CH)])
        pending = nxt


def _sc_gather(table, idx, CH):
    D = table.shape[1]
    f = pl.kernel(
        functools.partial(_gather_body, CH, D),
        out_type=jax.ShapeDtypeStruct((N * K, D), jnp.float32),
        mesh=_sc_mesh(),
        scratch_types=[
            pltpu.VMEM((EPW,), jnp.int32),
            pltpu.VMEM((CH, D), jnp.float32),
            pltpu.VMEM((CH, D), jnp.float32),
            pltpu.VMEM_SHARED((N, D), jnp.float32),
            pltpu.SemaphoreType.DMA,
            pltpu.SemaphoreType.DMA,
        ],
        compiler_params=pltpu.CompilerParams(needs_layout_passes=False),
    )
    return f(table, idx)



def _prep_body(posp_ref, w11_ref, w2b_ref, w31b_ref, t1_ref, b2_ref, c3_ref):
    p = posp_ref[...]
    t1_ref[...] = jnp.dot(p, w11_ref[...], preferred_element_type=jnp.float32)
    b2_ref[...] = jnp.dot(p, w2b_ref[...], preferred_element_type=jnp.float32)
    c3_ref[...] = jnp.dot(p, w31b_ref[...], preferred_element_type=jnp.float32)


def _prep(posp, w11p, w2bp, w31bp):
    return pl.pallas_call(
        _prep_body,
        out_shape=(
            jax.ShapeDtypeStruct((N, 128), jnp.float32),
            jax.ShapeDtypeStruct((N, 128), jnp.float32),
            jax.ShapeDtypeStruct((N, 256), jnp.float32),
        ),
    )(posp, w11p, w2bp, w31bp)



def _sa_body(P, D, HO, WA, e_ref, tself_ref, b1_ref, w2_ref,
             b2_ref, w3_ref, b3_ref, wa_ref, addrows_ref, out_ref):
    e = e_ref[...]
    tself = tself_ref[...]
    trep = jnp.broadcast_to(tself[:, None, :], (P, K, D)).reshape(P * K, D)
    h = jax.nn.relu(e - trep + b1_ref[...])
    h = jax.nn.relu(jnp.dot(h, w2_ref[...], preferred_element_type=jnp.float32)
                    + b2_ref[...])
    h = jax.nn.relu(jnp.dot(h, w3_ref[...], preferred_element_type=jnp.float32)
                    + b3_ref[...])
    x = jnp.max(h.reshape(P, K, HO), axis=1)
    if WA:
        x = jnp.dot(x, wa_ref[...], preferred_element_type=jnp.float32) \
            + addrows_ref[...]
    out_ref[...] = x


def _sa_stage(e, tself, b1, w2, b2, w3, b3, wa, addrows, P):
    D = e.shape[1]
    HO = b3.shape[0]
    WA_FLAG = wa is not None
    OUT = wa.shape[1] if WA_FLAG else HO
    grid = (N // P,)
    if not WA_FLAG:
        wa = jnp.zeros((HO, HO), jnp.float32)
        addrows = jnp.zeros((N, HO), jnp.float32)
    body = functools.partial(_sa_body, P, D, HO, WA_FLAG)
    return pl.pallas_call(
        body,
        grid=grid,
        in_specs=[
            pl.BlockSpec((P * K, D), lambda i: (i, 0)),
            pl.BlockSpec((P, D), lambda i: (i, 0)),
            pl.BlockSpec(b1.shape, lambda i: (0,)),
            pl.BlockSpec(w2.shape, lambda i: (0, 0)),
            pl.BlockSpec(b2.shape, lambda i: (0,)),
            pl.BlockSpec(w3.shape, lambda i: (0, 0)),
            pl.BlockSpec(b3.shape, lambda i: (0,)),
            pl.BlockSpec(wa.shape, lambda i: (0, 0)),
            pl.BlockSpec((P, OUT), lambda i: (i, 0)),
        ],
        out_specs=pl.BlockSpec((P, OUT), lambda i: (i, 0)),
        out_shape=jax.ShapeDtypeStruct((N, OUT), jnp.float32),
    )(e, tself, b1, w2, b2, w3, b3, wa, addrows)



def _final_body(x2_ref, c3_ref, batch_ref, qpi_ref, w3a_ref, b31_ref, w32_ref,
                b32_ref, w33_ref, b33_ref, wp1_ref, bp1_ref, wp2_ref, bp2_ref,
                wp3_ref, bp3_ref, out_ref):
    x2 = x2_ref[...]
    h = jax.nn.relu(jnp.dot(x2, w3a_ref[...], preferred_element_type=jnp.float32)
                    + c3_ref[...] + b31_ref[...])
    h = jax.nn.relu(jnp.dot(h, w32_ref[...], preferred_element_type=jnp.float32)
                    + b32_ref[...])
    h = jax.nn.relu(jnp.dot(h, w33_ref[...], preferred_element_type=jnp.float32)
                    + b33_ref[...])
    bcol = batch_ref[...]
    s0 = jnp.max(jnp.where(bcol == 0, h, NEG), axis=0, keepdims=True)
    s1 = jnp.max(jnp.where(bcol == 1, h, NEG), axis=0, keepdims=True)
    scene = jnp.concatenate([s0, s1], axis=0)
    rio = jax.lax.broadcasted_iota(jnp.int32, (G, N), 1)
    q0 = qpi_ref[0]
    q1 = qpi_ref[1]
    qcol = jnp.concatenate(
        [jnp.full((1, 1), q0, jnp.int32), jnp.full((1, 1), q1, jnp.int32)], axis=0)
    oh = (rio == qcol).astype(jnp.float32)
    pf = jnp.dot(oh, x2, preferred_element_type=jnp.float32)
    ef = jnp.concatenate([pf, scene], axis=1)
    o = jax.nn.relu(jnp.dot(ef, wp1_ref[...], preferred_element_type=jnp.float32)
                    + bp1_ref[...])
    o = jax.nn.relu(jnp.dot(o, wp2_ref[...], preferred_element_type=jnp.float32)
                    + bp2_ref[...])
    o = jnp.dot(o, wp3_ref[...], preferred_element_type=jnp.float32) + bp3_ref[...]
    t = o[:, 0:3]
    r1 = o[:, 3:6]
    r2 = o[:, 6:9]
    r1 = r1 * jax.lax.rsqrt(jnp.sum(r1 * r1, axis=1, keepdims=True))
    r2 = r2 - jnp.sum(r1 * r2, axis=1, keepdims=True) * r1
    r2 = r2 * jax.lax.rsqrt(jnp.sum(r2 * r2, axis=1, keepdims=True))
    a1, a2, a3 = r1[:, 0:1], r1[:, 1:2], r1[:, 2:3]
    c1, c2, c3 = r2[:, 0:1], r2[:, 1:2], r2[:, 2:3]
    r3x = a2 * c3 - a3 * c2
    r3y = a3 * c1 - a1 * c3
    r3z = a1 * c2 - a2 * c1
    zero = jnp.zeros((G, 1), jnp.float32)
    one = jnp.ones((G, 1), jnp.float32)
    out_ref[...] = jnp.concatenate(
        [a1, c1, r3x, t[:, 0:1],
         a2, c2, r3y, t[:, 1:2],
         a3, c3, r3z, t[:, 2:3],
         zero, zero, zero, one], axis=1)


def _final(x2, c3, batch2d, qpi, w3a, b31, w32, b32, w33, b33, pred):
    wp1, bp1, wp2, bp2, wp3, bp3 = pred
    return pl.pallas_call(
        _final_body,
        in_specs=[pl.BlockSpec(memory_space=pltpu.VMEM)] * 3
        + [pl.BlockSpec(memory_space=pltpu.SMEM)]
        + [pl.BlockSpec(memory_space=pltpu.VMEM)] * 12,
        out_shape=jax.ShapeDtypeStruct((G, 16), jnp.float32),
    )(x2, c3, batch2d, qpi, w3a, b31, w32, b32, w33, b33,
      wp1, bp1, wp2, bp2, wp3, bp3)



def _neighbors_tmp(pos, batch):
    d2 = jnp.sum((pos[:, None, :] - pos[None, :, :]) ** 2, axis=-1)
    same = batch[:, None] == batch[None, :]
    col = jnp.arange(N, dtype=jnp.int32)
    out = []
    for r in (0.2, 0.4):
        valid = (d2 <= r * r) & same
        keyv = jnp.where(valid, col[None, :], col[None, :] + N)
        neg, _ = jax.lax.top_k(-keyv, K)
        nbr = -neg
        mask = nbr < N
        nbr = jnp.where(mask, nbr, nbr[:, 0:1])
        out.append(nbr)
    return out



def kernel(pos, batch_idx, query_point_idx, mlp1, mlp2, mlp3, pred):
    W11, b11, W12, b12, W13, b13 = mlp1
    W21, b21, W22, b22, W23, b23 = mlp2
    W31, b31, W32, b32, W33, b33 = mlp3

    posp = jnp.pad(pos, ((0, 0), (0, 5)))
    w11p = jnp.pad(W11, ((0, 5), (0, 64)))
    w2bp = jnp.pad(W21[128:], ((0, 5), (0, 0)))
    w31bp = jnp.pad(W31[256:], ((0, 5), (0, 0)))
    t1, b2mat, c3 = _prep(posp, w11p, w2bp, w31bp)

    e1, nbr2f = _sc_neighbors_e1(pos[:, 0], pos[:, 1], pos[:, 2], batch_idx,
                                 t1)
    b11p = jnp.pad(b11, (0, 64))
    w12p = jnp.pad(W12, ((0, 64), (0, 0)))
    a2 = _sa_stage(e1, t1, b11p, w12p, b12, W13, b13,
                   W21[:128], b2mat, P=128)

    e2 = _sc_gather(a2, nbr2f, CH=256)
    x2 = _sa_stage(e2, b2mat, b21, W22, b22, W23, b23, None, None, P=128)

    batch2d = batch_idx.reshape(N, 1)
    out = _final(x2, c3, batch2d, query_point_idx,
                 W31[:256], b31, W32, b32, W33, b33, pred)
    return out

# --- scband reference (transcript-rebuilt; emitter-appended) ---
"""Pipeline reference for scband-gewa-net-52802327937491 (READ-ONLY COPY).

The authoritative reference and input builder live on the scoring server;
editing this copy changes nothing except your own understanding.
"""

import jax, jax.numpy as jnp
import numpy as np

N_POINTS = 2048
NUM_GRAPHS = 2
MAX_NBRS = 64
SCENE_FEAT_DIM = 1024
POINT_FEAT_DIM = 256
OUT_SIZE = 9


def _linear_params(key, dims):
    params = []
    for i in range(len(dims) - 1):
        key, k1, k2 = jax.random.split(key, 3)
        bound = 1.0 / np.sqrt(dims[i])
        params.append(jax.random.uniform(k1, (dims[i], dims[i + 1]), minval=-bound, maxval=bound, dtype=jnp.float32))
        params.append(jax.random.uniform(k2, (dims[i + 1],), minval=-bound, maxval=bound, dtype=jnp.float32))
    return params, key


def setup_inputs(seed: int = 0):
    key = jax.random.key(seed)
    key, kp, kb, kq = jax.random.split(key, 4)
    pos = jax.random.uniform(kp, (N_POINTS, 3), dtype=jnp.float32)
    batch_idx = jnp.sort(jax.random.randint(kb, (N_POINTS,), 0, NUM_GRAPHS)).astype(jnp.int32)
    query_point_idx = jax.random.randint(kq, (NUM_GRAPHS,), 0, N_POINTS).astype(jnp.int32)
    mlp1, key = _linear_params(key, [3, 64, 64, 128])
    mlp2, key = _linear_params(key, [128 + 3, 128, 128, POINT_FEAT_DIM])
    mlp3, key = _linear_params(key, [POINT_FEAT_DIM + 3, POINT_FEAT_DIM, 512, SCENE_FEAT_DIM])
    pred, key = _linear_params(key, [SCENE_FEAT_DIM + POINT_FEAT_DIM, SCENE_FEAT_DIM // 2, SCENE_FEAT_DIM // 4, OUT_SIZE])
    return {"pos": pos, "batch_idx": batch_idx, "query_point_idx": query_point_idx,
            "mlp1": mlp1, "mlp2": mlp2, "mlp3": mlp3, "pred": pred}


def _mlp(params, x):
    n = len(params) // 2
    for i in range(n):
        x = x @ params[2 * i] + params[2 * i + 1]
        x = jax.nn.relu(x)
    return x


def _predictor(params, x):
    n = len(params) // 2
    for i in range(n):
        x = x @ params[2 * i] + params[2 * i + 1]
        if i < n - 1:
            x = jax.nn.relu(x)
    return x


def _neighbors(pos, batch, r):
    N = pos.shape[0]
    d2 = jnp.sum((pos[:, None, :] - pos[None, :, :]) ** 2, axis=-1)
    same = batch[:, None] == batch[None, :]
    valid = (d2 <= r * r) & same
    col = jnp.arange(N, dtype=jnp.int32)
    keyv = jnp.where(valid, col[None, :], col[None, :] + N)
    neg, _ = jax.lax.top_k(-keyv, MAX_NBRS)
    nbr = -neg
    mask = nbr < N
    nbr = jnp.where(mask, nbr, 0)
    return nbr, mask


def _forward(pos, batch_idx, query_point_idx, mlp1, mlp2, mlp3, pred):
    # SAModule 1 (ratio 1.0 -> all points kept; PointNetConv with x=None, max aggregation)
    nbr1, m1 = _neighbors(pos, batch_idx, 0.2)
    rel1 = pos[nbr1] - pos[:, None, :]
    h1 = _mlp(mlp1, rel1)
    x1 = jnp.max(jnp.where(m1[:, :, None], h1, -1e30), axis=1)
    # SAModule 2
    nbr2, m2 = _neighbors(pos, batch_idx, 0.4)
    rel2 = pos[nbr2] - pos[:, None, :]
    h2 = _mlp(mlp2, jnp.concatenate([x1[nbr2], rel2], axis=-1))
    x2 = jnp.max(jnp.where(m2[:, :, None], h2, -1e30), axis=1)
    # GlobalSAModule
    h3 = _mlp(mlp3, jnp.concatenate([x2, pos], axis=1))
    scene_feat = jax.ops.segment_max(h3, batch_idx, num_segments=NUM_GRAPHS)
    point_feat = x2[query_point_idx]
    edge_feat = jnp.concatenate([point_feat, scene_feat], axis=1)
    out = _predictor(pred, edge_feat)
    # calculateTransformationMatrix
    t = out[:, :3]
    r1 = out[:, 3:6]
    r2 = out[:, 6:9]
    r1 = r1 / jnp.linalg.norm(r1, axis=1, keepdims=True)
    r2 = r2 - jnp.sum(r1 * r2, axis=1, keepdims=True) * r1
    r2 = r2 / jnp.linalg.norm(r2, axis=1, keepdims=True)
    r3 = jnp.cross(r1, r2)
    R = jnp.stack([r1, r2, r3], axis=2)
    top = jnp.concatenate([R, t[:, :, None]], axis=2)
    bottom = jnp.tile(jnp.array([[[0.0, 0.0, 0.0, 1.0]]], dtype=out.dtype), (out.shape[0], 1, 1))
    return jnp.concatenate([top, bottom], axis=1).reshape(-1, 16)


def reference(pos, batch_idx, query_point_idx, mlp1, mlp2, mlp3, pred):
    return _forward(pos, batch_idx, query_point_idx, mlp1, mlp2, mlp3, pred)

if __name__ == "__main__":
    import jax
    _d = setup_inputs()
    print(jax.jit(kernel)(*tuple(_d.values())))

</pallas_src>

<mosaic_0001>
#map = affine_map<(d0, d1) -> (0)>
#map1 = affine_map<(d0, d1) -> (0, 0)>
module attributes {stable_mosaic.version = 14 : i64} {
  func.func @_nbr_body(%arg0: i32, %arg1: i32, %arg2: memref<2048xf32, #tpu.memory_space<hbm>>, %arg3: memref<2048xf32, #tpu.memory_space<hbm>>, %arg4: memref<2048xf32, #tpu.memory_space<hbm>>, %arg5: memref<2048xi32, #tpu.memory_space<hbm>>, %arg6: memref<2048x128xf32, #tpu.memory_space<hbm>>, %arg7: memref<131072x128xf32, #tpu.memory_space<hbm>>, %arg8: memref<131072xi32, #tpu.memory_space<hbm>>, %arg9: memref<2048xf32, #tpu.memory_space<vmem>>, %arg10: memref<2048xf32, #tpu.memory_space<vmem>>, %arg11: memref<2048xf32, #tpu.memory_space<vmem>>, %arg12: memref<2048xi32, #tpu.memory_space<vmem>>, %arg13: memref<4096xi32, #tpu.memory_space<vmem>>, %arg14: memref<4096xi32, #tpu.memory_space<vmem>>, %arg15: memref<256x128xf32, #tpu.memory_space<vmem>>, %arg16: memref<256x128xf32, #tpu.memory_space<vmem>>, %arg17: memref<2048x128xf32, #tpu.memory_space<vmem_shared>>, %arg18: memref<!tpu.dma_semaphore, #tpu.memory_space<semaphore_mem>>, %arg19: memref<!tpu.dma_semaphore, #tpu.memory_space<semaphore_mem>>) attributes {dimension_semantics = [#tpu.dimension_semantics<core_parallel>, #tpu.dimension_semantics<subcore_parallel>], iteration_bounds = array<i64: 2, 16>, scalar_prefetch = 0 : i64, scratch_operands = 11 : i64, tpu.core_type = #tpu.core_type<sc_vector_subcore>, window_params = [{transform_indices = #map}, {transform_indices = #map}, {transform_indices = #map}, {transform_indices = #map}, {transform_indices = #map1}, {transform_indices = #map1}, {transform_indices = #map}]} {
    %mul3A = arith.constant 2 : i32
    %mul3A_0 = arith.muli %arg1, %mul3A : i32
    %add3A = arith.addi %mul3A_0, %arg0 : i32
    %mul3A_1 = arith.constant 64 : i32
    %mul3A_2 = arith.muli %add3A, %mul3A_1 : i32
    %eq3A = arith.constant 0 : i32
    %eq3A_3 = arith.cmpi eq, %arg1, %eq3A : i32
    %convert_element_type3A = arith.extui %eq3A_3 : i1 to i32
    %cond3A = arith.constant 0 : i32
    %cond3A_4 = arith.cmpi ne, %convert_element_type3A, %cond3A : i32
    scf.if %cond3A_4 {
      "tpu.region"() ({
        %run_scoped3A = tpu.sem_alloc : memref<!tpu.dma_semaphore, #tpu.memory_space<semaphore_mem>>
        tpu.enqueue_dma source(%arg6 : memref<2048x128xf32, #tpu.memory_space<hbm>>) target(%arg17 : memref<2048x128xf32, #tpu.memory_space<vmem_shared>>) target_semaphore(%run_scoped3A : memref<!tpu.dma_semaphore, #tpu.memory_space<semaphore_mem>>)
        tpu.wait_dma2 semaphore(%run_scoped3A : memref<!tpu.dma_semaphore, #tpu.memory_space<semaphore_mem>>) src(%arg6 : memref<2048x128xf32, #tpu.memory_space<hbm>>) dst(%arg17 : memref<2048x128xf32, #tpu.memory_space<vmem_shared>>)
        tpu.yield
      }) : () -> ()
    } else {
    }
    "tpu.region"() ({
      %run_scoped3A = tpu.sem_alloc : memref<!tpu.dma_semaphore, #tpu.memory_space<semaphore_mem>>
      tpu.enqueue_dma source(%arg2 : memref<2048xf32, #tpu.memory_space<hbm>>) target(%arg9 : memref<2048xf32, #tpu.memory_space<vmem>>) target_semaphore(%run_scoped3A : memref<!tpu.dma_semaphore, #tpu.memory_space<semaphore_mem>>)
      tpu.wait_dma2 semaphore(%run_scoped3A : memref<!tpu.dma_semaphore, #tpu.memory_space<semaphore_mem>>) src(%arg2 : memref<2048xf32, #tpu.memory_space<hbm>>) dst(%arg9 : memref<2048xf32, #tpu.memory_space<vmem>>)
      tpu.yield
    }) : () -> ()
    "tpu.region"() ({
      %run_scoped3A = tpu.sem_alloc : memref<!tpu.dma_semaphore, #tpu.memory_space<semaphore_mem>>
      tpu.enqueue_dma source(%arg3 : memref<2048xf32, #tpu.memory_space<hbm>>) target(%arg10 : memref<2048xf32, #tpu.memory_space<vmem>>) target_semaphore(%run_scoped3A : memref<!tpu.dma_semaphore, #tpu.memory_space<semaphore_mem>>)
      tpu.wait_dma2 semaphore(%run_scoped3A : memref<!tpu.dma_semaphore, #tpu.memory_space<semaphore_mem>>) src(%arg3 : memref<2048xf32, #tpu.memory_space<hbm>>) dst(%arg10 : memref<2048xf32, #tpu.memory_space<vmem>>)
      tpu.yield
    }) : () -> ()
    "tpu.region"() ({
      %run_scoped3A = tpu.sem_alloc : memref<!tpu.dma_semaphore, #tpu.memory_space<semaphore_mem>>
      tpu.enqueue_dma source(%arg4 : memref<2048xf32, #tpu.memory_space<hbm>>) target(%arg11 : memref<2048xf32, #tpu.memory_space<vmem>>) target_semaphore(%run_scoped3A : memref<!tpu.dma_semaphore, #tpu.memory_space<semaphore_mem>>)
      tpu.wait_dma2 semaphore(%run_scoped3A : memref<!tpu.dma_semaphore, #tpu.memory_space<semaphore_mem>>) src(%arg4 : memref<2048xf32, #tpu.memory_space<hbm>>) dst(%arg11 : memref<2048xf32, #tpu.memory_space<vmem>>)
      tpu.yield
    }) : () -> ()
    "tpu.region"() ({
      %run_scoped3A = tpu.sem_alloc : memref<!tpu.dma_semaphore, #tpu.memory_space<semaphore_mem>>
      tpu.enqueue_dma source(%arg5 : memref<2048xi32, #tpu.memory_space<hbm>>) target(%arg12 : memref<2048xi32, #tpu.memory_space<vmem>>) target_semaphore(%run_scoped3A : memref<!tpu.dma_semaphore, #tpu.memory_space<semaphore_mem>>)
      tpu.wait_dma2 semaphore(%run_scoped3A : memref<!tpu.dma_semaphore, #tpu.memory_space<semaphore_mem>>) src(%arg5 : memref<2048xi32, #tpu.memory_space<hbm>>) dst(%arg12 : memref<2048xi32, #tpu.memory_space<vmem>>)
      tpu.yield
    }) : () -> ()
    %barrier3A = arith.constant 0 : index
    tpu.barrier barrier_id(%barrier3A)
    %iota3A = tpu.iota {dimensions = array<i32: 0>} : vector<16xi32>
    %broadcast_in_dim3A = arith.constant 0 : i32
    %broadcast_in_dim3A_5 = vector.broadcast %broadcast_in_dim3A : i32 to vector<16xi32>
    %scan3A = arith.constant 0 : i32
    %scan3A_6 = arith.constant 0 : i32
    %scan3A_7 = arith.constant 128 : i32
    %scan3A_8 = arith.addi %scan3A_6, %scan3A_7 : i32
    %scan3A_9 = arith.constant 1 : i32
    %scan3A_10 = scf.for %scan3A_212 = %scan3A_6 to %scan3A_8 step %scan3A_9 iter_args(%scan3A_213 = %scan3A) -> (i32)  : i32 {
      %mul3A_214 = arith.constant 16 : i32
      %mul3A_215 = arith.muli %scan3A_212, %mul3A_214 : i32
      %get3A = arith.index_cast %mul3A_215 : i32 to index
      %get3A_216 = tpu.vector_load %arg12[%get3A] {strides = array<i32>} : memref<2048xi32, #tpu.memory_space<vmem>>, vector<16xi32>,
      %eq3A_217 = arith.constant 0 : i32
      %eq3A_218 = vector.broadcast %eq3A_217 : i32 to vector<16xi32>
      %eq3A_219 = arith.cmpi eq, %get3A_216, %eq3A_218 : vector<16xi32>
      %jit3A = arith.constant 1 : i32
      %jit3A_220 = arith.constant 0 : i32
      %broadcast_in_dim3A_221 = vector.broadcast %jit3A : i32 to vector<16xi32>
      %broadcast_in_dim3A_222 = vector.broadcast %jit3A_220 : i32 to vector<16xi32>
      %select_n3A = arith.select %eq3A_219, %broadcast_in_dim3A_221, %broadcast_in_dim3A_222 : vector<16xi1>, vector<16xi32>
      %broadcast_in_dim3A_223 = arith.constant true
      %broadcast_in_dim3A_224 = vector.broadcast %broadcast_in_dim3A_223 : i1 to vector<16xi1>
      %masked_cumsum3A = tpu.scan <sum>, %select_n3A masked %broadcast_in_dim3A_224 : vector<16xi32>, vector<16xi1> -> vector<16xi32>
      %reduce_max3A = arith.constant true
      %reduce_max3A_225 = vector.broadcast %reduce_max3A : i1 to vector<16xi1>
      %reduce_max3A_226 = arith.constant -2147483648 : i32
      %reduce_max3A_227 = vector.broadcast %reduce_max3A_226 : i32 to vector<16xi32>
      %reduce_max3A_228 = arith.xori %masked_cumsum3A, %reduce_max3A_227 : vector<16xi32>
      %reduce_max3A_229 = tpu.scan <max>, %reduce_max3A_228 masked %reduce_max3A_225 : vector<16xi32>, vector<16xi1> -> vector<16xi32>
      %reduce_max3A_230 = arith.xori %reduce_max3A_229, %reduce_max3A_227 : vector<16xi32>
      %reduce_max3A_231 = vector.extract %reduce_max3A_230[15] : i32 from vector<16xi32>
      %add3A_232 = arith.addi %scan3A_213, %reduce_max3A_231 : i32
      scf.yield %add3A_232 : i32
    }
    %scan3A_11 = arith.constant 128 : i32
    %scan3A_12 = arith.constant 0 : i32
    %scan3A_13 = arith.constant 0 : i32
    %scan3A_14 = arith.constant 64 : i32
    %scan3A_15 = arith.addi %scan3A_13, %scan3A_14 : i32
    %scan3A_16 = arith.constant 1 : i32
    scf.for %scan3A_212 = %scan3A_13 to %scan3A_15 step %scan3A_16  : i32 {
      %add3A_213 = arith.addi %mul3A_2, %scan3A_212 : i32
      %broadcast_in_dim3A_214 = vector.broadcast %add3A_213 : i32 to vector<16xi32>
      %gather3A = tpu.vector_load_idx %arg9[%broadcast_in_dim3A_214] : memref<2048xf32, #tpu.memory_space<vmem>>[vector<16xi32>], vector<16xf32>,
      %gather3A_215 = tpu.vector_load_idx %arg10[%broadcast_in_dim3A_214] : memref<2048xf32, #tpu.memory_space<vmem>>[vector<16xi32>], vector<16xf32>,
      %gather3A_216 = tpu.vector_load_idx %arg11[%broadcast_in_dim3A_214] : memref<2048xf32, #tpu.memory_space<vmem>>[vector<16xi32>], vector<16xf32>,
      %gather3A_217 = tpu.vector_load_idx %arg12[%broadcast_in_dim3A_214] : memref<2048xi32, #tpu.memory_space<vmem>>[vector<16xi32>], vector<16xi32>,
      %reduce_max3A = arith.constant true
      %reduce_max3A_218 = vector.broadcast %reduce_max3A : i1 to vector<16xi1>
      %reduce_max3A_219 = arith.constant -2147483648 : i32
      %reduce_max3A_220 = vector.broadcast %reduce_max3A_219 : i32 to vector<16xi32>
      %reduce_max3A_221 = arith.xori %gather3A_217, %reduce_max3A_220 : vector<16xi32>
      %reduce_max3A_222 = tpu.scan <max>, %reduce_max3A_221 masked %reduce_max3A_218 : vector<16xi32>, vector<16xi1> -> vector<16xi32>
      %reduce_max3A_223 = arith.xori %reduce_max3A_222, %reduce_max3A_220 : vector<16xi32>
      %reduce_max3A_224 = vector.extract %reduce_max3A_223[15] : i32 from vector<16xi32>
      %eq3A_225 = arith.constant 0 : i32
      %eq3A_226 = arith.cmpi eq, %reduce_max3A_224, %eq3A_225 : i32
      %jit3A = arith.constant 0 : i32
      %select_n3A = arith.select %eq3A_226, %jit3A, %scan3A_10 : i32
      %eq3A_227 = arith.constant 0 : i32
      %eq3A_228 = arith.cmpi eq, %reduce_max3A_224, %eq3A_227 : i32
      %jit3A_229 = arith.constant 2048 : i32
      %select_n3A_230 = arith.select %eq3A_228, %scan3A_10, %jit3A_229 : i32
      %jit3A_231 = arith.constant 16 : i32
      %div3A = arith.divsi %select_n3A, %jit3A_231 : i32
      %sign3A = arith.constant 0 : i32
      %sign3A_232 = arith.cmpi sgt, %select_n3A, %sign3A : i32
      %sign3A_233 = arith.extui %sign3A_232 : i1 to i32
      %sign3A_234 = arith.constant 0 : i32
      %sign3A_235 = arith.cmpi slt, %select_n3A, %sign3A_234 : i32
      %sign3A_236 = arith.extui %sign3A_235 : i1 to i32
      %sign3A_237 = arith.subi %sign3A_233, %sign3A_236 : i32
      %sign3A_238 = arith.constant 0 : i32
      %sign3A_239 = arith.cmpi sgt, %jit3A_231, %sign3A_238 : i32
      %sign3A_240 = arith.extui %sign3A_239 : i1 to i32
      %sign3A_241 = arith.constant 0 : i32
      %sign3A_242 = arith.cmpi slt, %jit3A_231, %sign3A_241 : i32
      %sign3A_243 = arith.extui %sign3A_242 : i1 to i32
      %sign3A_244 = arith.subi %sign3A_240, %sign3A_243 : i32
      %ne3A = arith.cmpi ne, %sign3A_237, %sign3A_244 : i32
      %rem3A = arith.remsi %select_n3A, %jit3A_231 : i32
      %ne3A_245 = arith.constant 0 : i32
      %ne3A_246 = arith.cmpi ne, %rem3A, %ne3A_245 : i32
      %and3A = arith.andi %ne3A, %ne3A_246 : i1
      %sub3A = arith.constant 1 : i32
      %sub3A_247 = arith.subi %div3A, %sub3A : i32
      %select_n3A_248 = arith.select %and3A, %sub3A_247, %div3A : i32
      %add3A_249 = arith.constant 15 : i32
      %add3A_250 = arith.addi %select_n3A_230, %add3A_249 : i32
      %jit3A_251 = arith.constant 16 : i32
      %div3A_252 = arith.divsi %add3A_250, %jit3A_251 : i32
      %sign3A_253 = arith.constant 0 : i32
      %sign3A_254 = arith.cmpi sgt, %add3A_250, %sign3A_253 : i32
      %sign3A_255 = arith.extui %sign3A_254 : i1 to i32
      %sign3A_256 = arith.constant 0 : i32
      %sign3A_257 = arith.cmpi slt, %add3A_250, %sign3A_256 : i32
      %sign3A_258 = arith.extui %sign3A_257 : i1 to i32
      %sign3A_259 = arith.subi %sign3A_255, %sign3A_258 : i32
      %sign3A_260 = arith.constant 0 : i32
      %sign3A_261 = arith.cmpi sgt, %jit3A_251, %sign3A_260 : i32
      %sign3A_262 = arith.extui %sign3A_261 : i1 to i32
      %sign3A_263 = arith.constant 0 : i32
      %sign3A_264 = arith.cmpi slt, %jit3A_251, %sign3A_263 : i32
      %sign3A_265 = arith.extui %sign3A_264 : i1 to i32
      %sign3A_266 = arith.subi %sign3A_262, %sign3A_265 : i32
      %ne3A_267 = arith.cmpi ne, %sign3A_259, %sign3A_266 : i32
      %rem3A_268 = arith.remsi %add3A_250, %jit3A_251 : i32
      %ne3A_269 = arith.constant 0 : i32
      %ne3A_270 = arith.cmpi ne, %rem3A_268, %ne3A_269 : i32
      %and3A_271 = arith.andi %ne3A_267, %ne3A_270 : i1
      %sub3A_272 = arith.constant 1 : i32
      %sub3A_273 = arith.subi %div3A_252, %sub3A_272 : i32
      %select_n3A_274 = arith.select %and3A_271, %sub3A_273, %div3A_252 : i32
      %mul3A_275 = arith.constant 64 : i32
      %mul3A_276 = arith.muli %scan3A_212, %mul3A_275 : i32
      %broadcast_in_dim3A_277 = vector.broadcast %mul3A_276 : i32 to vector<16xi32>
      %while3A = arith.constant 0 : i32
      %while3A_278 = arith.constant 0 : i32
      %while3A_279 = arith.subi %select_n3A_274, %select_n3A_248 : i32
      %while3A_280 = arith.addi %select_n3A_248, %while3A_279 : i32
      %while3A_281 = arith.constant 1 : i32
      %while3A_282 = arith.divsi %while3A_279, %while3A_281 : i32
      %while3A_283 = arith.muli %while3A_282, %while3A_281 : i32
      %while3A_284 = arith.addi %select_n3A_248, %while3A_283 : i32
      %while3A_285 = arith.constant 1 : i32
      %while3A_286:2 = scf.for %while3A_338 = %select_n3A_248 to %while3A_284 step %while3A_285 iter_args(%while3A_339 = %while3A, %while3A_340 = %while3A_278) -> (i32, i32)  : i32 {
        %mul3A_341 = arith.constant 16 : i32
        %mul3A_342 = arith.muli %while3A_338, %mul3A_341 : i32
        %add3A_343 = vector.broadcast %mul3A_342 : i32 to vector<16xi32>
        %add3A_344 = arith.addi %iota3A, %add3A_343 : vector<16xi32>
        %get3A = arith.index_cast %mul3A_342 : i32 to index
        %get3A_345 = tpu.vector_load %arg9[%get3A] {strides = array<i32>} : memref<2048xf32, #tpu.memory_space<vmem>>, vector<16xf32>,
        %get3A_346 = arith.index_cast %mul3A_342 : i32 to index
        %get3A_347 = tpu.vector_load %arg10[%get3A_346] {strides = array<i32>} : memref<2048xf32, #tpu.memory_space<vmem>>, vector<16xf32>,
        %get3A_348 = arith.index_cast %mul3A_342 : i32 to index
        %get3A_349 = tpu.vector_load %arg11[%get3A_348] {strides = array<i32>} : memref<2048xf32, #tpu.memory_space<vmem>>, vector<16xf32>,
        %get3A_350 = arith.index_cast %mul3A_342 : i32 to index
        %get3A_351 = tpu.vector_load %arg12[%get3A_350] {strides = array<i32>} : memref<2048xi32, #tpu.memory_space<vmem>>, vector<16xi32>,
        %sub3A_352 = arith.subf %get3A_345, %gather3A : vector<16xf32>
        %sub3A_353 = arith.subf %get3A_347, %gather3A_215 : vector<16xf32>
        %sub3A_354 = arith.subf %get3A_349, %gather3A_216 : vector<16xf32>
        %mul3A_355 = arith.mulf %sub3A_352, %sub3A_352 : vector<16xf32>
        %mul3A_356 = arith.mulf %sub3A_353, %sub3A_353 : vector<16xf32>
        %add3A_357 = arith.addf %mul3A_355, %mul3A_356 : vector<16xf32>
        %mul3A_358 = arith.mulf %sub3A_354, %sub3A_354 : vector<16xf32>
        %add3A_359 = arith.addf %add3A_357, %mul3A_358 : vector<16xf32>
        %eq3A_360 = arith.cmpi eq, %get3A_351, %gather3A_217 : vector<16xi32>
        %le3A = arith.constant 4.000000e-02 : f32
        %le3A_361 = vector.broadcast %le3A : f32 to vector<16xf32>
        %le3A_362 = arith.cmpf ole, %add3A_359, %le3A_361 : vector<16xf32>
        %and3A_363 = arith.andi %le3A_362, %eq3A_360 : vector<16xi1>
        %le3A_364 = arith.constant 1.600000e-01 : f32
        %le3A_365 = vector.broadcast %le3A_364 : f32 to vector<16xf32>
        %le3A_366 = arith.cmpf ole, %add3A_359, %le3A_365 : vector<16xf32>
        %and3A_367 = arith.andi %le3A_366, %eq3A_360 : vector<16xi1>
        %jit3A_368 = arith.constant 1 : i32
        %jit3A_369 = arith.constant 0 : i32
        %broadcast_in_dim3A_370 = vector.broadcast %jit3A_368 : i32 to vector<16xi32>
        %broadcast_in_dim3A_371 = vector.broadcast %jit3A_369 : i32 to vector<16xi32>
        %select_n3A_372 = arith.select %and3A_363, %broadcast_in_dim3A_370, %broadcast_in_dim3A_371 : vector<16xi1>, vector<16xi32>
        %jit3A_373 = arith.constant 65536 : i32
        %jit3A_374 = arith.constant 0 : i32
        %broadcast_in_dim3A_375 = vector.broadcast %jit3A_373 : i32 to vector<16xi32>
        %broadcast_in_dim3A_376 = vector.broadcast %jit3A_374 : i32 to vector<16xi32>
        %select_n3A_377 = arith.select %and3A_367, %broadcast_in_dim3A_375, %broadcast_in_dim3A_376 : vector<16xi1>, vector<16xi32>
        %add3A_378 = arith.addi %select_n3A_372, %select_n3A_377 : vector<16xi32>
        %broadcast_in_dim3A_379 = arith.constant true
        %broadcast_in_dim3A_380 = vector.broadcast %broadcast_in_dim3A_379 : i1 to vector<16xi1>
        %masked_cumsum3A = tpu.scan <sum>, %add3A_378 masked %broadcast_in_dim3A_380 : vector<16xi32>, vector<16xi1> -> vector<16xi32>
        %and3A_381 = arith.constant 65535 : i32
        %and3A_382 = vector.broadcast %and3A_381 : i32 to vector<16xi32>
        %and3A_383 = arith.andi %masked_cumsum3A, %and3A_382 : vector<16xi32>
        %shift_right_logical3A = arith.constant 16 : i32
        %shift_right_logical3A_384 = vector.broadcast %shift_right_logical3A : i32 to vector<16xi32>
        %shift_right_logical3A_385 = arith.shrui %masked_cumsum3A, %shift_right_logical3A_384 : vector<16xi32>
        %add3A_386 = vector.broadcast %while3A_339 : i32 to vector<16xi32>
        %add3A_387 = arith.addi %add3A_386, %and3A_383 : vector<16xi32>
        %sub3A_388 = arith.constant 1 : i32
        %sub3A_389 = vector.broadcast %sub3A_388 : i32 to vector<16xi32>
        %sub3A_390 = arith.subi %add3A_387, %sub3A_389 : vector<16xi32>
        %add3A_391 = vector.broadcast %while3A_340 : i32 to vector<16xi32>
        %add3A_392 = arith.addi %add3A_391, %shift_right_logical3A_385 : vector<16xi32>
        %sub3A_393 = arith.constant 1 : i32
        %sub3A_394 = vector.broadcast %sub3A_393 : i32 to vector<16xi32>
        %sub3A_395 = arith.subi %add3A_392, %sub3A_394 : vector<16xi32>
        %add3A_396 = arith.addi %broadcast_in_dim3A_277, %sub3A_390 : vector<16xi32>
        %lt3A_397 = arith.constant 64 : i32
        %lt3A_398 = vector.broadcast %lt3A_397 : i32 to vector<16xi32>
        %lt3A_399 = arith.cmpi slt, %sub3A_390, %lt3A_398 : vector<16xi32>
        %and3A_400 = arith.andi %and3A_363, %lt3A_399 : vector<16xi1>
        tpu.vector_store_idx %arg13[%add3A_396], %add3A_344 masked %and3A_400 : memref<4096xi32, #tpu.memory_space<vmem>>[vector<16xi32>], vector<16xi32>, vector<16xi1>
        %add3A_401 = arith.addi %broadcast_in_dim3A_277, %sub3A_395 : vector<16xi32>
        %lt3A_402 = arith.constant 64 : i32
        %lt3A_403 = vector.broadcast %lt3A_402 : i32 to vector<16xi32>
        %lt3A_404 = arith.cmpi slt, %sub3A_395, %lt3A_403 : vector<16xi32>
        %and3A_405 = arith.andi %and3A_367, %lt3A_404 : vector<16xi1>
        tpu.vector_store_idx %arg14[%add3A_401], %add3A_344 masked %and3A_405 : memref<4096xi32, #tpu.memory_space<vmem>>[vector<16xi32>], vector<16xi32>, vector<16xi1>
        %reduce_max3A_406 = arith.constant true
        %reduce_max3A_407 = vector.broadcast %reduce_max3A_406 : i1 to vector<16xi1>
        %reduce_max3A_408 = arith.constant -2147483648 : i32
        %reduce_max3A_409 = vector.broadcast %reduce_max3A_408 : i32 to vector<16xi32>
        %reduce_max3A_410 = arith.xori %masked_cumsum3A, %reduce_max3A_409 : vector<16xi32>
        %reduce_max3A_411 = tpu.scan <max>, %reduce_max3A_410 masked %reduce_max3A_407 : vector<16xi32>, vector<16xi1> -> vector<16xi32>
        %reduce_max3A_412 = arith.xori %reduce_max3A_411, %reduce_max3A_409 : vector<16xi32>
        %reduce_max3A_413 = vector.extract %reduce_max3A_412[15] : i32 from vector<16xi32>
        %and3A_414 = arith.constant 65535 : i32
        %and3A_415 = arith.andi %reduce_max3A_413, %and3A_414 : i32
        %add3A_416 = arith.addi %while3A_339, %and3A_415 : i32
        %shift_right_logical3A_417 = arith.constant 16 : i32
        %shift_right_logical3A_418 = arith.shrui %reduce_max3A_413, %shift_right_logical3A_417 : i32
        %add3A_419 = arith.addi %while3A_340, %shift_right_logical3A_418 : i32
        scf.yield %add3A_416, %add3A_419 : i32, i32
      }
      %while3A_287 = arith.constant 1 : i32
      %while3A_288:2 = scf.for %while3A_338 = %while3A_284 to %while3A_280 step %while3A_287 iter_args(%while3A_339 = %while3A_286#0, %while3A_340 = %while3A_286#1) -> (i32, i32)  : i32 {
        %mul3A_341 = arith.constant 16 : i32
        %mul3A_342 = arith.muli %while3A_338, %mul3A_341 : i32
        %add3A_343 = vector.broadcast %mul3A_342 : i32 to vector<16xi32>
        %add3A_344 = arith.addi %iota3A, %add3A_343 : vector<16xi32>
        %get3A = arith.index_cast %mul3A_342 : i32 to index
        %get3A_345 = tpu.vector_load %arg9[%get3A] {strides = array<i32>} : memref<2048xf32, #tpu.memory_space<vmem>>, vector<16xf32>,
        %get3A_346 = arith.index_cast %mul3A_342 : i32 to index
        %get3A_347 = tpu.vector_load %arg10[%get3A_346] {strides = array<i32>} : memref<2048xf32, #tpu.memory_space<vmem>>, vector<16xf32>,
        %get3A_348 = arith.index_cast %mul3A_342 : i32 to index
        %get3A_349 = tpu.vector_load %arg11[%get3A_348] {strides = array<i32>} : memref<2048xf32, #tpu.memory_space<vmem>>, vector<16xf32>,
        %get3A_350 = arith.index_cast %mul3A_342 : i32 to index
        %get3A_351 = tpu.vector_load %arg12[%get3A_350] {strides = array<i32>} : memref<2048xi32, #tpu.memory_space<vmem>>, vector<16xi32>,
        %sub3A_352 = arith.subf %get3A_345, %gather3A : vector<16xf32>
        %sub3A_353 = arith.subf %get3A_347, %gather3A_215 : vector<16xf32>
        %sub3A_354 = arith.subf %get3A_349, %gather3A_216 : vector<16xf32>
        %mul3A_355 = arith.mulf %sub3A_352, %sub3A_352 : vector<16xf32>
        %mul3A_356 = arith.mulf %sub3A_353, %sub3A_353 : vector<16xf32>
        %add3A_357 = arith.addf %mul3A_355, %mul3A_356 : vector<16xf32>
        %mul3A_358 = arith.mulf %sub3A_354, %sub3A_354 : vector<16xf32>
        %add3A_359 = arith.addf %add3A_357, %mul3A_358 : vector<16xf32>
        %eq3A_360 = arith.cmpi eq, %get3A_351, %gather3A_217 : vector<16xi32>
        %le3A = arith.constant 4.000000e-02 : f32
        %le3A_361 = vector.broadcast %le3A : f32 to vector<16xf32>
        %le3A_362 = arith.cmpf ole, %add3A_359, %le3A_361 : vector<16xf32>
        %and3A_363 = arith.andi %le3A_362, %eq3A_360 : vector<16xi1>
        %le3A_364 = arith.constant 1.600000e-01 : f32
        %le3A_365 = vector.broadcast %le3A_364 : f32 to vector<16xf32>
        %le3A_366 = arith.cmpf ole, %add3A_359, %le3A_365 : vector<16xf32>
        %and3A_367 = arith.andi %le3A_366, %eq3A_360 : vector<16xi1>
        %jit3A_368 = arith.constant 1 : i32
        %jit3A_369 = arith.constant 0 : i32
        %broadcast_in_dim3A_370 = vector.broadcast %jit3A_368 : i32 to vector<16xi32>
        %broadcast_in_dim3A_371 = vector.broadcast %jit3A_369 : i32 to vector<16xi32>
        %select_n3A_372 = arith.select %and3A_363, %broadcast_in_dim3A_370, %broadcast_in_dim3A_371 : vector<16xi1>, vector<16xi32>
        %jit3A_373 = arith.constant 65536 : i32
        %jit3A_374 = arith.constant 0 : i32
        %broadcast_in_dim3A_375 = vector.broadcast %jit3A_373 : i32 to vector<16xi32>
        %broadcast_in_dim3A_376 = vector.broadcast %jit3A_374 : i32 to vector<16xi32>
        %select_n3A_377 = arith.select %and3A_367, %broadcast_in_dim3A_375, %broadcast_in_dim3A_376 : vector<16xi1>, vector<16xi32>
        %add3A_378 = arith.addi %select_n3A_372, %select_n3A_377 : vector<16xi32>
        %broadcast_in_dim3A_379 = arith.constant true
        %broadcast_in_dim3A_380 = vector.broadcast %broadcast_in_dim3A_379 : i1 to vector<16xi1>
        %masked_cumsum3A = tpu.scan <sum>, %add3A_378 masked %broadcast_in_dim3A_380 : vector<16xi32>, vector<16xi1> -> vector<16xi32>
        %and3A_381 = arith.constant 65535 : i32
        %and3A_382 = vector.broadcast %and3A_381 : i32 to vector<16xi32>
        %and3A_383 = arith.andi %masked_cumsum3A, %and3A_382 : vector<16xi32>
        %shift_right_logical3A = arith.constant 16 : i32
        %shift_right_logical3A_384 = vector.broadcast %shift_right_logical3A : i32 to vector<16xi32>
        %shift_right_logical3A_385 = arith.shrui %masked_cumsum3A, %shift_right_logical3A_384 : vector<16xi32>
        %add3A_386 = vector.broadcast %while3A_339 : i32 to vector<16xi32>
        %add3A_387 = arith.addi %add3A_386, %and3A_383 : vector<16xi32>
        %sub3A_388 = arith.constant 1 : i32
        %sub3A_389 = vector.broadcast %sub3A_388 : i32 to vector<16xi32>
        %sub3A_390 = arith.subi %add3A_387, %sub3A_389 : vector<16xi32>
        %add3A_391 = vector.broadcast %while3A_340 : i32 to vector<16xi32>
        %add3A_392 = arith.addi %add3A_391, %shift_right_logical3A_385 : vector<16xi32>
        %sub3A_393 = arith.constant 1 : i32
        %sub3A_394 = vector.broadcast %sub3A_393 : i32 to vector<16xi32>
        %sub3A_395 = arith.subi %add3A_392, %sub3A_394 : vector<16xi32>
        %add3A_396 = arith.addi %broadcast_in_dim3A_277, %sub3A_390 : vector<16xi32>
        %lt3A_397 = arith.constant 64 : i32
        %lt3A_398 = vector.broadcast %lt3A_397 : i32 to vector<16xi32>
        %lt3A_399 = arith.cmpi slt, %sub3A_390, %lt3A_398 : vector<16xi32>
        %and3A_400 = arith.andi %and3A_363, %lt3A_399 : vector<16xi1>
        tpu.vector_store_idx %arg13[%add3A_396], %add3A_344 masked %and3A_400 : memref<4096xi32, #tpu.memory_space<vmem>>[vector<16xi32>], vector<16xi32>, vector<16xi1>
        %add3A_401 = arith.addi %broadcast_in_dim3A_277, %sub3A_395 : vector<16xi32>
        %lt3A_402 = arith.constant 64 : i32
        %lt3A_403 = vector.broadcast %lt3A_402 : i32 to vector<16xi32>
        %lt3A_404 = arith.cmpi slt, %sub3A_395, %lt3A_403 : vector<16xi32>
        %and3A_405 = arith.andi %and3A_367, %lt3A_404 : vector<16xi1>
        tpu.vector_store_idx %arg14[%add3A_401], %add3A_344 masked %and3A_405 : memref<4096xi32, #tpu.memory_space<vmem>>[vector<16xi32>], vector<16xi32>, vector<16xi1>
        %reduce_max3A_406 = arith.constant true
        %reduce_max3A_407 = vector.broadcast %reduce_max3A_406 : i1 to vector<16xi1>
        %reduce_max3A_408 = arith.constant -2147483648 : i32
        %reduce_max3A_409 = vector.broadcast %reduce_max3A_408 : i32 to vector<16xi32>
        %reduce_max3A_410 = arith.xori %masked_cumsum3A, %reduce_max3A_409 : vector<16xi32>
        %reduce_max3A_411 = tpu.scan <max>, %reduce_max3A_410 masked %reduce_max3A_407 : vector<16xi32>, vector<16xi1> -> vector<16xi32>
        %reduce_max3A_412 = arith.xori %reduce_max3A_411, %reduce_max3A_409 : vector<16xi32>
        %reduce_max3A_413 = vector.extract %reduce_max3A_412[15] : i32 from vector<16xi32>
        %and3A_414 = arith.constant 65535 : i32
        %and3A_415 = arith.andi %reduce_max3A_413, %and3A_414 : i32
        %add3A_416 = arith.addi %while3A_339, %and3A_415 : i32
        %shift_right_logical3A_417 = arith.constant 16 : i32
        %shift_right_logical3A_418 = arith.shrui %reduce_max3A_413, %shift_right_logical3A_417 : i32
        %add3A_419 = arith.addi %while3A_340, %shift_right_logical3A_418 : i32
        scf.yield %add3A_416, %add3A_419 : i32, i32
      }
      %gather3A_289 = tpu.vector_load_idx %arg13[%broadcast_in_dim3A_277] : memref<4096xi32, #tpu.memory_space<vmem>>[vector<16xi32>], vector<16xi32>,
      %gather3A_290 = tpu.vector_load_idx %arg14[%broadcast_in_dim3A_277] : memref<4096xi32, #tpu.memory_space<vmem>>[vector<16xi32>], vector<16xi32>,
      %add3A_291 = arith.constant 0 : i32
      %add3A_292 = vector.broadcast %add3A_291 : i32 to vector<16xi32>
      %add3A_293 = arith.addi %iota3A, %add3A_292 : vector<16xi32>
      %add3A_294 = arith.addi %broadcast_in_dim3A_277, %add3A_293 : vector<16xi32>
      %gather3A_295 = tpu.vector_load_idx %arg13[%add3A_294] : memref<4096xi32, #tpu.memory_space<vmem>>[vector<16xi32>], vector<16xi32>,
      %gather3A_296 = tpu.vector_load_idx %arg14[%add3A_294] : memref<4096xi32, #tpu.memory_space<vmem>>[vector<16xi32>], vector<16xi32>,
      %lt3A = vector.broadcast %while3A_288#0 : i32 to vector<16xi32>
      %lt3A_297 = arith.cmpi slt, %add3A_293, %lt3A : vector<16xi32>
      %select_n3A_298 = arith.select %lt3A_297, %gather3A_295, %gather3A_289 : vector<16xi1>, vector<16xi32>
      tpu.vector_store_idx %arg13[%add3A_294], %select_n3A_298 : memref<4096xi32, #tpu.memory_space<vmem>>[vector<16xi32>], vector<16xi32>,
      %lt3A_299 = vector.broadcast %while3A_288#1 : i32 to vector<16xi32>
      %lt3A_300 = arith.cmpi slt, %add3A_293, %lt3A_299 : vector<16xi32>
      %select_n3A_301 = arith.select %lt3A_300, %gather3A_296, %gather3A_290 : vector<16xi1>, vector<16xi32>
      tpu.vector_store_idx %arg14[%add3A_294], %select_n3A_301 : memref<4096xi32, #tpu.memory_space<vmem>>[vector<16xi32>], vector<16xi32>,
      %add3A_302 = arith.constant 16 : i32
      %add3A_303 = vector.broadcast %add3A_302 : i32 to vector<16xi32>
      %add3A_304 = arith.addi %iota3A, %add3A_303 : vector<16xi32>
      %add3A_305 = arith.addi %broadcast_in_dim3A_277, %add3A_304 : vector<16xi32>
      %gather3A_306 = tpu.vector_load_idx %arg13[%add3A_305] : memref<4096xi32, #tpu.memory_space<vmem>>[vector<16xi32>], vector<16xi32>,
      %gather3A_307 = tpu.vector_load_idx %arg14[%add3A_305] : memref<4096xi32, #tpu.memory_space<vmem>>[vector<16xi32>], vector<16xi32>,
      %lt3A_308 = vector.broadcast %while3A_288#0 : i32 to vector<16xi32>
      %lt3A_309 = arith.cmpi slt, %add3A_304, %lt3A_308 : vector<16xi32>
      %select_n3A_310 = arith.select %lt3A_309, %gather3A_306, %gather3A_289 : vector<16xi1>, vector<16xi32>
      tpu.vector_store_idx %arg13[%add3A_305], %select_n3A_310 : memref<4096xi32, #tpu.memory_space<vmem>>[vector<16xi32>], vector<16xi32>,
      %lt3A_311 = vector.broadcast %while3A_288#1 : i32 to vector<16xi32>
      %lt3A_312 = arith.cmpi slt, %add3A_304, %lt3A_311 : vector<16xi32>
      %select_n3A_313 = arith.select %lt3A_312, %gather3A_307, %gather3A_290 : vector<16xi1>, vector<16xi32>
      tpu.vector_store_idx %arg14[%add3A_305], %select_n3A_313 : memref<4096xi32, #tpu.memory_space<vmem>>[vector<16xi32>], vector<16xi32>,
      %add3A_314 = arith.constant 32 : i32
      %add3A_315 = vector.broadcast %add3A_314 : i32 to vector<16xi32>
      %add3A_316 = arith.addi %iota3A, %add3A_315 : vector<16xi32>
      %add3A_317 = arith.addi %broadcast_in_dim3A_277, %add3A_316 : vector<16xi32>
      %gather3A_318 = tpu.vector_load_idx %arg13[%add3A_317] : memref<4096xi32, #tpu.memory_space<vmem>>[vector<16xi32>], vector<16xi32>,
      %gather3A_319 = tpu.vector_load_idx %arg14[%add3A_317] : memref<4096xi32, #tpu.memory_space<vmem>>[vector<16xi32>], vector<16xi32>,
      %lt3A_320 = vector.broadcast %while3A_288#0 : i32 to vector<16xi32>
      %lt3A_321 = arith.cmpi slt, %add3A_316, %lt3A_320 : vector<16xi32>
      %select_n3A_322 = arith.select %lt3A_321, %gather3A_318, %gather3A_289 : vector<16xi1>, vector<16xi32>
      tpu.vector_store_idx %arg13[%add3A_317], %select_n3A_322 : memref<4096xi32, #tpu.memory_space<vmem>>[vector<16xi32>], vector<16xi32>,
      %lt3A_323 = vector.broadcast %while3A_288#1 : i32 to vector<16xi32>
      %lt3A_324 = arith.cmpi slt, %add3A_316, %lt3A_323 : vector<16xi32>
      %select_n3A_325 = arith.select %lt3A_324, %gather3A_319, %gather3A_290 : vector<16xi1>, vector<16xi32>
      tpu.vector_store_idx %arg14[%add3A_317], %select_n3A_325 : memref<4096xi32, #tpu.memory_space<vmem>>[vector<16xi32>], vector<16xi32>,
      %add3A_326 = arith.constant 48 : i32
      %add3A_327 = vector.broadcast %add3A_326 : i32 to vector<16xi32>
      %add3A_328 = arith.addi %iota3A, %add3A_327 : vector<16xi32>
      %add3A_329 = arith.addi %broadcast_in_dim3A_277, %add3A_328 : vector<16xi32>
      %gather3A_330 = tpu.vector_load_idx %arg13[%add3A_329] : memref<4096xi32, #tpu.memory_space<vmem>>[vector<16xi32>], vector<16xi32>,
      %gather3A_331 = tpu.vector_load_idx %arg14[%add3A_329] : memref<4096xi32, #tpu.memory_space<vmem>>[vector<16xi32>], vector<16xi32>,
      %lt3A_332 = vector.broadcast %while3A_288#0 : i32 to vector<16xi32>
      %lt3A_333 = arith.cmpi slt, %add3A_328, %lt3A_332 : vector<16xi32>
      %select_n3A_334 = arith.select %lt3A_333, %gather3A_330, %gather3A_289 : vector<16xi1>, vector<16xi32>
      tpu.vector_store_idx %arg13[%add3A_329], %select_n3A_334 : memref<4096xi32, #tpu.memory_space<vmem>>[vector<16xi32>], vector<16xi32>,
      %lt3A_335 = vector.broadcast %while3A_288#1 : i32 to vector<16xi32>
      %lt3A_336 = arith.cmpi slt, %add3A_328, %lt3A_335 : vector<16xi32>
      %select_n3A_337 = arith.select %lt3A_336, %gather3A_331, %gather3A_290 : vector<16xi1>, vector<16xi32>
      tpu.vector_store_idx %arg14[%add3A_329], %select_n3A_337 : memref<4096xi32, #tpu.memory_space<vmem>>[vector<16xi32>], vector<16xi32>,
    }
    %scan3A_17 = arith.constant 64 : i32
    %mul3A_18 = arith.constant 64 : i32
    %mul3A_19 = arith.muli %mul3A_2, %mul3A_18 : i32
    "tpu.region"() ({
      %run_scoped3A = tpu.sem_alloc : memref<!tpu.dma_semaphore, #tpu.memory_space<semaphore_mem>>
      %dma_start3A_212 = tpu.memref_slice %arg8[%mul3A_19] : memref<131072xi32, #tpu.memory_space<hbm>> -> memref<4096xi32, #tpu.memory_space<hbm>>
      %dma_start3A_213 = tpu.memref_slice %arg8[%mul3A_19] : memref<131072xi32, #tpu.memory_space<hbm>> -> memref<4096xi32, #tpu.memory_space<hbm>>
      tpu.enqueue_dma source(%arg14 : memref<4096xi32, #tpu.memory_space<vmem>>) target(%dma_start3A_213 : memref<4096xi32, #tpu.memory_space<hbm>>) target_semaphore(%run_scoped3A : memref<!tpu.dma_semaphore, #tpu.memory_space<semaphore_mem>>)
      %dma_wait3A_214 = tpu.memref_slice %arg8[%mul3A_19] : memref<131072xi32, #tpu.memory_space<hbm>> -> memref<4096xi32, #tpu.memory_space<hbm>>
      %dma_wait3A_215 = tpu.memref_slice %arg8[%mul3A_19] : memref<131072xi32, #tpu.memory_space<hbm>> -> memref<4096xi32, #tpu.memory_space<hbm>>
      tpu.wait_dma2 semaphore(%run_scoped3A : memref<!tpu.dma_semaphore, #tpu.memory_space<semaphore_mem>>) src(%arg14 : memref<4096xi32, #tpu.memory_space<vmem>>) dst(%dma_wait3A_215 : memref<4096xi32, #tpu.memory_space<hbm>>)
      tpu.yield
    }) : () -> ()
    %mul3A_20 = arith.constant 64 : i32
    %mul3A_21 = arith.muli %mul3A_2, %mul3A_20 : i32
    %dma_start3A = arith.constant 0 : i32
    %dma_start3A_22 = tpu.memref_slice %arg13[%dma_start3A] : memref<4096xi32, #tpu.memory_space<vmem>> -> memref<256xi32, #tpu.memory_space<vmem>>
    %dma_start3A_23 = arith.constant 0 : i32
    %dma_start3A_24 = arith.constant 0 : i32
    %dma_start3A_25 = tpu.memref_slice %arg17[%dma_start3A_23, %dma_start3A_24] : memref<2048x128xf32, #tpu.memory_space<vmem_shared>> -> memref<2048x128xf32, #tpu.memory_space<vmem_shared>>
    tpu.enqueue_indirect_dma source(%dma_start3A_25 : memref<2048x128xf32, #tpu.memory_space<vmem_shared>>) target(%arg15 : memref<256x128xf32, #tpu.memory_space<vmem>>) offsets(%dma_start3A_22 : memref<256xi32, #tpu.memory_space<vmem>>) semaphore(%arg18 : memref<!tpu.dma_semaphore, #tpu.memory_space<semaphore_mem>>)
    %dma_start3A_26 = arith.constant 256 : i32
    %dma_start3A_27 = tpu.memref_slice %arg13[%dma_start3A_26] : memref<4096xi32, #tpu.memory_space<vmem>> -> memref<256xi32, #tpu.memory_space<vmem>>
    %dma_start3A_28 = arith.constant 0 : i32
    %dma_start3A_29 = arith.constant 0 : i32
    %dma_start3A_30 = tpu.memref_slice %arg17[%dma_start3A_28, %dma_start3A_29] : memref<2048x128xf32, #tpu.memory_space<vmem_shared>> -> memref<2048x128xf32, #tpu.memory_space<vmem_shared>>
    tpu.enqueue_indirect_dma source(%dma_start3A_30 : memref<2048x128xf32, #tpu.memory_space<vmem_shared>>) target(%arg16 : memref<256x128xf32, #tpu.memory_space<vmem>>) offsets(%dma_start3A_27 : memref<256xi32, #tpu.memory_space<vmem>>) semaphore(%arg19 : memref<!tpu.dma_semaphore, #tpu.memory_space<semaphore_mem>>)
    %dma_wait3A = arith.constant 0 : i32
    %dma_wait3A_31 = tpu.memref_slice %arg13[%dma_wait3A] : memref<4096xi32, #tpu.memory_space<vmem>> -> memref<256xi32, #tpu.memory_space<vmem>>
    %dma_wait3A_32 = arith.constant 0 : i32
    %dma_wait3A_33 = arith.constant 0 : i32
    %dma_wait3A_34 = tpu.memref_slice %arg17[%dma_wait3A_32, %dma_wait3A_33] : memref<2048x128xf32, #tpu.memory_space<vmem_shared>> -> memref<2048x128xf32, #tpu.memory_space<vmem_shared>>
    tpu.wait_indirect_dma semaphore(%arg18 : memref<!tpu.dma_semaphore, #tpu.memory_space<semaphore_mem>>) src(%dma_wait3A_34 : memref<2048x128xf32, #tpu.memory_space<vmem_shared>>) dst(%arg15 : memref<256x128xf32, #tpu.memory_space<vmem>>)
    %add3A_35 = arith.constant 0 : i32
    %add3A_36 = arith.addi %mul3A_21, %add3A_35 : i32
    "tpu.region"() ({
      %run_scoped3A = tpu.sem_alloc : memref<!tpu.dma_semaphore, #tpu.memory_space<semaphore_mem>>
      %dma_start3A_212 = arith.constant 0 : i32
      %dma_start3A_213 = tpu.memref_slice %arg7[%add3A_36, %dma_start3A_212] : memref<131072x128xf32, #tpu.memory_space<hbm>> -> memref<256x128xf32, #tpu.memory_space<hbm>>
      %dma_start3A_214 = arith.constant 0 : i32
      %dma_start3A_215 = tpu.memref_slice %arg7[%add3A_36, %dma_start3A_214] : memref<131072x128xf32, #tpu.memory_space<hbm>> -> memref<256x128xf32, #tpu.memory_space<hbm>>
      tpu.enqueue_dma source(%arg15 : memref<256x128xf32, #tpu.memory_space<vmem>>) target(%dma_start3A_215 : memref<256x128xf32, #tpu.memory_space<hbm>>) target_semaphore(%run_scoped3A : memref<!tpu.dma_semaphore, #tpu.memory_space<semaphore_mem>>)
      %dma_wait3A_216 = arith.constant 0 : i32
      %dma_wait3A_217 = tpu.memref_slice %arg7[%add3A_36, %dma_wait3A_216] : memref<131072x128xf32, #tpu.memory_space<hbm>> -> memref<256x128xf32, #tpu.memory_space<hbm>>
      %dma_wait3A_218 = arith.constant 0 : i32
      %dma_wait3A_219 = tpu.memref_slice %arg7[%add3A_36, %dma_wait3A_218] : memref<131072x128xf32, #tpu.memory_space<hbm>> -> memref<256x128xf32, #tpu.memory_space<hbm>>
      tpu.wait_dma2 semaphore(%run_scoped3A : memref<!tpu.dma_semaphore, #tpu.memory_space<semaphore_mem>>) src(%arg15 : memref<256x128xf32, #tpu.memory_space<vmem>>) dst(%dma_wait3A_219 : memref<256x128xf32, #tpu.memory_space<hbm>>)
      tpu.yield
    }) : () -> ()
    %dma_start3A_37 = arith.constant 512 : i32
    %dma_start3A_38 = tpu.memref_slice %arg13[%dma_start3A_37] : memref<4096xi32, #tpu.memory_space<vmem>> -> memref<256xi32, #tpu.memory_space<vmem>>
    %dma_start3A_39 = arith.constant 0 : i32
    %dma_start3A_40 = arith.constant 0 : i32
    %dma_start3A_41 = tpu.memref_slice %arg17[%dma_start3A_39, %dma_start3A_40] : memref<2048x128xf32, #tpu.memory_space<vmem_shared>> -> memref<2048x128xf32, #tpu.memory_space<vmem_shared>>
    tpu.enqueue_indirect_dma source(%dma_start3A_41 : memref<2048x128xf32, #tpu.memory_space<vmem_shared>>) target(%arg15 : memref<256x128xf32, #tpu.memory_space<vmem>>) offsets(%dma_start3A_38 : memref<256xi32, #tpu.memory_space<vmem>>) semaphore(%arg18 : memref<!tpu.dma_semaphore, #tpu.memory_space<semaphore_mem>>)
    %dma_wait3A_42 = arith.constant 256 : i32
    %dma_wait3A_43 = tpu.memref_slice %arg13[%dma_wait3A_42] : memref<4096xi32, #tpu.memory_space<vmem>> -> memref<256xi32, #tpu.memory_space<vmem>>
    %dma_wait3A_44 = arith.constant 0 : i32
    %dma_wait3A_45 = arith.constant 0 : i32
    %dma_wait3A_46 = tpu.memref_slice %arg17[%dma_wait3A_44, %dma_wait3A_45] : memref<2048x128xf32, #tpu.memory_space<vmem_shared>> -> memref<2048x128xf32, #tpu.memory_space<vmem_shared>>
    tpu.wait_indirect_dma semaphore(%arg19 : memref<!tpu.dma_semaphore, #tpu.memory_space<semaphore_mem>>) src(%dma_wait3A_46 : memref<2048x128xf32, #tpu.memory_space<vmem_shared>>) dst(%arg16 : memref<256x128xf32, #tpu.memory_space<vmem>>)
    %add3A_47 = arith.constant 256 : i32
    %add3A_48 = arith.addi %mul3A_21, %add3A_47 : i32
    "tpu.region"() ({
      %run_scoped3A = tpu.sem_alloc : memref<!tpu.dma_semaphore, #tpu.memory_space<semaphore_mem>>
      %dma_start3A_212 = arith.constant 0 : i32
      %dma_start3A_213 = tpu.memref_slice %arg7[%add3A_48, %dma_start3A_212] : memref<131072x128xf32, #tpu.memory_space<hbm>> -> memref<256x128xf32, #tpu.memory_space<hbm>>
      %dma_start3A_214 = arith.constant 0 : i32
      %dma_start3A_215 = tpu.memref_slice %arg7[%add3A_48, %dma_start3A_214] : memref<131072x128xf32, #tpu.memory_space<hbm>> -> memref<256x128xf32, #tpu.memory_space<hbm>>
      tpu.enqueue_dma source(%arg16 : memref<256x128xf32, #tpu.memory_space<vmem>>) target(%dma_start3A_215 : memref<256x128xf32, #tpu.memory_space<hbm>>) target_semaphore(%run_scoped3A : memref<!tpu.dma_semaphore, #tpu.memory_space<semaphore_mem>>)
      %dma_wait3A_216 = arith.constant 0 : i32
      %dma_wait3A_217 = tpu.memref_slice %arg7[%add3A_48, %dma_wait3A_216] : memref<131072x128xf32, #tpu.memory_space<hbm>> -> memref<256x128xf32, #tpu.memory_space<hbm>>
      %dma_wait3A_218 = arith.constant 0 : i32
      %dma_wait3A_219 = tpu.memref_slice %arg7[%add3A_48, %dma_wait3A_218] : memref<131072x128xf32, #tpu.memory_space<hbm>> -> memref<256x128xf32, #tpu.memory_space<hbm>>
      tpu.wait_dma2 semaphore(%run_scoped3A : memref<!tpu.dma_semaphore, #tpu.memory_space<semaphore_mem>>) src(%arg16 : memref<256x128xf32, #tpu.memory_space<vmem>>) dst(%dma_wait3A_219 : memref<256x128xf32, #tpu.memory_space<hbm>>)
      tpu.yield
    }) : () -> ()
    %dma_start3A_49 = arith.constant 768 : i32
    %dma_start3A_50 = tpu.memref_slice %arg13[%dma_start3A_49] : memref<4096xi32, #tpu.memory_space<vmem>> -> memref<256xi32, #tpu.memory_space<vmem>>
    %dma_start3A_51 = arith.constant 0 : i32
    %dma_start3A_52 = arith.constant 0 : i32
    %dma_start3A_53 = tpu.memref_slice %arg17[%dma_start3A_51, %dma_start3A_52] : memref<2048x128xf32, #tpu.memory_space<vmem_shared>> -> memref<2048x128xf32, #tpu.memory_space<vmem_shared>>
    tpu.enqueue_indirect_dma source(%dma_start3A_53 : memref<2048x128xf32, #tpu.memory_space<vmem_shared>>) target(%arg16 : memref<256x128xf32, #tpu.memory_space<vmem>>) offsets(%dma_start3A_50 : memref<256xi32, #tpu.memory_space<vmem>>) semaphore(%arg19 : memref<!tpu.dma_semaphore, #tpu.memory_space<semaphore_mem>>)
    %dma_wait3A_54 = arith.constant 512 : i32
    %dma_wait3A_55 = tpu.memref_slice %arg13[%dma_wait3A_54] : memref<4096xi32, #tpu.memory_space<vmem>> -> memref<256xi32, #tpu.memory_space<vmem>>
    %dma_wait3A_56 = arith.constant 0 : i32
    %dma_wait3A_57 = arith.constant 0 : i32
    %dma_wait3A_58 = tpu.memref_slice %arg17[%dma_wait3A_56, %dma_wait3A_57] : memref<2048x128xf32, #tpu.memory_space<vmem_shared>> -> memref<2048x128xf32, #tpu.memory_space<vmem_shared>>
    tpu.wait_indirect_dma semaphore(%arg18 : memref<!tpu.dma_semaphore, #tpu.memory_space<semaphore_mem>>) src(%dma_wait3A_58 : memref<2048x128xf32, #tpu.memory_space<vmem_shared>>) dst(%arg15 : memref<256x128xf32, #tpu.memory_space<vmem>>)
    %add3A_59 = arith.constant 512 : i32
    %add3A_60 = arith.addi %mul3A_21, %add3A_59 : i32
    "tpu.region"() ({
      %run_scoped3A = tpu.sem_alloc : memref<!tpu.dma_semaphore, #tpu.memory_space<semaphore_mem>>
      %dma_start3A_212 = arith.constant 0 : i32
      %dma_start3A_213 = tpu.memref_slice %arg7[%add3A_60, %dma_start3A_212] : memref<131072x128xf32, #tpu.memory_space<hbm>> -> memref<256x128xf32, #tpu.memory_space<hbm>>
      %dma_start3A_214 = arith.constant 0 : i32
      %dma_start3A_215 = tpu.memref_slice %arg7[%add3A_60, %dma_start3A_214] : memref<131072x128xf32, #tpu.memory_space<hbm>> -> memref<256x128xf32, #tpu.memory_space<hbm>>
      tpu.enqueue_dma source(%arg15 : memref<256x128xf32, #tpu.memory_space<vmem>>) target(%dma_start3A_215 : memref<256x128xf32, #tpu.memory_space<hbm>>) target_semaphore(%run_scoped3A : memref<!tpu.dma_semaphore, #tpu.memory_space<semaphore_mem>>)
      %dma_wait3A_216 = arith.constant 0 : i32
      %dma_wait3A_217 = tpu.memref_slice %arg7[%add3A_60, %dma_wait3A_216] : memref<131072x128xf32, #tpu.memory_space<hbm>> -> memref<256x128xf32, #tpu.memory_space<hbm>>
      %dma_wait3A_218 = arith.constant 0 : i32
      %dma_wait3A_219 = tpu.memref_slice %arg7[%add3A_60, %dma_wait3A_218] : memref<131072x128xf32, #tpu.memory_space<hbm>> -> memref<256x128xf32, #tpu.memory_space<hbm>>
      tpu.wait_dma2 semaphore(%run_scoped3A : memref<!tpu.dma_semaphore, #tpu.memory_space<semaphore_mem>>) src(%arg15 : memref<256x128xf32, #tpu.memory_space<vmem>>) dst(%dma_wait3A_219 : memref<256x128xf32, #tpu.memory_space<hbm>>)
      tpu.yield
    }) : () -> ()
    %dma_start3A_61 = arith.constant 1024 : i32
    %dma_start3A_62 = tpu.memref_slice %arg13[%dma_start3A_61] : memref<4096xi32, #tpu.memory_space<vmem>> -> memref<256xi32, #tpu.memory_space<vmem>>
    %dma_start3A_63 = arith.constant 0 : i32
    %dma_start3A_64 = arith.constant 0 : i32
    %dma_start3A_65 = tpu.memref_slice %arg17[%dma_start3A_63, %dma_start3A_64] : memref<2048x128xf32, #tpu.memory_space<vmem_shared>> -> memref<2048x128xf32, #tpu.memory_space<vmem_shared>>
    tpu.enqueue_indirect_dma source(%dma_start3A_65 : memref<2048x128xf32, #tpu.memory_space<vmem_shared>>) target(%arg15 : memref<256x128xf32, #tpu.memory_space<vmem>>) offsets(%dma_start3A_62 : memref<256xi32, #tpu.memory_space<vmem>>) semaphore(%arg18 : memref<!tpu.dma_semaphore, #tpu.memory_space<semaphore_mem>>)
    %dma_wait3A_66 = arith.constant 768 : i32
    %dma_wait3A_67 = tpu.memref_slice %arg13[%dma_wait3A_66] : memref<4096xi32, #tpu.memory_space<vmem>> -> memref<256xi32, #tpu.memory_space<vmem>>
    %dma_wait3A_68 = arith.constant 0 : i32
    %dma_wait3A_69 = arith.constant 0 : i32
    %dma_wait3A_70 = tpu.memref_slice %arg17[%dma_wait3A_68, %dma_wait3A_69] : memref<2048x128xf32, #tpu.memory_space<vmem_shared>> -> memref<2048x128xf32, #tpu.memory_space<vmem_shared>>
    tpu.wait_indirect_dma semaphore(%arg19 : memref<!tpu.dma_semaphore, #tpu.memory_space<semaphore_mem>>) src(%dma_wait3A_70 : memref<2048x128xf32, #tpu.memory_space<vmem_shared>>) dst(%arg16 : memref<256x128xf32, #tpu.memory_space<vmem>>)
    %add3A_71 = arith.constant 768 : i32
    %add3A_72 = arith.addi %mul3A_21, %add3A_71 : i32
    "tpu.region"() ({
      %run_scoped3A = tpu.sem_alloc : memref<!tpu.dma_semaphore, #tpu.memory_space<semaphore_mem>>
      %dma_start3A_212 = arith.constant 0 : i32
      %dma_start3A_213 = tpu.memref_slice %arg7[%add3A_72, %dma_start3A_212] : memref<131072x128xf32, #tpu.memory_space<hbm>> -> memref<256x128xf32, #tpu.memory_space<hbm>>
      %dma_start3A_214 = arith.constant 0 : i32
      %dma_start3A_215 = tpu.memref_slice %arg7[%add3A_72, %dma_start3A_214] : memref<131072x128xf32, #tpu.memory_space<hbm>> -> memref<256x128xf32, #tpu.memory_space<hbm>>
      tpu.enqueue_dma source(%arg16 : memref<256x128xf32, #tpu.memory_space<vmem>>) target(%dma_start3A_215 : memref<256x128xf32, #tpu.memory_space<hbm>>) target_semaphore(%run_scoped3A : memref<!tpu.dma_semaphore, #tpu.memory_space<semaphore_mem>>)
      %dma_wait3A_216 = arith.constant 0 : i32
      %dma_wait3A_217 = tpu.memref_slice %arg7[%add3A_72, %dma_wait3A_216] : memref<131072x128xf32, #tpu.memory_space<hbm>> -> memref<256x128xf32, #tpu.memory_space<hbm>>
      %dma_wait3A_218 = arith.constant 0 : i32
      %dma_wait3A_219 = tpu.memref_slice %arg7[%add3A_72, %dma_wait3A_218] : memref<131072x128xf32, #tpu.memory_space<hbm>> -> memref<256x128xf32, #tpu.memory_space<hbm>>
      tpu.wait_dma2 semaphore(%run_scoped3A : memref<!tpu.dma_semaphore, #tpu.memory_space<semaphore_mem>>) src(%arg16 : memref<256x128xf32, #tpu.memory_space<vmem>>) dst(%dma_wait3A_219 : memref<256x128xf32, #tpu.memory_space<hbm>>)
      tpu.yield
    }) : () -> ()
    %dma_start3A_73 = arith.constant 1280 : i32
    %dma_start3A_74 = tpu.memref_slice %arg13[%dma_start3A_73] : memref<4096xi32, #tpu.memory_space<vmem>> -> memref<256xi32, #tpu.memory_space<vmem>>
    %dma_start3A_75 = arith.constant 0 : i32
    %dma_start3A_76 = arith.constant 0 : i32
    %dma_start3A_77 = tpu.memref_slice %arg17[%dma_start3A_75, %dma_start3A_76] : memref<2048x128xf32, #tpu.memory_space<vmem_shared>> -> memref<2048x128xf32, #tpu.memory_space<vmem_shared>>
    tpu.enqueue_indirect_dma source(%dma_start3A_77 : memref<2048x128xf32, #tpu.memory_space<vmem_shared>>) target(%arg16 : memref<256x128xf32, #tpu.memory_space<vmem>>) offsets(%dma_start3A_74 : memref<256xi32, #tpu.memory_space<vmem>>) semaphore(%arg19 : memref<!tpu.dma_semaphore, #tpu.memory_space<semaphore_mem>>)
    %dma_wait3A_78 = arith.constant 1024 : i32
    %dma_wait3A_79 = tpu.memref_slice %arg13[%dma_wait3A_78] : memref<4096xi32, #tpu.memory_space<vmem>> -> memref<256xi32, #tpu.memory_space<vmem>>
    %dma_wait3A_80 = arith.constant 0 : i32
    %dma_wait3A_81 = arith.constant 0 : i32
    %dma_wait3A_82 = tpu.memref_slice %arg17[%dma_wait3A_80, %dma_wait3A_81] : memref<2048x128xf32, #tpu.memory_space<vmem_shared>> -> memref<2048x128xf32, #tpu.memory_space<vmem_shared>>
    tpu.wait_indirect_dma semaphore(%arg18 : memref<!tpu.dma_semaphore, #tpu.memory_space<semaphore_mem>>) src(%dma_wait3A_82 : memref<2048x128xf32, #tpu.memory_space<vmem_shared>>) dst(%arg15 : memref<256x128xf32, #tpu.memory_space<vmem>>)
    %add3A_83 = arith.constant 1024 : i32
    %add3A_84 = arith.addi %mul3A_21, %add3A_83 : i32
    "tpu.region"() ({
      %run_scoped3A = tpu.sem_alloc : memref<!tpu.dma_semaphore, #tpu.memory_space<semaphore_mem>>
      %dma_start3A_212 = arith.constant 0 : i32
      %dma_start3A_213 = tpu.memref_slice %arg7[%add3A_84, %dma_start3A_212] : memref<131072x128xf32, #tpu.memory_space<hbm>> -> memref<256x128xf32, #tpu.memory_space<hbm>>
      %dma_start3A_214 = arith.constant 0 : i32
      %dma_start3A_215 = tpu.memref_slice %arg7[%add3A_84, %dma_start3A_214] : memref<131072x128xf32, #tpu.memory_space<hbm>> -> memref<256x128xf32, #tpu.memory_space<hbm>>
      tpu.enqueue_dma source(%arg15 : memref<256x128xf32, #tpu.memory_space<vmem>>) target(%dma_start3A_215 : memref<256x128xf32, #tpu.memory_space<hbm>>) target_semaphore(%run_scoped3A : memref<!tpu.dma_semaphore, #tpu.memory_space<semaphore_mem>>)
      %dma_wait3A_216 = arith.constant 0 : i32
      %dma_wait3A_217 = tpu.memref_slice %arg7[%add3A_84, %dma_wait3A_216] : memref<131072x128xf32, #tpu.memory_space<hbm>> -> memref<256x128xf32, #tpu.memory_space<hbm>>
      %dma_wait3A_218 = arith.constant 0 : i32
      %dma_wait3A_219 = tpu.memref_slice %arg7[%add3A_84, %dma_wait3A_218] : memref<131072x128xf32, #tpu.memory_space<hbm>> -> memref<256x128xf32, #tpu.memory_space<hbm>>
      tpu.wait_dma2 semaphore(%run_scoped3A : memref<!tpu.dma_semaphore, #tpu.memory_space<semaphore_mem>>) src(%arg15 : memref<256x128xf32, #tpu.memory_space<vmem>>) dst(%dma_wait3A_219 : memref<256x128xf32, #tpu.memory_space<hbm>>)
      tpu.yield
    }) : () -> ()
    %dma_start3A_85 = arith.constant 1536 : i32
    %dma_start3A_86 = tpu.memref_slice %arg13[%dma_start3A_85] : memref<4096xi32, #tpu.memory_space<vmem>> -> memref<256xi32, #tpu.memory_space<vmem>>
    %dma_start3A_87 = arith.constant 0 : i32
    %dma_start3A_88 = arith.constant 0 : i32
    %dma_start3A_89 = tpu.memref_slice %arg17[%dma_start3A_87, %dma_start3A_88] : memref<2048x128xf32, #tpu.memory_space<vmem_shared>> -> memref<2048x128xf32, #tpu.memory_space<vmem_shared>>
    tpu.enqueue_indirect_dma source(%dma_start3A_89 : memref<2048x128xf32, #tpu.memory_space<vmem_shared>>) target(%arg15 : memref<256x128xf32, #tpu.memory_space<vmem>>) offsets(%dma_start3A_86 : memref<256xi32, #tpu.memory_space<vmem>>) semaphore(%arg18 : memref<!tpu.dma_semaphore, #tpu.memory_space<semaphore_mem>>)
    %dma_wait3A_90 = arith.constant 1280 : i32
    %dma_wait3A_91 = tpu.memref_slice %arg13[%dma_wait3A_90] : memref<4096xi32, #tpu.memory_space<vmem>> -> memref<256xi32, #tpu.memory_space<vmem>>
    %dma_wait3A_92 = arith.constant 0 : i32
    %dma_wait3A_93 = arith.constant 0 : i32
    %dma_wait3A_94 = tpu.memref_slice %arg17[%dma_wait3A_92, %dma_wait3A_93] : memref<2048x128xf32, #tpu.memory_space<vmem_shared>> -> memref<2048x128xf32, #tpu.memory_space<vmem_shared>>
    tpu.wait_indirect_dma semaphore(%arg19 : memref<!tpu.dma_semaphore, #tpu.memory_space<semaphore_mem>>) src(%dma_wait3A_94 : memref<2048x128xf32, #tpu.memory_space<vmem_shared>>) dst(%arg16 : memref<256x128xf32, #tpu.memory_space<vmem>>)
    %add3A_95 = arith.constant 1280 : i32
    %add3A_96 = arith.addi %mul3A_21, %add3A_95 : i32
    "tpu.region"() ({
      %run_scoped3A = tpu.sem_alloc : memref<!tpu.dma_semaphore, #tpu.memory_space<semaphore_mem>>
      %dma_start3A_212 = arith.constant 0 : i32
      %dma_start3A_213 = tpu.memref_slice %arg7[%add3A_96, %dma_start3A_212] : memref<131072x128xf32, #tpu.memory_space<hbm>> -> memref<256x128xf32, #tpu.memory_space<hbm>>
      %dma_start3A_214 = arith.constant 0 : i32
      %dma_start3A_215 = tpu.memref_slice %arg7[%add3A_96, %dma_start3A_214] : memref<131072x128xf32, #tpu.memory_space<hbm>> -> memref<256x128xf32, #tpu.memory_space<hbm>>
      tpu.enqueue_dma source(%arg16 : memref<256x128xf32, #tpu.memory_space<vmem>>) target(%dma_start3A_215 : memref<256x128xf32, #tpu.memory_space<hbm>>) target_semaphore(%run_scoped3A : memref<!tpu.dma_semaphore, #tpu.memory_space<semaphore_mem>>)
      %dma_wait3A_216 = arith.constant 0 : i32
      %dma_wait3A_217 = tpu.memref_slice %arg7[%add3A_96, %dma_wait3A_216] : memref<131072x128xf32, #tpu.memory_space<hbm>> -> memref<256x128xf32, #tpu.memory_space<hbm>>
      %dma_wait3A_218 = arith.constant 0 : i32
      %dma_wait3A_219 = tpu.memref_slice %arg7[%add3A_96, %dma_wait3A_218] : memref<131072x128xf32, #tpu.memory_space<hbm>> -> memref<256x128xf32, #tpu.memory_space<hbm>>
      tpu.wait_dma2 semaphore(%run_scoped3A : memref<!tpu.dma_semaphore, #tpu.memory_space<semaphore_mem>>) src(%arg16 : memref<256x128xf32, #tpu.memory_space<vmem>>) dst(%dma_wait3A_219 : memref<256x128xf32, #tpu.memory_space<hbm>>)
      tpu.yield
    }) : () -> ()
    %dma_start3A_97 = arith.constant 1792 : i32
    %dma_start3A_98 = tpu.memref_slice %arg13[%dma_start3A_97] : memref<4096xi32, #tpu.memory_space<vmem>> -> memref<256xi32, #tpu.memory_space<vmem>>
    %dma_start3A_99 = arith.constant 0 : i32
    %dma_start3A_100 = arith.constant 0 : i32
    %dma_start3A_101 = tpu.memref_slice %arg17[%dma_start3A_99, %dma_start3A_100] : memref<2048x128xf32, #tpu.memory_space<vmem_shared>> -> memref<2048x128xf32, #tpu.memory_space<vmem_shared>>
    tpu.enqueue_indirect_dma source(%dma_start3A_101 : memref<2048x128xf32, #tpu.memory_space<vmem_shared>>) target(%arg16 : memref<256x128xf32, #tpu.memory_space<vmem>>) offsets(%dma_start3A_98 : memref<256xi32, #tpu.memory_space<vmem>>) semaphore(%arg19 : memref<!tpu.dma_semaphore, #tpu.memory_space<semaphore_mem>>)
    %dma_wait3A_102 = arith.constant 1536 : i32
    %dma_wait3A_103 = tpu.memref_slice %arg13[%dma_wait3A_102] : memref<4096xi32, #tpu.memory_space<vmem>> -> memref<256xi32, #tpu.memory_space<vmem>>
    %dma_wait3A_104 = arith.constant 0 : i32
    %dma_wait3A_105 = arith.constant 0 : i32
    %dma_wait3A_106 = tpu.memref_slice %arg17[%dma_wait3A_104, %dma_wait3A_105] : memref<2048x128xf32, #tpu.memory_space<vmem_shared>> -> memref<2048x128xf32, #tpu.memory_space<vmem_shared>>
    tpu.wait_indirect_dma semaphore(%arg18 : memref<!tpu.dma_semaphore, #tpu.memory_space<semaphore_mem>>) src(%dma_wait3A_106 : memref<2048x128xf32, #tpu.memory_space<vmem_shared>>) dst(%arg15 : memref<256x128xf32, #tpu.memory_space<vmem>>)
    %add3A_107 = arith.constant 1536 : i32
    %add3A_108 = arith.addi %mul3A_21, %add3A_107 : i32
    "tpu.region"() ({
      %run_scoped3A = tpu.sem_alloc : memref<!tpu.dma_semaphore, #tpu.memory_space<semaphore_mem>>
      %dma_start3A_212 = arith.constant 0 : i32
      %dma_start3A_213 = tpu.memref_slice %arg7[%add3A_108, %dma_start3A_212] : memref<131072x128xf32, #tpu.memory_space<hbm>> -> memref<256x128xf32, #tpu.memory_space<hbm>>
      %dma_start3A_214 = arith.constant 0 : i32
      %dma_start3A_215 = tpu.memref_slice %arg7[%add3A_108, %dma_start3A_214] : memref<131072x128xf32, #tpu.memory_space<hbm>> -> memref<256x128xf32, #tpu.memory_space<hbm>>
      tpu.enqueue_dma source(%arg15 : memref<256x128xf32, #tpu.memory_space<vmem>>) target(%dma_start3A_215 : memref<256x128xf32, #tpu.memory_space<hbm>>) target_semaphore(%run_scoped3A : memref<!tpu.dma_semaphore, #tpu.memory_space<semaphore_mem>>)
      %dma_wait3A_216 = arith.constant 0 : i32
      %dma_wait3A_217 = tpu.memref_slice %arg7[%add3A_108, %dma_wait3A_216] : memref<131072x128xf32, #tpu.memory_space<hbm>> -> memref<256x128xf32, #tpu.memory_space<hbm>>
      %dma_wait3A_218 = arith.constant 0 : i32
      %dma_wait3A_219 = tpu.memref_slice %arg7[%add3A_108, %dma_wait3A_218] : memref<131072x128xf32, #tpu.memory_space<hbm>> -> memref<256x128xf32, #tpu.memory_space<hbm>>
      tpu.wait_dma2 semaphore(%run_scoped3A : memref<!tpu.dma_semaphore, #tpu.memory_space<semaphore_mem>>) src(%arg15 : memref<256x128xf32, #tpu.memory_space<vmem>>) dst(%dma_wait3A_219 : memref<256x128xf32, #tpu.memory_space<hbm>>)
      tpu.yield
    }) : () -> ()
    %dma_start3A_109 = arith.constant 2048 : i32
    %dma_start3A_110 = tpu.memref_slice %arg13[%dma_start3A_109] : memref<4096xi32, #tpu.memory_space<vmem>> -> memref<256xi32, #tpu.memory_space<vmem>>
    %dma_start3A_111 = arith.constant 0 : i32
    %dma_start3A_112 = arith.constant 0 : i32
    %dma_start3A_113 = tpu.memref_slice %arg17[%dma_start3A_111, %dma_start3A_112] : memref<2048x128xf32, #tpu.memory_space<vmem_shared>> -> memref<2048x128xf32, #tpu.memory_space<vmem_shared>>
    tpu.enqueue_indirect_dma source(%dma_start3A_113 : memref<2048x128xf32, #tpu.memory_space<vmem_shared>>) target(%arg15 : memref<256x128xf32, #tpu.memory_space<vmem>>) offsets(%dma_start3A_110 : memref<256xi32, #tpu.memory_space<vmem>>) semaphore(%arg18 : memref<!tpu.dma_semaphore, #tpu.memory_space<semaphore_mem>>)
    %dma_wait3A_114 = arith.constant 1792 : i32
    %dma_wait3A_115 = tpu.memref_slice %arg13[%dma_wait3A_114] : memref<4096xi32, #tpu.memory_space<vmem>> -> memref<256xi32, #tpu.memory_space<vmem>>
    %dma_wait3A_116 = arith.constant 0 : i32
    %dma_wait3A_117 = arith.constant 0 : i32
    %dma_wait3A_118 = tpu.memref_slice %arg17[%dma_wait3A_116, %dma_wait3A_117] : memref<2048x128xf32, #tpu.memory_space<vmem_shared>> -> memref<2048x128xf32, #tpu.memory_space<vmem_shared>>
    tpu.wait_indirect_dma semaphore(%arg19 : memref<!tpu.dma_semaphore, #tpu.memory_space<semaphore_mem>>) src(%dma_wait3A_118 : memref<2048x128xf32, #tpu.memory_space<vmem_shared>>) dst(%arg16 : memref<256x128xf32, #tpu.memory_space<vmem>>)
    %add3A_119 = arith.constant 1792 : i32
    %add3A_120 = arith.addi %mul3A_21, %add3A_119 : i32
    "tpu.region"() ({
      %run_scoped3A = tpu.sem_alloc : memref<!tpu.dma_semaphore, #tpu.memory_space<semaphore_mem>>
      %dma_start3A_212 = arith.constant 0 : i32
      %dma_start3A_213 = tpu.memref_slice %arg7[%add3A_120, %dma_start3A_212] : memref<131072x128xf32, #tpu.memory_space<hbm>> -> memref<256x128xf32, #tpu.memory_space<hbm>>
      %dma_start3A_214 = arith.constant 0 : i32
      %dma_start3A_215 = tpu.memref_slice %arg7[%add3A_120, %dma_start3A_214] : memref<131072x128xf32, #tpu.memory_space<hbm>> -> memref<256x128xf32, #tpu.memory_space<hbm>>
      tpu.enqueue_dma source(%arg16 : memref<256x128xf32, #tpu.memory_space<vmem>>) target(%dma_start3A_215 : memref<256x128xf32, #tpu.memory_space<hbm>>) target_semaphore(%run_scoped3A : memref<!tpu.dma_semaphore, #tpu.memory_space<semaphore_mem>>)
      %dma_wait3A_216 = arith.constant 0 : i32
      %dma_wait3A_217 = tpu.memref_slice %arg7[%add3A_120, %dma_wait3A_216] : memref<131072x128xf32, #tpu.memory_space<hbm>> -> memref<256x128xf32, #tpu.memory_space<hbm>>
      %dma_wait3A_218 = arith.constant 0 : i32
      %dma_wait3A_219 = tpu.memref_slice %arg7[%add3A_120, %dma_wait3A_218] : memref<131072x128xf32, #tpu.memory_space<hbm>> -> memref<256x128xf32, #tpu.memory_space<hbm>>
      tpu.wait_dma2 semaphore(%run_scoped3A : memref<!tpu.dma_semaphore, #tpu.memory_space<semaphore_mem>>) src(%arg16 : memref<256x128xf32, #tpu.memory_space<vmem>>) dst(%dma_wait3A_219 : memref<256x128xf32, #tpu.memory_space<hbm>>)
      tpu.yield
    }) : () -> ()
    %dma_start3A_121 = arith.constant 2304 : i32
    %dma_start3A_122 = tpu.memref_slice %arg13[%dma_start3A_121] : memref<4096xi32, #tpu.memory_space<vmem>> -> memref<256xi32, #tpu.memory_space<vmem>>
    %dma_start3A_123 = arith.constant 0 : i32
    %dma_start3A_124 = arith.constant 0 : i32
    %dma_start3A_125 = tpu.memref_slice %arg17[%dma_start3A_123, %dma_start3A_124] : memref<2048x128xf32, #tpu.memory_space<vmem_shared>> -> memref<2048x128xf32, #tpu.memory_space<vmem_shared>>
    tpu.enqueue_indirect_dma source(%dma_start3A_125 : memref<2048x128xf32, #tpu.memory_space<vmem_shared>>) target(%arg16 : memref<256x128xf32, #tpu.memory_space<vmem>>) offsets(%dma_start3A_122 : memref<256xi32, #tpu.memory_space<vmem>>) semaphore(%arg19 : memref<!tpu.dma_semaphore, #tpu.memory_space<semaphore_mem>>)
    %dma_wait3A_126 = arith.constant 2048 : i32
    %dma_wait3A_127 = tpu.memref_slice %arg13[%dma_wait3A_126] : memref<4096xi32, #tpu.memory_space<vmem>> -> memref<256xi32, #tpu.memory_space<vmem>>
    %dma_wait3A_128 = arith.constant 0 : i32
    %dma_wait3A_129 = arith.constant 0 : i32
    %dma_wait3A_130 = tpu.memref_slice %arg17[%dma_wait3A_128, %dma_wait3A_129] : memref<2048x128xf32, #tpu.memory_space<vmem_shared>> -> memref<2048x128xf32, #tpu.memory_space<vmem_shared>>
    tpu.wait_indirect_dma semaphore(%arg18 : memref<!tpu.dma_semaphore, #tpu.memory_space<semaphore_mem>>) src(%dma_wait3A_130 : memref<2048x128xf32, #tpu.memory_space<vmem_shared>>) dst(%arg15 : memref<256x128xf32, #tpu.memory_space<vmem>>)
    %add3A_131 = arith.constant 2048 : i32
    %add3A_132 = arith.addi %mul3A_21, %add3A_131 : i32
    "tpu.region"() ({
      %run_scoped3A = tpu.sem_alloc : memref<!tpu.dma_semaphore, #tpu.memory_space<semaphore_mem>>
      %dma_start3A_212 = arith.constant 0 : i32
      %dma_start3A_213 = tpu.memref_slice %arg7[%add3A_132, %dma_start3A_212] : memref<131072x128xf32, #tpu.memory_space<hbm>> -> memref<256x128xf32, #tpu.memory_space<hbm>>
      %dma_start3A_214 = arith.constant 0 : i32
      %dma_start3A_215 = tpu.memref_slice %arg7[%add3A_132, %dma_start3A_214] : memref<131072x128xf32, #tpu.memory_space<hbm>> -> memref<256x128xf32, #tpu.memory_space<hbm>>
      tpu.enqueue_dma source(%arg15 : memref<256x128xf32, #tpu.memory_space<vmem>>) target(%dma_start3A_215 : memref<256x128xf32, #tpu.memory_space<hbm>>) target_semaphore(%run_scoped3A : memref<!tpu.dma_semaphore, #tpu.memory_space<semaphore_mem>>)
      %dma_wait3A_216 = arith.constant 0 : i32
      %dma_wait3A_217 = tpu.memref_slice %arg7[%add3A_132, %dma_wait3A_216] : memref<131072x128xf32, #tpu.memory_space<hbm>> -> memref<256x128xf32, #tpu.memory_space<hbm>>
      %dma_wait3A_218 = arith.constant 0 : i32
      %dma_wait3A_219 = tpu.memref_slice %arg7[%add3A_132, %dma_wait3A_218] : memref<131072x128xf32, #tpu.memory_space<hbm>> -> memref<256x128xf32, #tpu.memory_space<hbm>>
      tpu.wait_dma2 semaphore(%run_scoped3A : memref<!tpu.dma_semaphore, #tpu.memory_space<semaphore_mem>>) src(%arg15 : memref<256x128xf32, #tpu.memory_space<vmem>>) dst(%dma_wait3A_219 : memref<256x128xf32, #tpu.memory_space<hbm>>)
      tpu.yield
    }) : () -> ()
    %dma_start3A_133 = arith.constant 2560 : i32
    %dma_start3A_134 = tpu.memref_slice %arg13[%dma_start3A_133] : memref<4096xi32, #tpu.memory_space<vmem>> -> memref<256xi32, #tpu.memory_space<vmem>>
    %dma_start3A_135 = arith.constant 0 : i32
    %dma_start3A_136 = arith.constant 0 : i32
    %dma_start3A_137 = tpu.memref_slice %arg17[%dma_start3A_135, %dma_start3A_136] : memref<2048x128xf32, #tpu.memory_space<vmem_shared>> -> memref<2048x128xf32, #tpu.memory_space<vmem_shared>>
    tpu.enqueue_indirect_dma source(%dma_start3A_137 : memref<2048x128xf32, #tpu.memory_space<vmem_shared>>) target(%arg15 : memref<256x128xf32, #tpu.memory_space<vmem>>) offsets(%dma_start3A_134 : memref<256xi32, #tpu.memory_space<vmem>>) semaphore(%arg18 : memref<!tpu.dma_semaphore, #tpu.memory_space<semaphore_mem>>)
    %dma_wait3A_138 = arith.constant 2304 : i32
    %dma_wait3A_139 = tpu.memref_slice %arg13[%dma_wait3A_138] : memref<4096xi32, #tpu.memory_space<vmem>> -> memref<256xi32, #tpu.memory_space<vmem>>
    %dma_wait3A_140 = arith.constant 0 : i32
    %dma_wait3A_141 = arith.constant 0 : i32
    %dma_wait3A_142 = tpu.memref_slice %arg17[%dma_wait3A_140, %dma_wait3A_141] : memref<2048x128xf32, #tpu.memory_space<vmem_shared>> -> memref<2048x128xf32, #tpu.memory_space<vmem_shared>>
    tpu.wait_indirect_dma semaphore(%arg19 : memref<!tpu.dma_semaphore, #tpu.memory_space<semaphore_mem>>) src(%dma_wait3A_142 : memref<2048x128xf32, #tpu.memory_space<vmem_shared>>) dst(%arg16 : memref<256x128xf32, #tpu.memory_space<vmem>>)
    %add3A_143 = arith.constant 2304 : i32
    %add3A_144 = arith.addi %mul3A_21, %add3A_143 : i32
    "tpu.region"() ({
      %run_scoped3A = tpu.sem_alloc : memref<!tpu.dma_semaphore, #tpu.memory_space<semaphore_mem>>
      %dma_start3A_212 = arith.constant 0 : i32
      %dma_start3A_213 = tpu.memref_slice %arg7[%add3A_144, %dma_start3A_212] : memref<131072x128xf32, #tpu.memory_space<hbm>> -> memref<256x128xf32, #tpu.memory_space<hbm>>
      %dma_start3A_214 = arith.constant 0 : i32
      %dma_start3A_215 = tpu.memref_slice %arg7[%add3A_144, %dma_start3A_214] : memref<131072x128xf32, #tpu.memory_space<hbm>> -> memref<256x128xf32, #tpu.memory_space<hbm>>
      tpu.enqueue_dma source(%arg16 : memref<256x128xf32, #tpu.memory_space<vmem>>) target(%dma_start3A_215 : memref<256x128xf32, #tpu.memory_space<hbm>>) target_semaphore(%run_scoped3A : memref<!tpu.dma_semaphore, #tpu.memory_space<semaphore_mem>>)
      %dma_wait3A_216 = arith.constant 0 : i32
      %dma_wait3A_217 = tpu.memref_slice %arg7[%add3A_144, %dma_wait3A_216] : memref<131072x128xf32, #tpu.memory_space<hbm>> -> memref<256x128xf32, #tpu.memory_space<hbm>>
      %dma_wait3A_218 = arith.constant 0 : i32
      %dma_wait3A_219 = tpu.memref_slice %arg7[%add3A_144, %dma_wait3A_218] : memref<131072x128xf32, #tpu.memory_space<hbm>> -> memref<256x128xf32, #tpu.memory_space<hbm>>
      tpu.wait_dma2 semaphore(%run_scoped3A : memref<!tpu.dma_semaphore, #tpu.memory_space<semaphore_mem>>) src(%arg16 : memref<256x128xf32, #tpu.memory_space<vmem>>) dst(%dma_wait3A_219 : memref<256x128xf32, #tpu.memory_space<hbm>>)
      tpu.yield
    }) : () -> ()
    %dma_start3A_145 = arith.constant 2816 : i32
    %dma_start3A_146 = tpu.memref_slice %arg13[%dma_start3A_145] : memref<4096xi32, #tpu.memory_space<vmem>> -> memref<256xi32, #tpu.memory_space<vmem>>
    %dma_start3A_147 = arith.constant 0 : i32
    %dma_start3A_148 = arith.constant 0 : i32
    %dma_start3A_149 = tpu.memref_slice %arg17[%dma_start3A_147, %dma_start3A_148] : memref<2048x128xf32, #tpu.memory_space<vmem_shared>> -> memref<2048x128xf32, #tpu.memory_space<vmem_shared>>
    tpu.enqueue_indirect_dma source(%dma_start3A_149 : memref<2048x128xf32, #tpu.memory_space<vmem_shared>>) target(%arg16 : memref<256x128xf32, #tpu.memory_space<vmem>>) offsets(%dma_start3A_146 : memref<256xi32, #tpu.memory_space<vmem>>) semaphore(%arg19 : memref<!tpu.dma_semaphore, #tpu.memory_space<semaphore_mem>>)
    %dma_wait3A_150 = arith.constant 2560 : i32
    %dma_wait3A_151 = tpu.memref_slice %arg13[%dma_wait3A_150] : memref<4096xi32, #tpu.memory_space<vmem>> -> memref<256xi32, #tpu.memory_space<vmem>>
    %dma_wait3A_152 = arith.constant 0 : i32
    %dma_wait3A_153 = arith.constant 0 : i32
    %dma_wait3A_154 = tpu.memref_slice %arg17[%dma_wait3A_152, %dma_wait3A_153] : memref<2048x128xf32, #tpu.memory_space<vmem_shared>> -> memref<2048x128xf32, #tpu.memory_space<vmem_shared>>
    tpu.wait_indirect_dma semaphore(%arg18 : memref<!tpu.dma_semaphore, #tpu.memory_space<semaphore_mem>>) src(%dma_wait3A_154 : memref<2048x128xf32, #tpu.memory_space<vmem_shared>>) dst(%arg15 : memref<256x128xf32, #tpu.memory_space<vmem>>)
    %add3A_155 = arith.constant 2560 : i32
    %add3A_156 = arith.addi %mul3A_21, %add3A_155 : i32
    "tpu.region"() ({
      %run_scoped3A = tpu.sem_alloc : memref<!tpu.dma_semaphore, #tpu.memory_space<semaphore_mem>>
      %dma_start3A_212 = arith.constant 0 : i32
      %dma_start3A_213 = tpu.memref_slice %arg7[%add3A_156, %dma_start3A_212] : memref<131072x128xf32, #tpu.memory_space<hbm>> -> memref<256x128xf32, #tpu.memory_space<hbm>>
      %dma_start3A_214 = arith.constant 0 : i32
      %dma_start3A_215 = tpu.memref_slice %arg7[%add3A_156, %dma_start3A_214] : memref<131072x128xf32, #tpu.memory_space<hbm>> -> memref<256x128xf32, #tpu.memory_space<hbm>>
      tpu.enqueue_dma source(%arg15 : memref<256x128xf32, #tpu.memory_space<vmem>>) target(%dma_start3A_215 : memref<256x128xf32, #tpu.memory_space<hbm>>) target_semaphore(%run_scoped3A : memref<!tpu.dma_semaphore, #tpu.memory_space<semaphore_mem>>)
      %dma_wait3A_216 = arith.constant 0 : i32
      %dma_wait3A_217 = tpu.memref_slice %arg7[%add3A_156, %dma_wait3A_216] : memref<131072x128xf32, #tpu.memory_space<hbm>> -> memref<256x128xf32, #tpu.memory_space<hbm>>
      %dma_wait3A_218 = arith.constant 0 : i32
      %dma_wait3A_219 = tpu.memref_slice %arg7[%add3A_156, %dma_wait3A_218] : memref<131072x128xf32, #tpu.memory_space<hbm>> -> memref<256x128xf32, #tpu.memory_space<hbm>>
      tpu.wait_dma2 semaphore(%run_scoped3A : memref<!tpu.dma_semaphore, #tpu.memory_space<semaphore_mem>>) src(%arg15 : memref<256x128xf32, #tpu.memory_space<vmem>>) dst(%dma_wait3A_219 : memref<256x128xf32, #tpu.memory_space<hbm>>)
      tpu.yield
    }) : () -> ()
    %dma_start3A_157 = arith.constant 3072 : i32
    %dma_start3A_158 = tpu.memref_slice %arg13[%dma_start3A_157] : memref<4096xi32, #tpu.memory_space<vmem>> -> memref<256xi32, #tpu.memory_space<vmem>>
    %dma_start3A_159 = arith.constant 0 : i32
    %dma_start3A_160 = arith.constant 0 : i32
    %dma_start3A_161 = tpu.memref_slice %arg17[%dma_start3A_159, %dma_start3A_160] : memref<2048x128xf32, #tpu.memory_space<vmem_shared>> -> memref<2048x128xf32, #tpu.memory_space<vmem_shared>>
    tpu.enqueue_indirect_dma source(%dma_start3A_161 : memref<2048x128xf32, #tpu.memory_space<vmem_shared>>) target(%arg15 : memref<256x128xf32, #tpu.memory_space<vmem>>) offsets(%dma_start3A_158 : memref<256xi32, #tpu.memory_space<vmem>>) semaphore(%arg18 : memref<!tpu.dma_semaphore, #tpu.memory_space<semaphore_mem>>)
    %dma_wait3A_162 = arith.constant 2816 : i32
    %dma_wait3A_163 = tpu.memref_slice %arg13[%dma_wait3A_162] : memref<4096xi32, #tpu.memory_space<vmem>> -> memref<256xi32, #tpu.memory_space<vmem>>
    %dma_wait3A_164 = arith.constant 0 : i32
    %dma_wait3A_165 = arith.constant 0 : i32
    %dma_wait3A_166 = tpu.memref_slice %arg17[%dma_wait3A_164, %dma_wait3A_165] : memref<2048x128xf32, #tpu.memory_space<vmem_shared>> -> memref<2048x128xf32, #tpu.memory_space<vmem_shared>>
    tpu.wait_indirect_dma semaphore(%arg19 : memref<!tpu.dma_semaphore, #tpu.memory_space<semaphore_mem>>) src(%dma_wait3A_166 : memref<2048x128xf32, #tpu.memory_space<vmem_shared>>) dst(%arg16 : memref<256x128xf32, #tpu.memory_space<vmem>>)
    %add3A_167 = arith.constant 2816 : i32
    %add3A_168 = arith.addi %mul3A_21, %add3A_167 : i32
    "tpu.region"() ({
      %run_scoped3A = tpu.sem_alloc : memref<!tpu.dma_semaphore, #tpu.memory_space<semaphore_mem>>
      %dma_start3A_212 = arith.constant 0 : i32
      %dma_start3A_213 = tpu.memref_slice %arg7[%add3A_168, %dma_start3A_212] : memref<131072x128xf32, #tpu.memory_space<hbm>> -> memref<256x128xf32, #tpu.memory_space<hbm>>
      %dma_start3A_214 = arith.constant 0 : i32
      %dma_start3A_215 = tpu.memref_slice %arg7[%add3A_168, %dma_start3A_214] : memref<131072x128xf32, #tpu.memory_space<hbm>> -> memref<256x128xf32, #tpu.memory_space<hbm>>
      tpu.enqueue_dma source(%arg16 : memref<256x128xf32, #tpu.memory_space<vmem>>) target(%dma_start3A_215 : memref<256x128xf32, #tpu.memory_space<hbm>>) target_semaphore(%run_scoped3A : memref<!tpu.dma_semaphore, #tpu.memory_space<semaphore_mem>>)
      %dma_wait3A_216 = arith.constant 0 : i32
      %dma_wait3A_217 = tpu.memref_slice %arg7[%add3A_168, %dma_wait3A_216] : memref<131072x128xf32, #tpu.memory_space<hbm>> -> memref<256x128xf32, #tpu.memory_space<hbm>>
      %dma_wait3A_218 = arith.constant 0 : i32
      %dma_wait3A_219 = tpu.memref_slice %arg7[%add3A_168, %dma_wait3A_218] : memref<131072x128xf32, #tpu.memory_space<hbm>> -> memref<256x128xf32, #tpu.memory_space<hbm>>
      tpu.wait_dma2 semaphore(%run_scoped3A : memref<!tpu.dma_semaphore, #tpu.memory_space<semaphore_mem>>) src(%arg16 : memref<256x128xf32, #tpu.memory_space<vmem>>) dst(%dma_wait3A_219 : memref<256x128xf32, #tpu.memory_space<hbm>>)
      tpu.yield
    }) : () -> ()
    %dma_start3A_169 = arith.constant 3328 : i32
    %dma_start3A_170 = tpu.memref_slice %arg13[%dma_start3A_169] : memref<4096xi32, #tpu.memory_space<vmem>> -> memref<256xi32, #tpu.memory_space<vmem>>
    %dma_start3A_171 = arith.constant 0 : i32
    %dma_start3A_172 = arith.constant 0 : i32
    %dma_start3A_173 = tpu.memref_slice %arg17[%dma_start3A_171, %dma_start3A_172] : memref<2048x128xf32, #tpu.memory_space<vmem_shared>> -> memref<2048x128xf32, #tpu.memory_space<vmem_shared>>
    tpu.enqueue_indirect_dma source(%dma_start3A_173 : memref<2048x128xf32, #tpu.memory_space<vmem_shared>>) target(%arg16 : memref<256x128xf32, #tpu.memory_space<vmem>>) offsets(%dma_start3A_170 : memref<256xi32, #tpu.memory_space<vmem>>) semaphore(%arg19 : memref<!tpu.dma_semaphore, #tpu.memory_space<semaphore_mem>>)
    %dma_wait3A_174 = arith.constant 3072 : i32
    %dma_wait3A_175 = tpu.memref_slice %arg13[%dma_wait3A_174] : memref<4096xi32, #tpu.memory_space<vmem>> -> memref<256xi32, #tpu.memory_space<vmem>>
    %dma_wait3A_176 = arith.constant 0 : i32
    %dma_wait3A_177 = arith.constant 0 : i32
    %dma_wait3A_178 = tpu.memref_slice %arg17[%dma_wait3A_176, %dma_wait3A_177] : memref<2048x128xf32, #tpu.memory_space<vmem_shared>> -> memref<2048x128xf32, #tpu.memory_space<vmem_shared>>
    tpu.wait_indirect_dma semaphore(%arg18 : memref<!tpu.dma_semaphore, #tpu.memory_space<semaphore_mem>>) src(%dma_wait3A_178 : memref<2048x128xf32, #tpu.memory_space<vmem_shared>>) dst(%arg15 : memref<256x128xf32, #tpu.memory_space<vmem>>)
    %add3A_179 = arith.constant 3072 : i32
    %add3A_180 = arith.addi %mul3A_21, %add3A_179 : i32
    "tpu.region"() ({
      %run_scoped3A = tpu.sem_alloc : memref<!tpu.dma_semaphore, #tpu.memory_space<semaphore_mem>>
      %dma_start3A_212 = arith.constant 0 : i32
      %dma_start3A_213 = tpu.memref_slice %arg7[%add3A_180, %dma_start3A_212] : memref<131072x128xf32, #tpu.memory_space<hbm>> -> memref<256x128xf32, #tpu.memory_space<hbm>>
      %dma_start3A_214 = arith.constant 0 : i32
      %dma_start3A_215 = tpu.memref_slice %arg7[%add3A_180, %dma_start3A_214] : memref<131072x128xf32, #tpu.memory_space<hbm>> -> memref<256x128xf32, #tpu.memory_space<hbm>>
      tpu.enqueue_dma source(%arg15 : memref<256x128xf32, #tpu.memory_space<vmem>>) target(%dma_start3A_215 : memref<256x128xf32, #tpu.memory_space<hbm>>) target_semaphore(%run_scoped3A : memref<!tpu.dma_semaphore, #tpu.memory_space<semaphore_mem>>)
      %dma_wait3A_216 = arith.constant 0 : i32
      %dma_wait3A_217 = tpu.memref_slice %arg7[%add3A_180, %dma_wait3A_216] : memref<131072x128xf32, #tpu.memory_space<hbm>> -> memref<256x128xf32, #tpu.memory_space<hbm>>
      %dma_wait3A_218 = arith.constant 0 : i32
      %dma_wait3A_219 = tpu.memref_slice %arg7[%add3A_180, %dma_wait3A_218] : memref<131072x128xf32, #tpu.memory_space<hbm>> -> memref<256x128xf32, #tpu.memory_space<hbm>>
      tpu.wait_dma2 semaphore(%run_scoped3A : memref<!tpu.dma_semaphore, #tpu.memory_space<semaphore_mem>>) src(%arg15 : memref<256x128xf32, #tpu.memory_space<vmem>>) dst(%dma_wait3A_219 : memref<256x128xf32, #tpu.memory_space<hbm>>)
      tpu.yield
    }) : () -> ()
    %dma_start3A_181 = arith.constant 3584 : i32
    %dma_start3A_182 = tpu.memref_slice %arg13[%dma_start3A_181] : memref<4096xi32, #tpu.memory_space<vmem>> -> memref<256xi32, #tpu.memory_space<vmem>>
    %dma_start3A_183 = arith.constant 0 : i32
    %dma_start3A_184 = arith.constant 0 : i32
    %dma_start3A_185 = tpu.memref_slice %arg17[%dma_start3A_183, %dma_start3A_184] : memref<2048x128xf32, #tpu.memory_space<vmem_shared>> -> memref<2048x128xf32, #tpu.memory_space<vmem_shared>>
    tpu.enqueue_indirect_dma source(%dma_start3A_185 : memref<2048x128xf32, #tpu.memory_space<vmem_shared>>) target(%arg15 : memref<256x128xf32, #tpu.memory_space<vmem>>) offsets(%dma_start3A_182 : memref<256xi32, #tpu.memory_space<vmem>>) semaphore(%arg18 : memref<!tpu.dma_semaphore, #tpu.memory_space<semaphore_mem>>)
    %dma_wait3A_186 = arith.constant 3328 : i32
    %dma_wait3A_187 = tpu.memref_slice %arg13[%dma_wait3A_186] : memref<4096xi32, #tpu.memory_space<vmem>> -> memref<256xi32, #tpu.memory_space<vmem>>
    %dma_wait3A_188 = arith.constant 0 : i32
    %dma_wait3A_189 = arith.constant 0 : i32
    %dma_wait3A_190 = tpu.memref_slice %arg17[%dma_wait3A_188, %dma_wait3A_189] : memref<2048x128xf32, #tpu.memory_space<vmem_shared>> -> memref<2048x128xf32, #tpu.memory_space<vmem_shared>>
    tpu.wait_indirect_dma semaphore(%arg19 : memref<!tpu.dma_semaphore, #tpu.memory_space<semaphore_mem>>) src(%dma_wait3A_190 : memref<2048x128xf32, #tpu.memory_space<vmem_shared>>) dst(%arg16 : memref<256x128xf32, #tpu.memory_space<vmem>>)
    %add3A_191 = arith.constant 3328 : i32
    %add3A_192 = arith.addi %mul3A_21, %add3A_191 : i32
    "tpu.region"() ({
      %run_scoped3A = tpu.sem_alloc : memref<!tpu.dma_semaphore, #tpu.memory_space<semaphore_mem>>
      %dma_start3A_212 = arith.constant 0 : i32
      %dma_start3A_213 = tpu.memref_slice %arg7[%add3A_192, %dma_start3A_212] : memref<131072x128xf32, #tpu.memory_space<hbm>> -> memref<256x128xf32, #tpu.memory_space<hbm>>
      %dma_start3A_214 = arith.constant 0 : i32
      %dma_start3A_215 = tpu.memref_slice %arg7[%add3A_192, %dma_start3A_214] : memref<131072x128xf32, #tpu.memory_space<hbm>> -> memref<256x128xf32, #tpu.memory_space<hbm>>
      tpu.enqueue_dma source(%arg16 : memref<256x128xf32, #tpu.memory_space<vmem>>) target(%dma_start3A_215 : memref<256x128xf32, #tpu.memory_space<hbm>>) target_semaphore(%run_scoped3A : memref<!tpu.dma_semaphore, #tpu.memory_space<semaphore_mem>>)
      %dma_wait3A_216 = arith.constant 0 : i32
      %dma_wait3A_217 = tpu.memref_slice %arg7[%add3A_192, %dma_wait3A_216] : memref<131072x128xf32, #tpu.memory_space<hbm>> -> memref<256x128xf32, #tpu.memory_space<hbm>>
      %dma_wait3A_218 = arith.constant 0 : i32
      %dma_wait3A_219 = tpu.memref_slice %arg7[%add3A_192, %dma_wait3A_218] : memref<131072x128xf32, #tpu.memory_space<hbm>> -> memref<256x128xf32, #tpu.memory_space<hbm>>
      tpu.wait_dma2 semaphore(%run_scoped3A : memref<!tpu.dma_semaphore, #tpu.memory_space<semaphore_mem>>) src(%arg16 : memref<256x128xf32, #tpu.memory_space<vmem>>) dst(%dma_wait3A_219 : memref<256x128xf32, #tpu.memory_space<hbm>>)
      tpu.yield
    }) : () -> ()
    %dma_start3A_193 = arith.constant 3840 : i32
    %dma_start3A_194 = tpu.memref_slice %arg13[%dma_start3A_193] : memref<4096xi32, #tpu.memory_space<vmem>> -> memref<256xi32, #tpu.memory_space<vmem>>
    %dma_start3A_195 = arith.constant 0 : i32
    %dma_start3A_196 = arith.constant 0 : i32
    %dma_start3A_197 = tpu.memref_slice %arg17[%dma_start3A_195, %dma_start3A_196] : memref<2048x128xf32, #tpu.memory_space<vmem_shared>> -> memref<2048x128xf32, #tpu.memory_space<vmem_shared>>
    tpu.enqueue_indirect_dma source(%dma_start3A_197 : memref<2048x128xf32, #tpu.memory_space<vmem_shared>>) target(%arg16 : memref<256x128xf32, #tpu.memory_space<vmem>>) offsets(%dma_start3A_194 : memref<256xi32, #tpu.memory_space<vmem>>) semaphore(%arg19 : memref<!tpu.dma_semaphore, #tpu.memory_space<semaphore_mem>>)
    %dma_wait3A_198 = arith.constant 3584 : i32
    %dma_wait3A_199 = tpu.memref_slice %arg13[%dma_wait3A_198] : memref<4096xi32, #tpu.memory_space<vmem>> -> memref<256xi32, #tpu.memory_space<vmem>>
    %dma_wait3A_200 = arith.constant 0 : i32
    %dma_wait3A_201 = arith.constant 0 : i32
    %dma_wait3A_202 = tpu.memref_slice %arg17[%dma_wait3A_200, %dma_wait3A_201] : memref<2048x128xf32, #tpu.memory_space<vmem_shared>> -> memref<2048x128xf32, #tpu.memory_space<vmem_shared>>
    tpu.wait_indirect_dma semaphore(%arg18 : memref<!tpu.dma_semaphore, #tpu.memory_space<semaphore_mem>>) src(%dma_wait3A_202 : memref<2048x128xf32, #tpu.memory_space<vmem_shared>>) dst(%arg15 : memref<256x128xf32, #tpu.memory_space<vmem>>)
    %add3A_203 = arith.constant 3584 : i32
    %add3A_204 = arith.addi %mul3A_21, %add3A_203 : i32
    "tpu.region"() ({
      %run_scoped3A = tpu.sem_alloc : memref<!tpu.dma_semaphore, #tpu.memory_space<semaphore_mem>>
      %dma_start3A_212 = arith.constant 0 : i32
      %dma_start3A_213 = tpu.memref_slice %arg7[%add3A_204, %dma_start3A_212] : memref<131072x128xf32, #tpu.memory_space<hbm>> -> memref<256x128xf32, #tpu.memory_space<hbm>>
      %dma_start3A_214 = arith.constant 0 : i32
      %dma_start3A_215 = tpu.memref_slice %arg7[%add3A_204, %dma_start3A_214] : memref<131072x128xf32, #tpu.memory_space<hbm>> -> memref<256x128xf32, #tpu.memory_space<hbm>>
      tpu.enqueue_dma source(%arg15 : memref<256x128xf32, #tpu.memory_space<vmem>>) target(%dma_start3A_215 : memref<256x128xf32, #tpu.memory_space<hbm>>) target_semaphore(%run_scoped3A : memref<!tpu.dma_semaphore, #tpu.memory_space<semaphore_mem>>)
      %dma_wait3A_216 = arith.constant 0 : i32
      %dma_wait3A_217 = tpu.memref_slice %arg7[%add3A_204, %dma_wait3A_216] : memref<131072x128xf32, #tpu.memory_space<hbm>> -> memref<256x128xf32, #tpu.memory_space<hbm>>
      %dma_wait3A_218 = arith.constant 0 : i32
      %dma_wait3A_219 = tpu.memref_slice %arg7[%add3A_204, %dma_wait3A_218] : memref<131072x128xf32, #tpu.memory_space<hbm>> -> memref<256x128xf32, #tpu.memory_space<hbm>>
      tpu.wait_dma2 semaphore(%run_scoped3A : memref<!tpu.dma_semaphore, #tpu.memory_space<semaphore_mem>>) src(%arg15 : memref<256x128xf32, #tpu.memory_space<vmem>>) dst(%dma_wait3A_219 : memref<256x128xf32, #tpu.memory_space<hbm>>)
      tpu.yield
    }) : () -> ()
    %dma_wait3A_205 = arith.constant 3840 : i32
    %dma_wait3A_206 = tpu.memref_slice %arg13[%dma_wait3A_205] : memref<4096xi32, #tpu.memory_space<vmem>> -> memref<256xi32, #tpu.memory_space<vmem>>
    %dma_wait3A_207 = arith.constant 0 : i32
    %dma_wait3A_208 = arith.constant 0 : i32
    %dma_wait3A_209 = tpu.memref_slice %arg17[%dma_wait3A_207, %dma_wait3A_208] : memref<2048x128xf32, #tpu.memory_space<vmem_shared>> -> memref<2048x128xf32, #tpu.memory_space<vmem_shared>>
    tpu.wait_indirect_dma semaphore(%arg19 : memref<!tpu.dma_semaphore, #tpu.memory_space<semaphore_mem>>) src(%dma_wait3A_209 : memref<2048x128xf32, #tpu.memory_space<vmem_shared>>) dst(%arg16 : memref<256x128xf32, #tpu.memory_space<vmem>>)
    %add3A_210 = arith.constant 3840 : i32
    %add3A_211 = arith.addi %mul3A_21, %add3A_210 : i32
    "tpu.region"() ({
      %run_scoped3A = tpu.sem_alloc : memref<!tpu.dma_semaphore, #tpu.memory_space<semaphore_mem>>
      %dma_start3A_212 = arith.constant 0 : i32
      %dma_start3A_213 = tpu.memref_slice %arg7[%add3A_211, %dma_start3A_212] : memref<131072x128xf32, #tpu.memory_space<hbm>> -> memref<256x128xf32, #tpu.memory_space<hbm>>
      %dma_start3A_214 = arith.constant 0 : i32
      %dma_start3A_215 = tpu.memref_slice %arg7[%add3A_211, %dma_start3A_214] : memref<131072x128xf32, #tpu.memory_space<hbm>> -> memref<256x128xf32, #tpu.memory_space<hbm>>
      tpu.enqueue_dma source(%arg16 : memref<256x128xf32, #tpu.memory_space<vmem>>) target(%dma_start3A_215 : memref<256x128xf32, #tpu.memory_space<hbm>>) target_semaphore(%run_scoped3A : memref<!tpu.dma_semaphore, #tpu.memory_space<semaphore_mem>>)
      %dma_wait3A_216 = arith.constant 0 : i32
      %dma_wait3A_217 = tpu.memref_slice %arg7[%add3A_211, %dma_wait3A_216] : memref<131072x128xf32, #tpu.memory_space<hbm>> -> memref<256x128xf32, #tpu.memory_space<hbm>>
      %dma_wait3A_218 = arith.constant 0 : i32
      %dma_wait3A_219 = tpu.memref_slice %arg7[%add3A_211, %dma_wait3A_218] : memref<131072x128xf32, #tpu.memory_space<hbm>> -> memref<256x128xf32, #tpu.memory_space<hbm>>
      tpu.wait_dma2 semaphore(%run_scoped3A : memref<!tpu.dma_semaphore, #tpu.memory_space<semaphore_mem>>) src(%arg16 : memref<256x128xf32, #tpu.memory_space<vmem>>) dst(%dma_wait3A_219 : memref<256x128xf32, #tpu.memory_space<hbm>>)
      tpu.yield
    }) : () -> ()
    return
  }
}

#map = affine_map<(d0, d1) -> (0, 0)>
#map1 = affine_map<(d0, d1) -> (0)>
module attributes {stable_mosaic.version = 14 : i64} {
  func.func @_gather_body(%arg0: i32, %arg1: i32, %arg2: memref<2048x128xf32, #tpu.memory_space<hbm>>, %arg3: memref<131072xi32, #tpu.memory_space<hbm>>, %arg4: memref<131072x128xf32, #tpu.memory_space<hbm>>, %arg5: memref<4096xi32, #tpu.memory_space<vmem>>, %arg6: memref<256x128xf32, #tpu.memory_space<vmem>>, %arg7: memref<256x128xf32, #tpu.memory_space<vmem>>, %arg8: memref<2048x128xf32, #tpu.memory_space<vmem_shared>>, %arg9: memref<!tpu.dma_semaphore, #tpu.memory_space<semaphore_mem>>, %arg10: memref<!tpu.dma_semaphore, #tpu.memory_space<semaphore_mem>>) attributes {dimension_semantics = [#tpu.dimension_semantics<core_parallel>, #tpu.dimension_semantics<subcore_parallel>], iteration_bounds = array<i64: 2, 16>, scalar_prefetch = 0 : i64, scratch_operands = 6 : i64, tpu.core_type = #tpu.core_type<sc_vector_subcore>, window_params = [{transform_indices = #map}, {transform_indices = #map1}, {transform_indices = #map}]} {
    %mul3A = arith.constant 2 : i32
    %mul3A_0 = arith.muli %arg1, %mul3A : i32
    %add3A = arith.addi %mul3A_0, %arg0 : i32
    %mul3A_1 = arith.constant 4096 : i32
    %mul3A_2 = arith.muli %add3A, %mul3A_1 : i32
    %eq3A = arith.constant 0 : i32
    %eq3A_3 = arith.cmpi eq, %arg1, %eq3A : i32
    %convert_element_type3A = arith.extui %eq3A_3 : i1 to i32
    %cond3A = arith.constant 0 : i32
    %cond3A_4 = arith.cmpi ne, %convert_element_type3A, %cond3A : i32
    scf.if %cond3A_4 {
      "tpu.region"() ({
        %run_scoped3A = tpu.sem_alloc : memref<!tpu.dma_semaphore, #tpu.memory_space<semaphore_mem>>
        tpu.enqueue_dma source(%arg2 : memref<2048x128xf32, #tpu.memory_space<hbm>>) target(%arg8 : memref<2048x128xf32, #tpu.memory_space<vmem_shared>>) target_semaphore(%run_scoped3A : memref<!tpu.dma_semaphore, #tpu.memory_space<semaphore_mem>>)
        tpu.wait_dma2 semaphore(%run_scoped3A : memref<!tpu.dma_semaphore, #tpu.memory_space<semaphore_mem>>) src(%arg2 : memref<2048x128xf32, #tpu.memory_space<hbm>>) dst(%arg8 : memref<2048x128xf32, #tpu.memory_space<vmem_shared>>)
        tpu.yield
      }) : () -> ()
    } else {
    }
    "tpu.region"() ({
      %run_scoped3A = tpu.sem_alloc : memref<!tpu.dma_semaphore, #tpu.memory_space<semaphore_mem>>
      %dma_start3A_195 = tpu.memref_slice %arg3[%mul3A_2] : memref<131072xi32, #tpu.memory_space<hbm>> -> memref<4096xi32, #tpu.memory_space<hbm>>
      %dma_start3A_196 = tpu.memref_slice %arg3[%mul3A_2] : memref<131072xi32, #tpu.memory_space<hbm>> -> memref<4096xi32, #tpu.memory_space<hbm>>
      tpu.enqueue_dma source(%dma_start3A_196 : memref<4096xi32, #tpu.memory_space<hbm>>) target(%arg5 : memref<4096xi32, #tpu.memory_space<vmem>>) target_semaphore(%run_scoped3A : memref<!tpu.dma_semaphore, #tpu.memory_space<semaphore_mem>>)
      %dma_wait3A_197 = tpu.memref_slice %arg3[%mul3A_2] : memref<131072xi32, #tpu.memory_space<hbm>> -> memref<4096xi32, #tpu.memory_space<hbm>>
      %dma_wait3A_198 = tpu.memref_slice %arg3[%mul3A_2] : memref<131072xi32, #tpu.memory_space<hbm>> -> memref<4096xi32, #tpu.memory_space<hbm>>
      tpu.wait_dma2 semaphore(%run_scoped3A : memref<!tpu.dma_semaphore, #tpu.memory_space<semaphore_mem>>) src(%dma_wait3A_198 : memref<4096xi32, #tpu.memory_space<hbm>>) dst(%arg5 : memref<4096xi32, #tpu.memory_space<vmem>>)
      tpu.yield
    }) : () -> ()
    %barrier3A = arith.constant 0 : index
    tpu.barrier barrier_id(%barrier3A)
    %dma_start3A = arith.constant 0 : i32
    %dma_start3A_5 = tpu.memref_slice %arg5[%dma_start3A] : memref<4096xi32, #tpu.memory_space<vmem>> -> memref<256xi32, #tpu.memory_space<vmem>>
    %dma_start3A_6 = arith.constant 0 : i32
    %dma_start3A_7 = arith.constant 0 : i32
    %dma_start3A_8 = tpu.memref_slice %arg8[%dma_start3A_6, %dma_start3A_7] : memref<2048x128xf32, #tpu.memory_space<vmem_shared>> -> memref<2048x128xf32, #tpu.memory_space<vmem_shared>>
    tpu.enqueue_indirect_dma source(%dma_start3A_8 : memref<2048x128xf32, #tpu.memory_space<vmem_shared>>) target(%arg6 : memref<256x128xf32, #tpu.memory_space<vmem>>) offsets(%dma_start3A_5 : memref<256xi32, #tpu.memory_space<vmem>>) semaphore(%arg9 : memref<!tpu.dma_semaphore, #tpu.memory_space<semaphore_mem>>)
    %dma_start3A_9 = arith.constant 256 : i32
    %dma_start3A_10 = tpu.memref_slice %arg5[%dma_start3A_9] : memref<4096xi32, #tpu.memory_space<vmem>> -> memref<256xi32, #tpu.memory_space<vmem>>
    %dma_start3A_11 = arith.constant 0 : i32
    %dma_start3A_12 = arith.constant 0 : i32
    %dma_start3A_13 = tpu.memref_slice %arg8[%dma_start3A_11, %dma_start3A_12] : memref<2048x128xf32, #tpu.memory_space<vmem_shared>> -> memref<2048x128xf32, #tpu.memory_space<vmem_shared>>
    tpu.enqueue_indirect_dma source(%dma_start3A_13 : memref<2048x128xf32, #tpu.memory_space<vmem_shared>>) target(%arg7 : memref<256x128xf32, #tpu.memory_space<vmem>>) offsets(%dma_start3A_10 : memref<256xi32, #tpu.memory_space<vmem>>) semaphore(%arg10 : memref<!tpu.dma_semaphore, #tpu.memory_space<semaphore_mem>>)
    %dma_wait3A = arith.constant 0 : i32
    %dma_wait3A_14 = tpu.memref_slice %arg5[%dma_wait3A] : memref<4096xi32, #tpu.memory_space<vmem>> -> memref<256xi32, #tpu.memory_space<vmem>>
    %dma_wait3A_15 = arith.constant 0 : i32
    %dma_wait3A_16 = arith.constant 0 : i32
    %dma_wait3A_17 = tpu.memref_slice %arg8[%dma_wait3A_15, %dma_wait3A_16] : memref<2048x128xf32, #tpu.memory_space<vmem_shared>> -> memref<2048x128xf32, #tpu.memory_space<vmem_shared>>
    tpu.wait_indirect_dma semaphore(%arg9 : memref<!tpu.dma_semaphore, #tpu.memory_space<semaphore_mem>>) src(%dma_wait3A_17 : memref<2048x128xf32, #tpu.memory_space<vmem_shared>>) dst(%arg6 : memref<256x128xf32, #tpu.memory_space<vmem>>)
    %add3A_18 = arith.constant 0 : i32
    %add3A_19 = arith.addi %mul3A_2, %add3A_18 : i32
    "tpu.region"() ({
      %run_scoped3A = tpu.sem_alloc : memref<!tpu.dma_semaphore, #tpu.memory_space<semaphore_mem>>
      %dma_start3A_195 = arith.constant 0 : i32
      %dma_start3A_196 = tpu.memref_slice %arg4[%add3A_19, %dma_start3A_195] : memref<131072x128xf32, #tpu.memory_space<hbm>> -> memref<256x128xf32, #tpu.memory_space<hbm>>
      %dma_start3A_197 = arith.constant 0 : i32
      %dma_start3A_198 = tpu.memref_slice %arg4[%add3A_19, %dma_start3A_197] : memref<131072x128xf32, #tpu.memory_space<hbm>> -> memref<256x128xf32, #tpu.memory_space<hbm>>
      tpu.enqueue_dma source(%arg6 : memref<256x128xf32, #tpu.memory_space<vmem>>) target(%dma_start3A_198 : memref<256x128xf32, #tpu.memory_space<hbm>>) target_semaphore(%run_scoped3A : memref<!tpu.dma_semaphore, #tpu.memory_space<semaphore_mem>>)
      %dma_wait3A_199 = arith.constant 0 : i32
      %dma_wait3A_200 = tpu.memref_slice %arg4[%add3A_19, %dma_wait3A_199] : memref<131072x128xf32, #tpu.memory_space<hbm>> -> memref<256x128xf32, #tpu.memory_space<hbm>>
      %dma_wait3A_201 = arith.constant 0 : i32
      %dma_wait3A_202 = tpu.memref_slice %arg4[%add3A_19, %dma_wait3A_201] : memref<131072x128xf32, #tpu.memory_space<hbm>> -> memref<256x128xf32, #tpu.memory_space<hbm>>
      tpu.wait_dma2 semaphore(%run_scoped3A : memref<!tpu.dma_semaphore, #tpu.memory_space<semaphore_mem>>) src(%arg6 : memref<256x128xf32, #tpu.memory_space<vmem>>) dst(%dma_wait3A_202 : memref<256x128xf32, #tpu.memory_space<hbm>>)
      tpu.yield
    }) : () -> ()
    %dma_start3A_20 = arith.constant 512 : i32
    %dma_start3A_21 = tpu.memref_slice %arg5[%dma_start3A_20] : memref<4096xi32, #tpu.memory_space<vmem>> -> memref<256xi32, #tpu.memory_space<vmem>>
    %dma_start3A_22 = arith.constant 0 : i32
    %dma_start3A_23 = arith.constant 0 : i32
    %dma_start3A_24 = tpu.memref_slice %arg8[%dma_start3A_22, %dma_start3A_23] : memref<2048x128xf32, #tpu.memory_space<vmem_shared>> -> memref<2048x128xf32, #tpu.memory_space<vmem_shared>>
    tpu.enqueue_indirect_dma source(%dma_start3A_24 : memref<2048x128xf32, #tpu.memory_space<vmem_shared>>) target(%arg6 : memref<256x128xf32, #tpu.memory_space<vmem>>) offsets(%dma_start3A_21 : memref<256xi32, #tpu.memory_space<vmem>>) semaphore(%arg9 : memref<!tpu.dma_semaphore, #tpu.memory_space<semaphore_mem>>)
    %dma_wait3A_25 = arith.constant 256 : i32
    %dma_wait3A_26 = tpu.memref_slice %arg5[%dma_wait3A_25] : memref<4096xi32, #tpu.memory_space<vmem>> -> memref<256xi32, #tpu.memory_space<vmem>>
    %dma_wait3A_27 = arith.constant 0 : i32
    %dma_wait3A_28 = arith.constant 0 : i32
    %dma_wait3A_29 = tpu.memref_slice %arg8[%dma_wait3A_27, %dma_wait3A_28] : memref<2048x128xf32, #tpu.memory_space<vmem_shared>> -> memref<2048x128xf32, #tpu.memory_space<vmem_shared>>
    tpu.wait_indirect_dma semaphore(%arg10 : memref<!tpu.dma_semaphore, #tpu.memory_space<semaphore_mem>>) src(%dma_wait3A_29 : memref<2048x128xf32, #tpu.memory_space<vmem_shared>>) dst(%arg7 : memref<256x128xf32, #tpu.memory_space<vmem>>)
    %add3A_30 = arith.constant 256 : i32
    %add3A_31 = arith.addi %mul3A_2, %add3A_30 : i32
    "tpu.region"() ({
      %run_scoped3A = tpu.sem_alloc : memref<!tpu.dma_semaphore, #tpu.memory_space<semaphore_mem>>
      %dma_start3A_195 = arith.constant 0 : i32
      %dma_start3A_196 = tpu.memref_slice %arg4[%add3A_31, %dma_start3A_195] : memref<131072x128xf32, #tpu.memory_space<hbm>> -> memref<256x128xf32, #tpu.memory_space<hbm>>
      %dma_start3A_197 = arith.constant 0 : i32
      %dma_start3A_198 = tpu.memref_slice %arg4[%add3A_31, %dma_start3A_197] : memref<131072x128xf32, #tpu.memory_space<hbm>> -> memref<256x128xf32, #tpu.memory_space<hbm>>
      tpu.enqueue_dma source(%arg7 : memref<256x128xf32, #tpu.memory_space<vmem>>) target(%dma_start3A_198 : memref<256x128xf32, #tpu.memory_space<hbm>>) target_semaphore(%run_scoped3A : memref<!tpu.dma_semaphore, #tpu.memory_space<semaphore_mem>>)
      %dma_wait3A_199 = arith.constant 0 : i32
      %dma_wait3A_200 = tpu.memref_slice %arg4[%add3A_31, %dma_wait3A_199] : memref<131072x128xf32, #tpu.memory_space<hbm>> -> memref<256x128xf32, #tpu.memory_space<hbm>>
      %dma_wait3A_201 = arith.constant 0 : i32
      %dma_wait3A_202 = tpu.memref_slice %arg4[%add3A_31, %dma_wait3A_201] : memref<131072x128xf32, #tpu.memory_space<hbm>> -> memref<256x128xf32, #tpu.memory_space<hbm>>
      tpu.wait_dma2 semaphore(%run_scoped3A : memref<!tpu.dma_semaphore, #tpu.memory_space<semaphore_mem>>) src(%arg7 : memref<256x128xf32, #tpu.memory_space<vmem>>) dst(%dma_wait3A_202 : memref<256x128xf32, #tpu.memory_space<hbm>>)
      tpu.yield
    }) : () -> ()
    %dma_start3A_32 = arith.constant 768 : i32
    %dma_start3A_33 = tpu.memref_slice %arg5[%dma_start3A_32] : memref<4096xi32, #tpu.memory_space<vmem>> -> memref<256xi32, #tpu.memory_space<vmem>>
    %dma_start3A_34 = arith.constant 0 : i32
    %dma_start3A_35 = arith.constant 0 : i32
    %dma_start3A_36 = tpu.memref_slice %arg8[%dma_start3A_34, %dma_start3A_35] : memref<2048x128xf32, #tpu.memory_space<vmem_shared>> -> memref<2048x128xf32, #tpu.memory_space<vmem_shared>>
    tpu.enqueue_indirect_dma source(%dma_start3A_36 : memref<2048x128xf32, #tpu.memory_space<vmem_shared>>) target(%arg7 : memref<256x128xf32, #tpu.memory_space<vmem>>) offsets(%dma_start3A_33 : memref<256xi32, #tpu.memory_space<vmem>>) semaphore(%arg10 : memref<!tpu.dma_semaphore, #tpu.memory_space<semaphore_mem>>)
    %dma_wait3A_37 = arith.constant 512 : i32
    %dma_wait3A_38 = tpu.memref_slice %arg5[%dma_wait3A_37] : memref<4096xi32, #tpu.memory_space<vmem>> -> memref<256xi32, #tpu.memory_space<vmem>>
    %dma_wait3A_39 = arith.constant 0 : i32
    %dma_wait3A_40 = arith.constant 0 : i32
    %dma_wait3A_41 = tpu.memref_slice %arg8[%dma_wait3A_39, %dma_wait3A_40] : memref<2048x128xf32, #tpu.memory_space<vmem_shared>> -> memref<2048x128xf32, #tpu.memory_space<vmem_shared>>
    tpu.wait_indirect_dma semaphore(%arg9 : memref<!tpu.dma_semaphore, #tpu.memory_space<semaphore_mem>>) src(%dma_wait3A_41 : memref<2048x128xf32, #tpu.memory_space<vmem_shared>>) dst(%arg6 : memref<256x128xf32, #tpu.memory_space<vmem>>)
    %add3A_42 = arith.constant 512 : i32
    %add3A_43 = arith.addi %mul3A_2, %add3A_42 : i32
    "tpu.region"() ({
      %run_scoped3A = tpu.sem_alloc : memref<!tpu.dma_semaphore, #tpu.memory_space<semaphore_mem>>
      %dma_start3A_195 = arith.constant 0 : i32
      %dma_start3A_196 = tpu.memref_slice %arg4[%add3A_43, %dma_start3A_195] : memref<131072x128xf32, #tpu.memory_space<hbm>> -> memref<256x128xf32, #tpu.memory_space<hbm>>
      %dma_start3A_197 = arith.constant 0 : i32
      %dma_start3A_198 = tpu.memref_slice %arg4[%add3A_43, %dma_start3A_197] : memref<131072x128xf32, #tpu.memory_space<hbm>> -> memref<256x128xf32, #tpu.memory_space<hbm>>
      tpu.enqueue_dma source(%arg6 : memref<256x128xf32, #tpu.memory_space<vmem>>) target(%dma_start3A_198 : memref<256x128xf32, #tpu.memory_space<hbm>>) target_semaphore(%run_scoped3A : memref<!tpu.dma_semaphore, #tpu.memory_space<semaphore_mem>>)
      %dma_wait3A_199 = arith.constant 0 : i32
      %dma_wait3A_200 = tpu.memref_slice %arg4[%add3A_43, %dma_wait3A_199] : memref<131072x128xf32, #tpu.memory_space<hbm>> -> memref<256x128xf32, #tpu.memory_space<hbm>>
      %dma_wait3A_201 = arith.constant 0 : i32
      %dma_wait3A_202 = tpu.memref_slice %arg4[%add3A_43, %dma_wait3A_201] : memref<131072x128xf32, #tpu.memory_space<hbm>> -> memref<256x128xf32, #tpu.memory_space<hbm>>
      tpu.wait_dma2 semaphore(%run_scoped3A : memref<!tpu.dma_semaphore, #tpu.memory_space<semaphore_mem>>) src(%arg6 : memref<256x128xf32, #tpu.memory_space<vmem>>) dst(%dma_wait3A_202 : memref<256x128xf32, #tpu.memory_space<hbm>>)
      tpu.yield
    }) : () -> ()
    %dma_start3A_44 = arith.constant 1024 : i32
    %dma_start3A_45 = tpu.memref_slice %arg5[%dma_start3A_44] : memref<4096xi32, #tpu.memory_space<vmem>> -> memref<256xi32, #tpu.memory_space<vmem>>
    %dma_start3A_46 = arith.constant 0 : i32
    %dma_start3A_47 = arith.constant 0 : i32
    %dma_start3A_48 = tpu.memref_slice %arg8[%dma_start3A_46, %dma_start3A_47] : memref<2048x128xf32, #tpu.memory_space<vmem_shared>> -> memref<2048x128xf32, #tpu.memory_space<vmem_shared>>
    tpu.enqueue_indirect_dma source(%dma_start3A_48 : memref<2048x128xf32, #tpu.memory_space<vmem_shared>>) target(%arg6 : memref<256x128xf32, #tpu.memory_space<vmem>>) offsets(%dma_start3A_45 : memref<256xi32, #tpu.memory_space<vmem>>) semaphore(%arg9 : memref<!tpu.dma_semaphore, #tpu.memory_space<semaphore_mem>>)
    %dma_wait3A_49 = arith.constant 768 : i32
    %dma_wait3A_50 = tpu.memref_slice %arg5[%dma_wait3A_49] : memref<4096xi32, #tpu.memory_space<vmem>> -> memref<256xi32, #tpu.memory_space<vmem>>
    %dma_wait3A_51 = arith.constant 0 : i32
    %dma_wait3A_52 = arith.constant 0 : i32
    %dma_wait3A_53 = tpu.memref_slice %arg8[%dma_wait3A_51, %dma_wait3A_52] : memref<2048x128xf32, #tpu.memory_space<vmem_shared>> -> memref<2048x128xf32, #tpu.memory_space<vmem_shared>>
    tpu.wait_indirect_dma semaphore(%arg10 : memref<!tpu.dma_semaphore, #tpu.memory_space<semaphore_mem>>) src(%dma_wait3A_53 : memref<2048x128xf32, #tpu.memory_space<vmem_shared>>) dst(%arg7 : memref<256x128xf32, #tpu.memory_space<vmem>>)
    %add3A_54 = arith.constant 768 : i32
    %add3A_55 = arith.addi %mul3A_2, %add3A_54 : i32
    "tpu.region"() ({
      %run_scoped3A = tpu.sem_alloc : memref<!tpu.dma_semaphore, #tpu.memory_space<semaphore_mem>>
      %dma_start3A_195 = arith.constant 0 : i32
      %dma_start3A_196 = tpu.memref_slice %arg4[%add3A_55, %dma_start3A_195] : memref<131072x128xf32, #tpu.memory_space<hbm>> -> memref<256x128xf32, #tpu.memory_space<hbm>>
      %dma_start3A_197 = arith.constant 0 : i32
      %dma_start3A_198 = tpu.memref_slice %arg4[%add3A_55, %dma_start3A_197] : memref<131072x128xf32, #tpu.memory_space<hbm>> -> memref<256x128xf32, #tpu.memory_space<hbm>>
      tpu.enqueue_dma source(%arg7 : memref<256x128xf32, #tpu.memory_space<vmem>>) target(%dma_start3A_198 : memref<256x128xf32, #tpu.memory_space<hbm>>) target_semaphore(%run_scoped3A : memref<!tpu.dma_semaphore, #tpu.memory_space<semaphore_mem>>)
      %dma_wait3A_199 = arith.constant 0 : i32
      %dma_wait3A_200 = tpu.memref_slice %arg4[%add3A_55, %dma_wait3A_199] : memref<131072x128xf32, #tpu.memory_space<hbm>> -> memref<256x128xf32, #tpu.memory_space<hbm>>
      %dma_wait3A_201 = arith.constant 0 : i32
      %dma_wait3A_202 = tpu.memref_slice %arg4[%add3A_55, %dma_wait3A_201] : memref<131072x128xf32, #tpu.memory_space<hbm>> -> memref<256x128xf32, #tpu.memory_space<hbm>>
      tpu.wait_dma2 semaphore(%run_scoped3A : memref<!tpu.dma_semaphore, #tpu.memory_space<semaphore_mem>>) src(%arg7 : memref<256x128xf32, #tpu.memory_space<vmem>>) dst(%dma_wait3A_202 : memref<256x128xf32, #tpu.memory_space<hbm>>)
      tpu.yield
    }) : () -> ()
    %dma_start3A_56 = arith.constant 1280 : i32
    %dma_start3A_57 = tpu.memref_slice %arg5[%dma_start3A_56] : memref<4096xi32, #tpu.memory_space<vmem>> -> memref<256xi32, #tpu.memory_space<vmem>>
    %dma_start3A_58 = arith.constant 0 : i32
    %dma_start3A_59 = arith.constant 0 : i32
    %dma_start3A_60 = tpu.memref_slice %arg8[%dma_start3A_58, %dma_start3A_59] : memref<2048x128xf32, #tpu.memory_space<vmem_shared>> -> memref<2048x128xf32, #tpu.memory_space<vmem_shared>>
    tpu.enqueue_indirect_dma source(%dma_start3A_60 : memref<2048x128xf32, #tpu.memory_space<vmem_shared>>) target(%arg7 : memref<256x128xf32, #tpu.memory_space<vmem>>) offsets(%dma_start3A_57 : memref<256xi32, #tpu.memory_space<vmem>>) semaphore(%arg10 : memref<!tpu.dma_semaphore, #tpu.memory_space<semaphore_mem>>)
    %dma_wait3A_61 = arith.constant 1024 : i32
    %dma_wait3A_62 = tpu.memref_slice %arg5[%dma_wait3A_61] : memref<4096xi32, #tpu.memory_space<vmem>> -> memref<256xi32, #tpu.memory_space<vmem>>
    %dma_wait3A_63 = arith.constant 0 : i32
    %dma_wait3A_64 = arith.constant 0 : i32
    %dma_wait3A_65 = tpu.memref_slice %arg8[%dma_wait3A_63, %dma_wait3A_64] : memref<2048x128xf32, #tpu.memory_space<vmem_shared>> -> memref<2048x128xf32, #tpu.memory_space<vmem_shared>>
    tpu.wait_indirect_dma semaphore(%arg9 : memref<!tpu.dma_semaphore, #tpu.memory_space<semaphore_mem>>) src(%dma_wait3A_65 : memref<2048x128xf32, #tpu.memory_space<vmem_shared>>) dst(%arg6 : memref<256x128xf32, #tpu.memory_space<vmem>>)
    %add3A_66 = arith.constant 1024 : i32
    %add3A_67 = arith.addi %mul3A_2, %add3A_66 : i32
    "tpu.region"() ({
      %run_scoped3A = tpu.sem_alloc : memref<!tpu.dma_semaphore, #tpu.memory_space<semaphore_mem>>
      %dma_start3A_195 = arith.constant 0 : i32
      %dma_start3A_196 = tpu.memref_slice %arg4[%add3A_67, %dma_start3A_195] : memref<131072x128xf32, #tpu.memory_space<hbm>> -> memref<256x128xf32, #tpu.memory_space<hbm>>
      %dma_start3A_197 = arith.constant 0 : i32
      %dma_start3A_198 = tpu.memref_slice %arg4[%add3A_67, %dma_start3A_197] : memref<131072x128xf32, #tpu.memory_space<hbm>> -> memref<256x128xf32, #tpu.memory_space<hbm>>
      tpu.enqueue_dma source(%arg6 : memref<256x128xf32, #tpu.memory_space<vmem>>) target(%dma_start3A_198 : memref<256x128xf32, #tpu.memory_space<hbm>>) target_semaphore(%run_scoped3A : memref<!tpu.dma_semaphore, #tpu.memory_space<semaphore_mem>>)
      %dma_wait3A_199 = arith.constant 0 : i32
      %dma_wait3A_200 = tpu.memref_slice %arg4[%add3A_67, %dma_wait3A_199] : memref<131072x128xf32, #tpu.memory_space<hbm>> -> memref<256x128xf32, #tpu.memory_space<hbm>>
      %dma_wait3A_201 = arith.constant 0 : i32
      %dma_wait3A_202 = tpu.memref_slice %arg4[%add3A_67, %dma_wait3A_201] : memref<131072x128xf32, #tpu.memory_space<hbm>> -> memref<256x128xf32, #tpu.memory_space<hbm>>
      tpu.wait_dma2 semaphore(%run_scoped3A : memref<!tpu.dma_semaphore, #tpu.memory_space<semaphore_mem>>) src(%arg6 : memref<256x128xf32, #tpu.memory_space<vmem>>) dst(%dma_wait3A_202 : memref<256x128xf32, #tpu.memory_space<hbm>>)
      tpu.yield
    }) : () -> ()
    %dma_start3A_68 = arith.constant 1536 : i32
    %dma_start3A_69 = tpu.memref_slice %arg5[%dma_start3A_68] : memref<4096xi32, #tpu.memory_space<vmem>> -> memref<256xi32, #tpu.memory_space<vmem>>
    %dma_start3A_70 = arith.constant 0 : i32
    %dma_start3A_71 = arith.constant 0 : i32
    %dma_start3A_72 = tpu.memref_slice %arg8[%dma_start3A_70, %dma_start3A_71] : memref<2048x128xf32, #tpu.memory_space<vmem_shared>> -> memref<2048x128xf32, #tpu.memory_space<vmem_shared>>
    tpu.enqueue_indirect_dma source(%dma_start3A_72 : memref<2048x128xf32, #tpu.memory_space<vmem_shared>>) target(%arg6 : memref<256x128xf32, #tpu.memory_space<vmem>>) offsets(%dma_start3A_69 : memref<256xi32, #tpu.memory_space<vmem>>) semaphore(%arg9 : memref<!tpu.dma_semaphore, #tpu.memory_space<semaphore_mem>>)
    %dma_wait3A_73 = arith.constant 1280 : i32
    %dma_wait3A_74 = tpu.memref_slice %arg5[%dma_wait3A_73] : memref<4096xi32, #tpu.memory_space<vmem>> -> memref<256xi32, #tpu.memory_space<vmem>>
    %dma_wait3A_75 = arith.constant 0 : i32
    %dma_wait3A_76 = arith.constant 0 : i32
    %dma_wait3A_77 = tpu.memref_slice %arg8[%dma_wait3A_75, %dma_wait3A_76] : memref<2048x128xf32, #tpu.memory_space<vmem_shared>> -> memref<2048x128xf32, #tpu.memory_space<vmem_shared>>
    tpu.wait_indirect_dma semaphore(%arg10 : memref<!tpu.dma_semaphore, #tpu.memory_space<semaphore_mem>>) src(%dma_wait3A_77 : memref<2048x128xf32, #tpu.memory_space<vmem_shared>>) dst(%arg7 : memref<256x128xf32, #tpu.memory_space<vmem>>)
    %add3A_78 = arith.constant 1280 : i32
    %add3A_79 = arith.addi %mul3A_2, %add3A_78 : i32
    "tpu.region"() ({
      %run_scoped3A = tpu.sem_alloc : memref<!tpu.dma_semaphore, #tpu.memory_space<semaphore_mem>>
      %dma_start3A_195 = arith.constant 0 : i32
      %dma_start3A_196 = tpu.memref_slice %arg4[%add3A_79, %dma_start3A_195] : memref<131072x128xf32, #tpu.memory_space<hbm>> -> memref<256x128xf32, #tpu.memory_space<hbm>>
      %dma_start3A_197 = arith.constant 0 : i32
      %dma_start3A_198 = tpu.memref_slice %arg4[%add3A_79, %dma_start3A_197] : memref<131072x128xf32, #tpu.memory_space<hbm>> -> memref<256x128xf32, #tpu.memory_space<hbm>>
      tpu.enqueue_dma source(%arg7 : memref<256x128xf32, #tpu.memory_space<vmem>>) target(%dma_start3A_198 : memref<256x128xf32, #tpu.memory_space<hbm>>) target_semaphore(%run_scoped3A : memref<!tpu.dma_semaphore, #tpu.memory_space<semaphore_mem>>)
      %dma_wait3A_199 = arith.constant 0 : i32
      %dma_wait3A_200 = tpu.memref_slice %arg4[%add3A_79, %dma_wait3A_199] : memref<131072x128xf32, #tpu.memory_space<hbm>> -> memref<256x128xf32, #tpu.memory_space<hbm>>
      %dma_wait3A_201 = arith.constant 0 : i32
      %dma_wait3A_202 = tpu.memref_slice %arg4[%add3A_79, %dma_wait3A_201] : memref<131072x128xf32, #tpu.memory_space<hbm>> -> memref<256x128xf32, #tpu.memory_space<hbm>>
      tpu.wait_dma2 semaphore(%run_scoped3A : memref<!tpu.dma_semaphore, #tpu.memory_space<semaphore_mem>>) src(%arg7 : memref<256x128xf32, #tpu.memory_space<vmem>>) dst(%dma_wait3A_202 : memref<256x128xf32, #tpu.memory_space<hbm>>)
      tpu.yield
    }) : () -> ()
    %dma_start3A_80 = arith.constant 1792 : i32
    %dma_start3A_81 = tpu.memref_slice %arg5[%dma_start3A_80] : memref<4096xi32, #tpu.memory_space<vmem>> -> memref<256xi32, #tpu.memory_space<vmem>>
    %dma_start3A_82 = arith.constant 0 : i32
    %dma_start3A_83 = arith.constant 0 : i32
    %dma_start3A_84 = tpu.memref_slice %arg8[%dma_start3A_82, %dma_start3A_83] : memref<2048x128xf32, #tpu.memory_space<vmem_shared>> -> memref<2048x128xf32, #tpu.memory_space<vmem_shared>>
    tpu.enqueue_indirect_dma source(%dma_start3A_84 : memref<2048x128xf32, #tpu.memory_space<vmem_shared>>) target(%arg7 : memref<256x128xf32, #tpu.memory_space<vmem>>) offsets(%dma_start3A_81 : memref<256xi32, #tpu.memory_space<vmem>>) semaphore(%arg10 : memref<!tpu.dma_semaphore, #tpu.memory_space<semaphore_mem>>)
    %dma_wait3A_85 = arith.constant 1536 : i32
    %dma_wait3A_86 = tpu.memref_slice %arg5[%dma_wait3A_85] : memref<4096xi32, #tpu.memory_space<vmem>> -> memref<256xi32, #tpu.memory_space<vmem>>
    %dma_wait3A_87 = arith.constant 0 : i32
    %dma_wait3A_88 = arith.constant 0 : i32
    %dma_wait3A_89 = tpu.memref_slice %arg8[%dma_wait3A_87, %dma_wait3A_88] : memref<2048x128xf32, #tpu.memory_space<vmem_shared>> -> memref<2048x128xf32, #tpu.memory_space<vmem_shared>>
    tpu.wait_indirect_dma semaphore(%arg9 : memref<!tpu.dma_semaphore, #tpu.memory_space<semaphore_mem>>) src(%dma_wait3A_89 : memref<2048x128xf32, #tpu.memory_space<vmem_shared>>) dst(%arg6 : memref<256x128xf32, #tpu.memory_space<vmem>>)
    %add3A_90 = arith.constant 1536 : i32
    %add3A_91 = arith.addi %mul3A_2, %add3A_90 : i32
    "tpu.region"() ({
      %run_scoped3A = tpu.sem_alloc : memref<!tpu.dma_semaphore, #tpu.memory_space<semaphore_mem>>
      %dma_start3A_195 = arith.constant 0 : i32
      %dma_start3A_196 = tpu.memref_slice %arg4[%add3A_91, %dma_start3A_195] : memref<131072x128xf32, #tpu.memory_space<hbm>> -> memref<256x128xf32, #tpu.memory_space<hbm>>
      %dma_start3A_197 = arith.constant 0 : i32
      %dma_start3A_198 = tpu.memref_slice %arg4[%add3A_91, %dma_start3A_197] : memref<131072x128xf32, #tpu.memory_space<hbm>> -> memref<256x128xf32, #tpu.memory_space<hbm>>
      tpu.enqueue_dma source(%arg6 : memref<256x128xf32, #tpu.memory_space<vmem>>) target(%dma_start3A_198 : memref<256x128xf32, #tpu.memory_space<hbm>>) target_semaphore(%run_scoped3A : memref<!tpu.dma_semaphore, #tpu.memory_space<semaphore_mem>>)
      %dma_wait3A_199 = arith.constant 0 : i32
      %dma_wait3A_200 = tpu.memref_slice %arg4[%add3A_91, %dma_wait3A_199] : memref<131072x128xf32, #tpu.memory_space<hbm>> -> memref<256x128xf32, #tpu.memory_space<hbm>>
      %dma_wait3A_201 = arith.constant 0 : i32
      %dma_wait3A_202 = tpu.memref_slice %arg4[%add3A_91, %dma_wait3A_201] : memref<131072x128xf32, #tpu.memory_space<hbm>> -> memref<256x128xf32, #tpu.memory_space<hbm>>
      tpu.wait_dma2 semaphore(%run_scoped3A : memref<!tpu.dma_semaphore, #tpu.memory_space<semaphore_mem>>) src(%arg6 : memref<256x128xf32, #tpu.memory_space<vmem>>) dst(%dma_wait3A_202 : memref<256x128xf32, #tpu.memory_space<hbm>>)
      tpu.yield
    }) : () -> ()
    %dma_start3A_92 = arith.constant 2048 : i32
    %dma_start3A_93 = tpu.memref_slice %arg5[%dma_start3A_92] : memref<4096xi32, #tpu.memory_space<vmem>> -> memref<256xi32, #tpu.memory_space<vmem>>
    %dma_start3A_94 = arith.constant 0 : i32
    %dma_start3A_95 = arith.constant 0 : i32
    %dma_start3A_96 = tpu.memref_slice %arg8[%dma_start3A_94, %dma_start3A_95] : memref<2048x128xf32, #tpu.memory_space<vmem_shared>> -> memref<2048x128xf32, #tpu.memory_space<vmem_shared>>
    tpu.enqueue_indirect_dma source(%dma_start3A_96 : memref<2048x128xf32, #tpu.memory_space<vmem_shared>>) target(%arg6 : memref<256x128xf32, #tpu.memory_space<vmem>>) offsets(%dma_start3A_93 : memref<256xi32, #tpu.memory_space<vmem>>) semaphore(%arg9 : memref<!tpu.dma_semaphore, #tpu.memory_space<semaphore_mem>>)
    %dma_wait3A_97 = arith.constant 1792 : i32
    %dma_wait3A_98 = tpu.memref_slice %arg5[%dma_wait3A_97] : memref<4096xi32, #tpu.memory_space<vmem>> -> memref<256xi32, #tpu.memory_space<vmem>>
    %dma_wait3A_99 = arith.constant 0 : i32
    %dma_wait3A_100 = arith.constant 0 : i32
    %dma_wait3A_101 = tpu.memref_slice %arg8[%dma_wait3A_99, %dma_wait3A_100] : memref<2048x128xf32, #tpu.memory_space<vmem_shared>> -> memref<2048x128xf32, #tpu.memory_space<vmem_shared>>
    tpu.wait_indirect_dma semaphore(%arg10 : memref<!tpu.dma_semaphore, #tpu.memory_space<semaphore_mem>>) src(%dma_wait3A_101 : memref<2048x128xf32, #tpu.memory_space<vmem_shared>>) dst(%arg7 : memref<256x128xf32, #tpu.memory_space<vmem>>)
    %add3A_102 = arith.constant 1792 : i32
    %add3A_103 = arith.addi %mul3A_2, %add3A_102 : i32
    "tpu.region"() ({
      %run_scoped3A = tpu.sem_alloc : memref<!tpu.dma_semaphore, #tpu.memory_space<semaphore_mem>>
      %dma_start3A_195 = arith.constant 0 : i32
      %dma_start3A_196 = tpu.memref_slice %arg4[%add3A_103, %dma_start3A_195] : memref<131072x128xf32, #tpu.memory_space<hbm>> -> memref<256x128xf32, #tpu.memory_space<hbm>>
      %dma_start3A_197 = arith.constant 0 : i32
      %dma_start3A_198 = tpu.memref_slice %arg4[%add3A_103, %dma_start3A_197] : memref<131072x128xf32, #tpu.memory_space<hbm>> -> memref<256x128xf32, #tpu.memory_space<hbm>>
      tpu.enqueue_dma source(%arg7 : memref<256x128xf32, #tpu.memory_space<vmem>>) target(%dma_start3A_198 : memref<256x128xf32, #tpu.memory_space<hbm>>) target_semaphore(%run_scoped3A : memref<!tpu.dma_semaphore, #tpu.memory_space<semaphore_mem>>)
      %dma_wait3A_199 = arith.constant 0 : i32
      %dma_wait3A_200 = tpu.memref_slice %arg4[%add3A_103, %dma_wait3A_199] : memref<131072x128xf32, #tpu.memory_space<hbm>> -> memref<256x128xf32, #tpu.memory_space<hbm>>
      %dma_wait3A_201 = arith.constant 0 : i32
      %dma_wait3A_202 = tpu.memref_slice %arg4[%add3A_103, %dma_wait3A_201] : memref<131072x128xf32, #tpu.memory_space<hbm>> -> memref<256x128xf32, #tpu.memory_space<hbm>>
      tpu.wait_dma2 semaphore(%run_scoped3A : memref<!tpu.dma_semaphore, #tpu.memory_space<semaphore_mem>>) src(%arg7 : memref<256x128xf32, #tpu.memory_space<vmem>>) dst(%dma_wait3A_202 : memref<256x128xf32, #tpu.memory_space<hbm>>)
      tpu.yield
    }) : () -> ()
    %dma_start3A_104 = arith.constant 2304 : i32
    %dma_start3A_105 = tpu.memref_slice %arg5[%dma_start3A_104] : memref<4096xi32, #tpu.memory_space<vmem>> -> memref<256xi32, #tpu.memory_space<vmem>>
    %dma_start3A_106 = arith.constant 0 : i32
    %dma_start3A_107 = arith.constant 0 : i32
    %dma_start3A_108 = tpu.memref_slice %arg8[%dma_start3A_106, %dma_start3A_107] : memref<2048x128xf32, #tpu.memory_space<vmem_shared>> -> memref<2048x128xf32, #tpu.memory_space<vmem_shared>>
    tpu.enqueue_indirect_dma source(%dma_start3A_108 : memref<2048x128xf32, #tpu.memory_space<vmem_shared>>) target(%arg7 : memref<256x128xf32, #tpu.memory_space<vmem>>) offsets(%dma_start3A_105 : memref<256xi32, #tpu.memory_space<vmem>>) semaphore(%arg10 : memref<!tpu.dma_semaphore, #tpu.memory_space<semaphore_mem>>)
    %dma_wait3A_109 = arith.constant 2048 : i32
    %dma_wait3A_110 = tpu.memref_slice %arg5[%dma_wait3A_109] : memref<4096xi32, #tpu.memory_space<vmem>> -> memref<256xi32, #tpu.memory_space<vmem>>
    %dma_wait3A_111 = arith.constant 0 : i32
    %dma_wait3A_112 = arith.constant 0 : i32
    %dma_wait3A_113 = tpu.memref_slice %arg8[%dma_wait3A_111, %dma_wait3A_112] : memref<2048x128xf32, #tpu.memory_space<vmem_shared>> -> memref<2048x128xf32, #tpu.memory_space<vmem_shared>>
    tpu.wait_indirect_dma semaphore(%arg9 : memref<!tpu.dma_semaphore, #tpu.memory_space<semaphore_mem>>) src(%dma_wait3A_113 : memref<2048x128xf32, #tpu.memory_space<vmem_shared>>) dst(%arg6 : memref<256x128xf32, #tpu.memory_space<vmem>>)
    %add3A_114 = arith.constant 2048 : i32
    %add3A_115 = arith.addi %mul3A_2, %add3A_114 : i32
    "tpu.region"() ({
      %run_scoped3A = tpu.sem_alloc : memref<!tpu.dma_semaphore, #tpu.memory_space<semaphore_mem>>
      %dma_start3A_195 = arith.constant 0 : i32
      %dma_start3A_196 = tpu.memref_slice %arg4[%add3A_115, %dma_start3A_195] : memref<131072x128xf32, #tpu.memory_space<hbm>> -> memref<256x128xf32, #tpu.memory_space<hbm>>
      %dma_start3A_197 = arith.constant 0 : i32
      %dma_start3A_198 = tpu.memref_slice %arg4[%add3A_115, %dma_start3A_197] : memref<131072x128xf32, #tpu.memory_space<hbm>> -> memref<256x128xf32, #tpu.memory_space<hbm>>
      tpu.enqueue_dma source(%arg6 : memref<256x128xf32, #tpu.memory_space<vmem>>) target(%dma_start3A_198 : memref<256x128xf32, #tpu.memory_space<hbm>>) target_semaphore(%run_scoped3A : memref<!tpu.dma_semaphore, #tpu.memory_space<semaphore_mem>>)
      %dma_wait3A_199 = arith.constant 0 : i32
      %dma_wait3A_200 = tpu.memref_slice %arg4[%add3A_115, %dma_wait3A_199] : memref<131072x128xf32, #tpu.memory_space<hbm>> -> memref<256x128xf32, #tpu.memory_space<hbm>>
      %dma_wait3A_201 = arith.constant 0 : i32
      %dma_wait3A_202 = tpu.memref_slice %arg4[%add3A_115, %dma_wait3A_201] : memref<131072x128xf32, #tpu.memory_space<hbm>> -> memref<256x128xf32, #tpu.memory_space<hbm>>
      tpu.wait_dma2 semaphore(%run_scoped3A : memref<!tpu.dma_semaphore, #tpu.memory_space<semaphore_mem>>) src(%arg6 : memref<256x128xf32, #tpu.memory_space<vmem>>) dst(%dma_wait3A_202 : memref<256x128xf32, #tpu.memory_space<hbm>>)
      tpu.yield
    }) : () -> ()
    %dma_start3A_116 = arith.constant 2560 : i32
    %dma_start3A_117 = tpu.memref_slice %arg5[%dma_start3A_116] : memref<4096xi32, #tpu.memory_space<vmem>> -> memref<256xi32, #tpu.memory_space<vmem>>
    %dma_start3A_118 = arith.constant 0 : i32
    %dma_start3A_119 = arith.constant 0 : i32
    %dma_start3A_120 = tpu.memref_slice %arg8[%dma_start3A_118, %dma_start3A_119] : memref<2048x128xf32, #tpu.memory_space<vmem_shared>> -> memref<2048x128xf32, #tpu.memory_space<vmem_shared>>
    tpu.enqueue_indirect_dma source(%dma_start3A_120 : memref<2048x128xf32, #tpu.memory_space<vmem_shared>>) target(%arg6 : memref<256x128xf32, #tpu.memory_space<vmem>>) offsets(%dma_start3A_117 : memref<256xi32, #tpu.memory_space<vmem>>) semaphore(%arg9 : memref<!tpu.dma_semaphore, #tpu.memory_space<semaphore_mem>>)
    %dma_wait3A_121 = arith.constant 2304 : i32
    %dma_wait3A_122 = tpu.memref_slice %arg5[%dma_wait3A_121] : memref<4096xi32, #tpu.memory_space<vmem>> -> memref<256xi32, #tpu.memory_space<vmem>>
    %dma_wait3A_123 = arith.constant 0 : i32
    %dma_wait3A_124 = arith.constant 0 : i32
    %dma_wait3A_125 = tpu.memref_slice %arg8[%dma_wait3A_123, %dma_wait3A_124] : memref<2048x128xf32, #tpu.memory_space<vmem_shared>> -> memref<2048x128xf32, #tpu.memory_space<vmem_shared>>
    tpu.wait_indirect_dma semaphore(%arg10 : memref<!tpu.dma_semaphore, #tpu.memory_space<semaphore_mem>>) src(%dma_wait3A_125 : memref<2048x128xf32, #tpu.memory_space<vmem_shared>>) dst(%arg7 : memref<256x128xf32, #tpu.memory_space<vmem>>)
    %add3A_126 = arith.constant 2304 : i32
    %add3A_127 = arith.addi %mul3A_2, %add3A_126 : i32
    "tpu.region"() ({
      %run_scoped3A = tpu.sem_alloc : memref<!tpu.dma_semaphore, #tpu.memory_space<semaphore_mem>>
      %dma_start3A_195 = arith.constant 0 : i32
      %dma_start3A_196 = tpu.memref_slice %arg4[%add3A_127, %dma_start3A_195] : memref<131072x128xf32, #tpu.memory_space<hbm>> -> memref<256x128xf32, #tpu.memory_space<hbm>>
      %dma_start3A_197 = arith.constant 0 : i32
      %dma_start3A_198 = tpu.memref_slice %arg4[%add3A_127, %dma_start3A_197] : memref<131072x128xf32, #tpu.memory_space<hbm>> -> memref<256x128xf32, #tpu.memory_space<hbm>>
      tpu.enqueue_dma source(%arg7 : memref<256x128xf32, #tpu.memory_space<vmem>>) target(%dma_start3A_198 : memref<256x128xf32, #tpu.memory_space<hbm>>) target_semaphore(%run_scoped3A : memref<!tpu.dma_semaphore, #tpu.memory_space<semaphore_mem>>)
      %dma_wait3A_199 = arith.constant 0 : i32
      %dma_wait3A_200 = tpu.memref_slice %arg4[%add3A_127, %dma_wait3A_199] : memref<131072x128xf32, #tpu.memory_space<hbm>> -> memref<256x128xf32, #tpu.memory_space<hbm>>
      %dma_wait3A_201 = arith.constant 0 : i32
      %dma_wait3A_202 = tpu.memref_slice %arg4[%add3A_127, %dma_wait3A_201] : memref<131072x128xf32, #tpu.memory_space<hbm>> -> memref<256x128xf32, #tpu.memory_space<hbm>>
      tpu.wait_dma2 semaphore(%run_scoped3A : memref<!tpu.dma_semaphore, #tpu.memory_space<semaphore_mem>>) src(%arg7 : memref<256x128xf32, #tpu.memory_space<vmem>>) dst(%dma_wait3A_202 : memref<256x128xf32, #tpu.memory_space<hbm>>)
      tpu.yield
    }) : () -> ()
    %dma_start3A_128 = arith.constant 2816 : i32
    %dma_start3A_129 = tpu.memref_slice %arg5[%dma_start3A_128] : memref<4096xi32, #tpu.memory_space<vmem>> -> memref<256xi32, #tpu.memory_space<vmem>>
    %dma_start3A_130 = arith.constant 0 : i32
    %dma_start3A_131 = arith.constant 0 : i32
    %dma_start3A_132 = tpu.memref_slice %arg8[%dma_start3A_130, %dma_start3A_131] : memref<2048x128xf32, #tpu.memory_space<vmem_shared>> -> memref<2048x128xf32, #tpu.memory_space<vmem_shared>>
    tpu.enqueue_indirect_dma source(%dma_start3A_132 : memref<2048x128xf32, #tpu.memory_space<vmem_shared>>) target(%arg7 : memref<256x128xf32, #tpu.memory_space<vmem>>) offsets(%dma_start3A_129 : memref<256xi32, #tpu.memory_space<vmem>>) semaphore(%arg10 : memref<!tpu.dma_semaphore, #tpu.memory_space<semaphore_mem>>)
    %dma_wait3A_133 = arith.constant 2560 : i32
    %dma_wait3A_134 = tpu.memref_slice %arg5[%dma_wait3A_133] : memref<4096xi32, #tpu.memory_space<vmem>> -> memref<256xi32, #tpu.memory_space<vmem>>
    %dma_wait3A_135 = arith.constant 0 : i32
    %dma_wait3A_136 = arith.constant 0 : i32
    %dma_wait3A_137 = tpu.memref_slice %arg8[%dma_wait3A_135, %dma_wait3A_136] : memref<2048x128xf32, #tpu.memory_space<vmem_shared>> -> memref<2048x128xf32, #tpu.memory_space<vmem_shared>>
    tpu.wait_indirect_dma semaphore(%arg9 : memref<!tpu.dma_semaphore, #tpu.memory_space<semaphore_mem>>) src(%dma_wait3A_137 : memref<2048x128xf32, #tpu.memory_space<vmem_shared>>) dst(%arg6 : memref<256x128xf32, #tpu.memory_space<vmem>>)
    %add3A_138 = arith.constant 2560 : i32
    %add3A_139 = arith.addi %mul3A_2, %add3A_138 : i32
    "tpu.region"() ({
      %run_scoped3A = tpu.sem_alloc : memref<!tpu.dma_semaphore, #tpu.memory_space<semaphore_mem>>
      %dma_start3A_195 = arith.constant 0 : i32
      %dma_start3A_196 = tpu.memref_slice %arg4[%add3A_139, %dma_start3A_195] : memref<131072x128xf32, #tpu.memory_space<hbm>> -> memref<256x128xf32, #tpu.memory_space<hbm>>
      %dma_start3A_197 = arith.constant 0 : i32
      %dma_start3A_198 = tpu.memref_slice %arg4[%add3A_139, %dma_start3A_197] : memref<131072x128xf32, #tpu.memory_space<hbm>> -> memref<256x128xf32, #tpu.memory_space<hbm>>
      tpu.enqueue_dma source(%arg6 : memref<256x128xf32, #tpu.memory_space<vmem>>) target(%dma_start3A_198 : memref<256x128xf32, #tpu.memory_space<hbm>>) target_semaphore(%run_scoped3A : memref<!tpu.dma_semaphore, #tpu.memory_space<semaphore_mem>>)
      %dma_wait3A_199 = arith.constant 0 : i32
      %dma_wait3A_200 = tpu.memref_slice %arg4[%add3A_139, %dma_wait3A_199] : memref<131072x128xf32, #tpu.memory_space<hbm>> -> memref<256x128xf32, #tpu.memory_space<hbm>>
      %dma_wait3A_201 = arith.constant 0 : i32
      %dma_wait3A_202 = tpu.memref_slice %arg4[%add3A_139, %dma_wait3A_201] : memref<131072x128xf32, #tpu.memory_space<hbm>> -> memref<256x128xf32, #tpu.memory_space<hbm>>
      tpu.wait_dma2 semaphore(%run_scoped3A : memref<!tpu.dma_semaphore, #tpu.memory_space<semaphore_mem>>) src(%arg6 : memref<256x128xf32, #tpu.memory_space<vmem>>) dst(%dma_wait3A_202 : memref<256x128xf32, #tpu.memory_space<hbm>>)
      tpu.yield
    }) : () -> ()
    %dma_start3A_140 = arith.constant 3072 : i32
    %dma_start3A_141 = tpu.memref_slice %arg5[%dma_start3A_140] : memref<4096xi32, #tpu.memory_space<vmem>> -> memref<256xi32, #tpu.memory_space<vmem>>
    %dma_start3A_142 = arith.constant 0 : i32
    %dma_start3A_143 = arith.constant 0 : i32
    %dma_start3A_144 = tpu.memref_slice %arg8[%dma_start3A_142, %dma_start3A_143] : memref<2048x128xf32, #tpu.memory_space<vmem_shared>> -> memref<2048x128xf32, #tpu.memory_space<vmem_shared>>
    tpu.enqueue_indirect_dma source(%dma_start3A_144 : memref<2048x128xf32, #tpu.memory_space<vmem_shared>>) target(%arg6 : memref<256x128xf32, #tpu.memory_space<vmem>>) offsets(%dma_start3A_141 : memref<256xi32, #tpu.memory_space<vmem>>) semaphore(%arg9 : memref<!tpu.dma_semaphore, #tpu.memory_space<semaphore_mem>>)
    %dma_wait3A_145 = arith.constant 2816 : i32
    %dma_wait3A_146 = tpu.memref_slice %arg5[%dma_wait3A_145] : memref<4096xi32, #tpu.memory_space<vmem>> -> memref<256xi32, #tpu.memory_space<vmem>>
    %dma_wait3A_147 = arith.constant 0 : i32
    %dma_wait3A_148 = arith.constant 0 : i32
    %dma_wait3A_149 = tpu.memref_slice %arg8[%dma_wait3A_147, %dma_wait3A_148] : memref<2048x128xf32, #tpu.memory_space<vmem_shared>> -> memref<2048x128xf32, #tpu.memory_space<vmem_shared>>
    tpu.wait_indirect_dma semaphore(%arg10 : memref<!tpu.dma_semaphore, #tpu.memory_space<semaphore_mem>>) src(%dma_wait3A_149 : memref<2048x128xf32, #tpu.memory_space<vmem_shared>>) dst(%arg7 : memref<256x128xf32, #tpu.memory_space<vmem>>)
    %add3A_150 = arith.constant 2816 : i32
    %add3A_151 = arith.addi %mul3A_2, %add3A_150 : i32
    "tpu.region"() ({
      %run_scoped3A = tpu.sem_alloc : memref<!tpu.dma_semaphore, #tpu.memory_space<semaphore_mem>>
      %dma_start3A_195 = arith.constant 0 : i32
      %dma_start3A_196 = tpu.memref_slice %arg4[%add3A_151, %dma_start3A_195] : memref<131072x128xf32, #tpu.memory_space<hbm>> -> memref<256x128xf32, #tpu.memory_space<hbm>>
      %dma_start3A_197 = arith.constant 0 : i32
      %dma_start3A_198 = tpu.memref_slice %arg4[%add3A_151, %dma_start3A_197] : memref<131072x128xf32, #tpu.memory_space<hbm>> -> memref<256x128xf32, #tpu.memory_space<hbm>>
      tpu.enqueue_dma source(%arg7 : memref<256x128xf32, #tpu.memory_space<vmem>>) target(%dma_start3A_198 : memref<256x128xf32, #tpu.memory_space<hbm>>) target_semaphore(%run_scoped3A : memref<!tpu.dma_semaphore, #tpu.memory_space<semaphore_mem>>)
      %dma_wait3A_199 = arith.constant 0 : i32
      %dma_wait3A_200 = tpu.memref_slice %arg4[%add3A_151, %dma_wait3A_199] : memref<131072x128xf32, #tpu.memory_space<hbm>> -> memref<256x128xf32, #tpu.memory_space<hbm>>
      %dma_wait3A_201 = arith.constant 0 : i32
      %dma_wait3A_202 = tpu.memref_slice %arg4[%add3A_151, %dma_wait3A_201] : memref<131072x128xf32, #tpu.memory_space<hbm>> -> memref<256x128xf32, #tpu.memory_space<hbm>>
      tpu.wait_dma2 semaphore(%run_scoped3A : memref<!tpu.dma_semaphore, #tpu.memory_space<semaphore_mem>>) src(%arg7 : memref<256x128xf32, #tpu.memory_space<vmem>>) dst(%dma_wait3A_202 : memref<256x128xf32, #tpu.memory_space<hbm>>)
      tpu.yield
    }) : () -> ()
    %dma_start3A_152 = arith.constant 3328 : i32
    %dma_start3A_153 = tpu.memref_slice %arg5[%dma_start3A_152] : memref<4096xi32, #tpu.memory_space<vmem>> -> memref<256xi32, #tpu.memory_space<vmem>>
    %dma_start3A_154 = arith.constant 0 : i32
    %dma_start3A_155 = arith.constant 0 : i32
    %dma_start3A_156 = tpu.memref_slice %arg8[%dma_start3A_154, %dma_start3A_155] : memref<2048x128xf32, #tpu.memory_space<vmem_shared>> -> memref<2048x128xf32, #tpu.memory_space<vmem_shared>>
    tpu.enqueue_indirect_dma source(%dma_start3A_156 : memref<2048x128xf32, #tpu.memory_space<vmem_shared>>) target(%arg7 : memref<256x128xf32, #tpu.memory_space<vmem>>) offsets(%dma_start3A_153 : memref<256xi32, #tpu.memory_space<vmem>>) semaphore(%arg10 : memref<!tpu.dma_semaphore, #tpu.memory_space<semaphore_mem>>)
    %dma_wait3A_157 = arith.constant 3072 : i32
    %dma_wait3A_158 = tpu.memref_slice %arg5[%dma_wait3A_157] : memref<4096xi32, #tpu.memory_space<vmem>> -> memref<256xi32, #tpu.memory_space<vmem>>
    %dma_wait3A_159 = arith.constant 0 : i32
    %dma_wait3A_160 = arith.constant 0 : i32
    %dma_wait3A_161 = tpu.memref_slice %arg8[%dma_wait3A_159, %dma_wait3A_160] : memref<2048x128xf32, #tpu.memory_space<vmem_shared>> -> memref<2048x128xf32, #tpu.memory_space<vmem_shared>>
    tpu.wait_indirect_dma semaphore(%arg9 : memref<!tpu.dma_semaphore, #tpu.memory_space<semaphore_mem>>) src(%dma_wait3A_161 : memref<2048x128xf32, #tpu.memory_space<vmem_shared>>) dst(%arg6 : memref<256x128xf32, #tpu.memory_space<vmem>>)
    %add3A_162 = arith.constant 3072 : i32
    %add3A_163 = arith.addi %mul3A_2, %add3A_162 : i32
    "tpu.region"() ({
      %run_scoped3A = tpu.sem_alloc : memref<!tpu.dma_semaphore, #tpu.memory_space<semaphore_mem>>
      %dma_start3A_195 = arith.constant 0 : i32
      %dma_start3A_196 = tpu.memref_slice %arg4[%add3A_163, %dma_start3A_195] : memref<131072x128xf32, #tpu.memory_space<hbm>> -> memref<256x128xf32, #tpu.memory_space<hbm>>
      %dma_start3A_197 = arith.constant 0 : i32
      %dma_start3A_198 = tpu.memref_slice %arg4[%add3A_163, %dma_start3A_197] : memref<131072x128xf32, #tpu.memory_space<hbm>> -> memref<256x128xf32, #tpu.memory_space<hbm>>
      tpu.enqueue_dma source(%arg6 : memref<256x128xf32, #tpu.memory_space<vmem>>) target(%dma_start3A_198 : memref<256x128xf32, #tpu.memory_space<hbm>>) target_semaphore(%run_scoped3A : memref<!tpu.dma_semaphore, #tpu.memory_space<semaphore_mem>>)
      %dma_wait3A_199 = arith.constant 0 : i32
      %dma_wait3A_200 = tpu.memref_slice %arg4[%add3A_163, %dma_wait3A_199] : memref<131072x128xf32, #tpu.memory_space<hbm>> -> memref<256x128xf32, #tpu.memory_space<hbm>>
      %dma_wait3A_201 = arith.constant 0 : i32
      %dma_wait3A_202 = tpu.memref_slice %arg4[%add3A_163, %dma_wait3A_201] : memref<131072x128xf32, #tpu.memory_space<hbm>> -> memref<256x128xf32, #tpu.memory_space<hbm>>
      tpu.wait_dma2 semaphore(%run_scoped3A : memref<!tpu.dma_semaphore, #tpu.memory_space<semaphore_mem>>) src(%arg6 : memref<256x128xf32, #tpu.memory_space<vmem>>) dst(%dma_wait3A_202 : memref<256x128xf32, #tpu.memory_space<hbm>>)
      tpu.yield
    }) : () -> ()
    %dma_start3A_164 = arith.constant 3584 : i32
    %dma_start3A_165 = tpu.memref_slice %arg5[%dma_start3A_164] : memref<4096xi32, #tpu.memory_space<vmem>> -> memref<256xi32, #tpu.memory_space<vmem>>
    %dma_start3A_166 = arith.constant 0 : i32
    %dma_start3A_167 = arith.constant 0 : i32
    %dma_start3A_168 = tpu.memref_slice %arg8[%dma_start3A_166, %dma_start3A_167] : memref<2048x128xf32, #tpu.memory_space<vmem_shared>> -> memref<2048x128xf32, #tpu.memory_space<vmem_shared>>
    tpu.enqueue_indirect_dma source(%dma_start3A_168 : memref<2048x128xf32, #tpu.memory_space<vmem_shared>>) target(%arg6 : memref<256x128xf32, #tpu.memory_space<vmem>>) offsets(%dma_start3A_165 : memref<256xi32, #tpu.memory_space<vmem>>) semaphore(%arg9 : memref<!tpu.dma_semaphore, #tpu.memory_space<semaphore_mem>>)
    %dma_wait3A_169 = arith.constant 3328 : i32
    %dma_wait3A_170 = tpu.memref_slice %arg5[%dma_wait3A_169] : memref<4096xi32, #tpu.memory_space<vmem>> -> memref<256xi32, #tpu.memory_space<vmem>>
    %dma_wait3A_171 = arith.constant 0 : i32
    %dma_wait3A_172 = arith.constant 0 : i32
    %dma_wait3A_173 = tpu.memref_slice %arg8[%dma_wait3A_171, %dma_wait3A_172] : memref<2048x128xf32, #tpu.memory_space<vmem_shared>> -> memref<2048x128xf32, #tpu.memory_space<vmem_shared>>
    tpu.wait_indirect_dma semaphore(%arg10 : memref<!tpu.dma_semaphore, #tpu.memory_space<semaphore_mem>>) src(%dma_wait3A_173 : memref<2048x128xf32, #tpu.memory_space<vmem_shared>>) dst(%arg7 : memref<256x128xf32, #tpu.memory_space<vmem>>)
    %add3A_174 = arith.constant 3328 : i32
    %add3A_175 = arith.addi %mul3A_2, %add3A_174 : i32
    "tpu.region"() ({
      %run_scoped3A = tpu.sem_alloc : memref<!tpu.dma_semaphore, #tpu.memory_space<semaphore_mem>>
      %dma_start3A_195 = arith.constant 0 : i32
      %dma_start3A_196 = tpu.memref_slice %arg4[%add3A_175, %dma_start3A_195] : memref<131072x128xf32, #tpu.memory_space<hbm>> -> memref<256x128xf32, #tpu.memory_space<hbm>>
      %dma_start3A_197 = arith.constant 0 : i32
      %dma_start3A_198 = tpu.memref_slice %arg4[%add3A_175, %dma_start3A_197] : memref<131072x128xf32, #tpu.memory_space<hbm>> -> memref<256x128xf32, #tpu.memory_space<hbm>>
      tpu.enqueue_dma source(%arg7 : memref<256x128xf32, #tpu.memory_space<vmem>>) target(%dma_start3A_198 : memref<256x128xf32, #tpu.memory_space<hbm>>) target_semaphore(%run_scoped3A : memref<!tpu.dma_semaphore, #tpu.memory_space<semaphore_mem>>)
      %dma_wait3A_199 = arith.constant 0 : i32
      %dma_wait3A_200 = tpu.memref_slice %arg4[%add3A_175, %dma_wait3A_199] : memref<131072x128xf32, #tpu.memory_space<hbm>> -> memref<256x128xf32, #tpu.memory_space<hbm>>
      %dma_wait3A_201 = arith.constant 0 : i32
      %dma_wait3A_202 = tpu.memref_slice %arg4[%add3A_175, %dma_wait3A_201] : memref<131072x128xf32, #tpu.memory_space<hbm>> -> memref<256x128xf32, #tpu.memory_space<hbm>>
      tpu.wait_dma2 semaphore(%run_scoped3A : memref<!tpu.dma_semaphore, #tpu.memory_space<semaphore_mem>>) src(%arg7 : memref<256x128xf32, #tpu.memory_space<vmem>>) dst(%dma_wait3A_202 : memref<256x128xf32, #tpu.memory_space<hbm>>)
      tpu.yield
    }) : () -> ()
    %dma_start3A_176 = arith.constant 3840 : i32
    %dma_start3A_177 = tpu.memref_slice %arg5[%dma_start3A_176] : memref<4096xi32, #tpu.memory_space<vmem>> -> memref<256xi32, #tpu.memory_space<vmem>>
    %dma_start3A_178 = arith.constant 0 : i32
    %dma_start3A_179 = arith.constant 0 : i32
    %dma_start3A_180 = tpu.memref_slice %arg8[%dma_start3A_178, %dma_start3A_179] : memref<2048x128xf32, #tpu.memory_space<vmem_shared>> -> memref<2048x128xf32, #tpu.memory_space<vmem_shared>>
    tpu.enqueue_indirect_dma source(%dma_start3A_180 : memref<2048x128xf32, #tpu.memory_space<vmem_shared>>) target(%arg7 : memref<256x128xf32, #tpu.memory_space<vmem>>) offsets(%dma_start3A_177 : memref<256xi32, #tpu.memory_space<vmem>>) semaphore(%arg10 : memref<!tpu.dma_semaphore, #tpu.memory_space<semaphore_mem>>)
    %dma_wait3A_181 = arith.constant 3584 : i32
    %dma_wait3A_182 = tpu.memref_slice %arg5[%dma_wait3A_181] : memref<4096xi32, #tpu.memory_space<vmem>> -> memref<256xi32, #tpu.memory_space<vmem>>
    %dma_wait3A_183 = arith.constant 0 : i32
    %dma_wait3A_184 = arith.constant 0 : i32
    %dma_wait3A_185 = tpu.memref_slice %arg8[%dma_wait3A_183, %dma_wait3A_184] : memref<2048x128xf32, #tpu.memory_space<vmem_shared>> -> memref<2048x128xf32, #tpu.memory_space<vmem_shared>>
    tpu.wait_indirect_dma semaphore(%arg9 : memref<!tpu.dma_semaphore, #tpu.memory_space<semaphore_mem>>) src(%dma_wait3A_185 : memref<2048x128xf32, #tpu.memory_space<vmem_shared>>) dst(%arg6 : memref<256x128xf32, #tpu.memory_space<vmem>>)
    %add3A_186 = arith.constant 3584 : i32
    %add3A_187 = arith.addi %mul3A_2, %add3A_186 : i32
    "tpu.region"() ({
      %run_scoped3A = tpu.sem_alloc : memref<!tpu.dma_semaphore, #tpu.memory_space<semaphore_mem>>
      %dma_start3A_195 = arith.constant 0 : i32
      %dma_start3A_196 = tpu.memref_slice %arg4[%add3A_187, %dma_start3A_195] : memref<131072x128xf32, #tpu.memory_space<hbm>> -> memref<256x128xf32, #tpu.memory_space<hbm>>
      %dma_start3A_197 = arith.constant 0 : i32
      %dma_start3A_198 = tpu.memref_slice %arg4[%add3A_187, %dma_start3A_197] : memref<131072x128xf32, #tpu.memory_space<hbm>> -> memref<256x128xf32, #tpu.memory_space<hbm>>
      tpu.enqueue_dma source(%arg6 : memref<256x128xf32, #tpu.memory_space<vmem>>) target(%dma_start3A_198 : memref<256x128xf32, #tpu.memory_space<hbm>>) target_semaphore(%run_scoped3A : memref<!tpu.dma_semaphore, #tpu.memory_space<semaphore_mem>>)
      %dma_wait3A_199 = arith.constant 0 : i32
      %dma_wait3A_200 = tpu.memref_slice %arg4[%add3A_187, %dma_wait3A_199] : memref<131072x128xf32, #tpu.memory_space<hbm>> -> memref<256x128xf32, #tpu.memory_space<hbm>>
      %dma_wait3A_201 = arith.constant 0 : i32
      %dma_wait3A_202 = tpu.memref_slice %arg4[%add3A_187, %dma_wait3A_201] : memref<131072x128xf32, #tpu.memory_space<hbm>> -> memref<256x128xf32, #tpu.memory_space<hbm>>
      tpu.wait_dma2 semaphore(%run_scoped3A : memref<!tpu.dma_semaphore, #tpu.memory_space<semaphore_mem>>) src(%arg6 : memref<256x128xf32, #tpu.memory_space<vmem>>) dst(%dma_wait3A_202 : memref<256x128xf32, #tpu.memory_space<hbm>>)
      tpu.yield
    }) : () -> ()
    %dma_wait3A_188 = arith.constant 3840 : i32
    %dma_wait3A_189 = tpu.memref_slice %arg5[%dma_wait3A_188] : memref<4096xi32, #tpu.memory_space<vmem>> -> memref<256xi32, #tpu.memory_space<vmem>>
    %dma_wait3A_190 = arith.constant 0 : i32
    %dma_wait3A_191 = arith.constant 0 : i32
    %dma_wait3A_192 = tpu.memref_slice %arg8[%dma_wait3A_190, %dma_wait3A_191] : memref<2048x128xf32, #tpu.memory_space<vmem_shared>> -> memref<2048x128xf32, #tpu.memory_space<vmem_shared>>
    tpu.wait_indirect_dma semaphore(%arg10 : memref<!tpu.dma_semaphore, #tpu.memory_space<semaphore_mem>>) src(%dma_wait3A_192 : memref<2048x128xf32, #tpu.memory_space<vmem_shared>>) dst(%arg7 : memref<256x128xf32, #tpu.memory_space<vmem>>)
    %add3A_193 = arith.constant 3840 : i32
    %add3A_194 = arith.addi %mul3A_2, %add3A_193 : i32
    "tpu.region"() ({
      %run_scoped3A = tpu.sem_alloc : memref<!tpu.dma_semaphore, #tpu.memory_space<semaphore_mem>>
      %dma_start3A_195 = arith.constant 0 : i32
      %dma_start3A_196 = tpu.memref_slice %arg4[%add3A_194, %dma_start3A_195] : memref<131072x128xf32, #tpu.memory_space<hbm>> -> memref<256x128xf32, #tpu.memory_space<hbm>>
      %dma_start3A_197 = arith.constant 0 : i32
      %dma_start3A_198 = tpu.memref_slice %arg4[%add3A_194, %dma_start3A_197] : memref<131072x128xf32, #tpu.memory_space<hbm>> -> memref<256x128xf32, #tpu.memory_space<hbm>>
      tpu.enqueue_dma source(%arg7 : memref<256x128xf32, #tpu.memory_space<vmem>>) target(%dma_start3A_198 : memref<256x128xf32, #tpu.memory_space<hbm>>) target_semaphore(%run_scoped3A : memref<!tpu.dma_semaphore, #tpu.memory_space<semaphore_mem>>)
      %dma_wait3A_199 = arith.constant 0 : i32
      %dma_wait3A_200 = tpu.memref_slice %arg4[%add3A_194, %dma_wait3A_199] : memref<131072x128xf32, #tpu.memory_space<hbm>> -> memref<256x128xf32, #tpu.memory_space<hbm>>
      %dma_wait3A_201 = arith.constant 0 : i32
      %dma_wait3A_202 = tpu.memref_slice %arg4[%add3A_194, %dma_wait3A_201] : memref<131072x128xf32, #tpu.memory_space<hbm>> -> memref<256x128xf32, #tpu.memory_space<hbm>>
      tpu.wait_dma2 semaphore(%run_scoped3A : memref<!tpu.dma_semaphore, #tpu.memory_space<semaphore_mem>>) src(%arg7 : memref<256x128xf32, #tpu.memory_space<vmem>>) dst(%dma_wait3A_202 : memref<256x128xf32, #tpu.memory_space<hbm>>)
      tpu.yield
    }) : () -> ()
    return
  }
}

module attributes {stable_mosaic.version = 14 : i64} {
  func.func @_prep_body(%arg0: memref<2048x8xf32, #tpu.memory_space<vmem>>, %arg1: memref<8x128xf32, #tpu.memory_space<vmem>>, %arg2: memref<8x128xf32, #tpu.memory_space<vmem>>, %arg3: memref<8x256xf32, #tpu.memory_space<vmem>>, %arg4: memref<2048x128xf32, #tpu.memory_space<vmem>>, %arg5: memref<2048x128xf32, #tpu.memory_space<vmem>>, %arg6: memref<2048x256xf32, #tpu.memory_space<vmem>>) attributes {dimension_semantics = [], scalar_prefetch = 0 : i64, scratch_operands = 0 : i64, tpu.core_type = #tpu.core_type<tc>} {
    %get3A = arith.constant 0 : index
    %get3A_0 = arith.constant 0 : index
    %get3A_1 = vector.load %arg0[%get3A, %get3A_0] : memref<2048x8xf32, #tpu.memory_space<vmem>>, vector<2048x8xf32>
    %get3A_2 = arith.constant 0 : index
    %get3A_3 = arith.constant 0 : index
    %get3A_4 = vector.load %arg1[%get3A_2, %get3A_3] : memref<8x128xf32, #tpu.memory_space<vmem>>, vector<8x128xf32>
    %dot_general3A = arith.constant dense<0.000000e+00> : vector<2048x128xf32>
    %dot_general3A_5 = tpu.matmul %get3A_1, %get3A_4, %dot_general3A {dimension_numbers = #tpu.dot_dimension_numbers<[1], [0], [0], [1], [0, 0, 1, 1], [], []>, transpose_lhs_hint = false} : vector<2048x8xf32>, vector<8x128xf32>, vector<2048x128xf32> -> vector<2048x128xf32>
    %swap3A = arith.constant 0 : index
    %swap3A_6 = arith.constant 0 : index
    %swap3A_7 = vector.load %arg4[%swap3A, %swap3A_6] : memref<2048x128xf32, #tpu.memory_space<vmem>>, vector<2048x128xf32>
    tpu.vector_store %arg4[%swap3A, %swap3A_6], %dot_general3A_5 {strides = array<i32>} : memref<2048x128xf32, #tpu.memory_space<vmem>>, vector<2048x128xf32>,
    %get3A_8 = arith.constant 0 : index
    %get3A_9 = arith.constant 0 : index
    %get3A_10 = vector.load %arg2[%get3A_8, %get3A_9] : memref<8x128xf32, #tpu.memory_space<vmem>>, vector<8x128xf32>
    %dot_general3A_11 = arith.constant dense<0.000000e+00> : vector<2048x128xf32>
    %dot_general3A_12 = tpu.matmul %get3A_1, %get3A_10, %dot_general3A_11 {dimension_numbers = #tpu.dot_dimension_numbers<[1], [0], [0], [1], [0, 0, 1, 1], [], []>, transpose_lhs_hint = false} : vector<2048x8xf32>, vector<8x128xf32>, vector<2048x128xf32> -> vector<2048x128xf32>
    %swap3A_13 = arith.constant 0 : index
    %swap3A_14 = arith.constant 0 : index
    %swap3A_15 = vector.load %arg5[%swap3A_13, %swap3A_14] : memref<2048x128xf32, #tpu.memory_space<vmem>>, vector<2048x128xf32>
    tpu.vector_store %arg5[%swap3A_13, %swap3A_14], %dot_general3A_12 {strides = array<i32>} : memref<2048x128xf32, #tpu.memory_space<vmem>>, vector<2048x128xf32>,
    %get3A_16 = arith.constant 0 : index
    %get3A_17 = arith.constant 0 : index
    %get3A_18 = vector.load %arg3[%get3A_16, %get3A_17] : memref<8x256xf32, #tpu.memory_space<vmem>>, vector<8x256xf32>
    %dot_general3A_19 = arith.constant dense<0.000000e+00> : vector<2048x256xf32>
    %dot_general3A_20 = tpu.matmul %get3A_1, %get3A_18, %dot_general3A_19 {dimension_numbers = #tpu.dot_dimension_numbers<[1], [0], [0], [1], [0, 0, 1, 1], [], []>, transpose_lhs_hint = false} : vector<2048x8xf32>, vector<8x256xf32>, vector<2048x256xf32> -> vector<2048x256xf32>
    %swap3A_21 = arith.constant 0 : index
    %swap3A_22 = arith.constant 0 : index
    %swap3A_23 = vector.load %arg6[%swap3A_21, %swap3A_22] : memref<2048x256xf32, #tpu.memory_space<vmem>>, vector<2048x256xf32>
    tpu.vector_store %arg6[%swap3A_21, %swap3A_22], %dot_general3A_20 {strides = array<i32>} : memref<2048x256xf32, #tpu.memory_space<vmem>>, vector<2048x256xf32>,
    return
  }
}

module attributes {stable_mosaic.version = 14 : i64} {
  func.func @_sa_body(%arg0: i32, %arg1: memref<8192x128xf32, #tpu.memory_space<vmem>>, %arg2: memref<128x128xf32, #tpu.memory_space<vmem>>, %arg3: memref<128xf32, #tpu.memory_space<vmem>>, %arg4: memref<128x64xf32, #tpu.memory_space<vmem>>, %arg5: memref<64xf32, #tpu.memory_space<vmem>>, %arg6: memref<64x128xf32, #tpu.memory_space<vmem>>, %arg7: memref<128xf32, #tpu.memory_space<vmem>>, %arg8: memref<128x128xf32, #tpu.memory_space<vmem>>, %arg9: memref<128x128xf32, #tpu.memory_space<vmem>>, %arg10: memref<128x128xf32, #tpu.memory_space<vmem>>) attributes {dimension_semantics = [#tpu.dimension_semantics<arbitrary>], iteration_bounds = array<i64: 16>, scalar_prefetch = 0 : i64, scratch_operands = 0 : i64, tpu.core_type = #tpu.core_type<tc>, window_params = [{transform_indices = @transform_0, window_bounds = array<i64: 8192, 128>}, {transform_indices = @transform_1, window_bounds = array<i64: 128, 128>}, {pipeline_mode = #tpu.pipeline_mode<synchronous>, transform_indices = @transform_2, window_bounds = array<i64: 128>}, {pipeline_mode = #tpu.pipeline_mode<synchronous>, transform_indices = @transform_3, window_bounds = array<i64: 128, 64>}, {pipeline_mode = #tpu.pipeline_mode<synchronous>, transform_indices = @transform_4, window_bounds = array<i64: 64>}, {pipeline_mode = #tpu.pipeline_mode<synchronous>, transform_indices = @transform_5, window_bounds = array<i64: 64, 128>}, {pipeline_mode = #tpu.pipeline_mode<synchronous>, transform_indices = @transform_6, window_bounds = array<i64: 128>}, {pipeline_mode = #tpu.pipeline_mode<synchronous>, transform_indices = @transform_7, window_bounds = array<i64: 128, 128>}, {transform_indices = @transform_8, window_bounds = array<i64: 128, 128>}, {transform_indices = @transform_9, window_bounds = array<i64: 128, 128>}]} {
    %get3A = arith.constant 0 : index
    %get3A_0 = arith.constant 0 : index
    %get3A_1 = vector.load %arg1[%get3A, %get3A_0] : memref<8192x128xf32, #tpu.memory_space<vmem>>, vector<8192x128xf32>
    %get3A_2 = arith.constant 0 : index
    %get3A_3 = arith.constant 0 : index
    %get3A_4 = vector.load %arg2[%get3A_2, %get3A_3] : memref<128x128xf32, #tpu.memory_space<vmem>>, vector<128x128xf32>
    %broadcast_in_dim3A = vector.shape_cast %get3A_4 : vector<128x128xf32> to vector<128x1x128xf32>
    %broadcast_in_dim3A_5 = vector.shape_cast %broadcast_in_dim3A : vector<128x1x128xf32> to vector<128x1x128xf32>
    %broadcast_in_dim3A_6 = vector.broadcast %broadcast_in_dim3A_5 : vector<128x1x128xf32> to vector<128x64x128xf32>
    %reshape3A = vector.shape_cast %broadcast_in_dim3A_6 : vector<128x64x128xf32> to vector<8192x128xf32>
    %sub3A = arith.subf %get3A_1, %reshape3A : vector<8192x128xf32>
    %get3A_7 = arith.constant 0 : index
    %get3A_8 = vector.load %arg3[%get3A_7] : memref<128xf32, #tpu.memory_space<vmem>>, vector<128xf32>
    %broadcast_in_dim3A_9 = vector.shape_cast %get3A_8 : vector<128xf32> to vector<1x128xf32>
    %add3A = vector.broadcast %broadcast_in_dim3A_9 : vector<1x128xf32> to vector<8192x128xf32>
    %add3A_10 = arith.addf %sub3A, %add3A : vector<8192x128xf32>
    %max3A = arith.constant 0.000000e+00 : f32
    %max3A_11 = vector.broadcast %max3A : f32 to vector<8192x128xf32>
    %max3A_12 = arith.maximumf %add3A_10, %max3A_11 : vector<8192x128xf32>
    %get3A_13 = arith.constant 0 : index
    %get3A_14 = arith.constant 0 : index
    %get3A_15 = vector.load %arg4[%get3A_13, %get3A_14] : memref<128x64xf32, #tpu.memory_space<vmem>>, vector<128x64xf32>
    %dot_general3A = arith.constant dense<0.000000e+00> : vector<8192x64xf32>
    %dot_general3A_16 = tpu.matmul %max3A_12, %get3A_15, %dot_general3A {dimension_numbers = #tpu.dot_dimension_numbers<[1], [0], [0], [1], [0, 0, 1, 1], [], []>, transpose_lhs_hint = false} : vector<8192x128xf32>, vector<128x64xf32>, vector<8192x64xf32> -> vector<8192x64xf32>
    %get3A_17 = arith.constant 0 : index
    %get3A_18 = vector.load %arg5[%get3A_17] : memref<64xf32, #tpu.memory_space<vmem>>, vector<64xf32>
    %broadcast_in_dim3A_19 = vector.shape_cast %get3A_18 : vector<64xf32> to vector<1x64xf32>
    %add3A_20 = vector.broadcast %broadcast_in_dim3A_19 : vector<1x64xf32> to vector<8192x64xf32>
    %add3A_21 = arith.addf %dot_general3A_16, %add3A_20 : vector<8192x64xf32>
    %max3A_22 = arith.constant 0.000000e+00 : f32
    %max3A_23 = vector.broadcast %max3A_22 : f32 to vector<8192x64xf32>
    %max3A_24 = arith.maximumf %add3A_21, %max3A_23 : vector<8192x64xf32>
    %get3A_25 = arith.constant 0 : index
    %get3A_26 = arith.constant 0 : index
    %get3A_27 = vector.load %arg6[%get3A_25, %get3A_26] : memref<64x128xf32, #tpu.memory_space<vmem>>, vector<64x128xf32>
    %dot_general3A_28 = arith.constant dense<0.000000e+00> : vector<8192x128xf32>
    %dot_general3A_29 = tpu.matmul %max3A_24, %get3A_27, %dot_general3A_28 {dimension_numbers = #tpu.dot_dimension_numbers<[1], [0], [0], [1], [0, 0, 1, 1], [], []>, transpose_lhs_hint = false} : vector<8192x64xf32>, vector<64x128xf32>, vector<8192x128xf32> -> vector<8192x128xf32>
    %get3A_30 = arith.constant 0 : index
    %get3A_31 = vector.load %arg7[%get3A_30] : memref<128xf32, #tpu.memory_space<vmem>>, vector<128xf32>
    %broadcast_in_dim3A_32 = vector.shape_cast %get3A_31 : vector<128xf32> to vector<1x128xf32>
    %add3A_33 = vector.broadcast %broadcast_in_dim3A_32 : vector<1x128xf32> to vector<8192x128xf32>
    %add3A_34 = arith.addf %dot_general3A_29, %add3A_33 : vector<8192x128xf32>
    %max3A_35 = arith.constant 0.000000e+00 : f32
    %max3A_36 = vector.broadcast %max3A_35 : f32 to vector<8192x128xf32>
    %max3A_37 = arith.maximumf %add3A_34, %max3A_36 : vector<8192x128xf32>
    %reshape3A_38 = vector.shape_cast %max3A_37 : vector<8192x128xf32> to vector<128x64x128xf32>
    %reduce_max3A = arith.constant dense<0xFF800000> : vector<128x128xf32>
    %reduce_max3A_39 = vector.multi_reduction <maximumf>, %reshape3A_38, %reduce_max3A [1] : vector<128x64x128xf32> to vector<128x128xf32>
    %get3A_40 = arith.constant 0 : index
    %get3A_41 = arith.constant 0 : index
    %get3A_42 = vector.load %arg8[%get3A_40, %get3A_41] : memref<128x128xf32, #tpu.memory_space<vmem>>, vector<128x128xf32>
    %dot_general3A_43 = arith.constant dense<0.000000e+00> : vector<128x128xf32>
    %dot_general3A_44 = tpu.matmul %reduce_max3A_39, %get3A_42, %dot_general3A_43 {dimension_numbers = #tpu.dot_dimension_numbers<[1], [0], [0], [1], [0, 0, 1, 1], [], []>, transpose_lhs_hint = false} : vector<128x128xf32>, vector<128x128xf32>, vector<128x128xf32> -> vector<128x128xf32>
    %get3A_45 = arith.constant 0 : index
    %get3A_46 = arith.constant 0 : index
    %get3A_47 = vector.load %arg9[%get3A_45, %get3A_46] : memref<128x128xf32, #tpu.memory_space<vmem>>, vector<128x128xf32>
    %add3A_48 = arith.addf %dot_general3A_44, %get3A_47 : vector<128x128xf32>
    %swap3A = arith.constant 0 : index
    %swap3A_49 = arith.constant 0 : index
    %swap3A_50 = vector.load %arg10[%swap3A, %swap3A_49] : memref<128x128xf32, #tpu.memory_space<vmem>>, vector<128x128xf32>
    tpu.vector_store %arg10[%swap3A, %swap3A_49], %add3A_48 {strides = array<i32>} : memref<128x128xf32, #tpu.memory_space<vmem>>, vector<128x128xf32>,
    return
  }
  func.func @transform_0(%arg0: i32) -> (i32, i32) {
    %c0_i32 = arith.constant 0 : i32
    %c0_i32_0 = arith.constant 0 : i32
    return %arg0, %c0_i32 : i32, i32
  }
  func.func @transform_1(%arg0: i32) -> (i32, i32) {
    %c0_i32 = arith.constant 0 : i32
    %c0_i32_0 = arith.constant 0 : i32
    return %arg0, %c0_i32 : i32, i32
  }
  func.func @transform_2(%arg0: i32) -> i32 {
    %c0_i32 = arith.constant 0 : i32
    %c0_i32_0 = arith.constant 0 : i32
    return %c0_i32 : i32
  }
  func.func @transform_3(%arg0: i32) -> (i32, i32) {
    %c0_i32 = arith.constant 0 : i32
    %c0_i32_0 = arith.constant 0 : i32
    %c0_i32_1 = arith.constant 0 : i32
    return %c0_i32, %c0_i32_0 : i32, i32
  }
  func.func @transform_4(%arg0: i32) -> i32 {
    %c0_i32 = arith.constant 0 : i32
    %c0_i32_0 = arith.constant 0 : i32
    return %c0_i32 : i32
  }
  func.func @transform_5(%arg0: i32) -> (i32, i32) {
    %c0_i32 = arith.constant 0 : i32
    %c0_i32_0 = arith.constant 0 : i32
    %c0_i32_1 = arith.constant 0 : i32
    return %c0_i32, %c0_i32_0 : i32, i32
  }
  func.func @transform_6(%arg0: i32) -> i32 {
    %c0_i32 = arith.constant 0 : i32
    %c0_i32_0 = arith.constant 0 : i32
    return %c0_i32 : i32
  }
  func.func @transform_7(%arg0: i32) -> (i32, i32) {
    %c0_i32 = arith.constant 0 : i32
    %c0_i32_0 = arith.constant 0 : i32
    %c0_i32_1 = arith.constant 0 : i32
    return %c0_i32, %c0_i32_0 : i32, i32
  }
  func.func @transform_8(%arg0: i32) -> (i32, i32) {
    %c0_i32 = arith.constant 0 : i32
    %c0_i32_0 = arith.constant 0 : i32
    return %arg0, %c0_i32 : i32, i32
  }
  func.func @transform_9(%arg0: i32) -> (i32, i32) {
    %c0_i32 = arith.constant 0 : i32
    %c0_i32_0 = arith.constant 0 : i32
    return %arg0, %c0_i32 : i32, i32
  }
}

module attributes {stable_mosaic.version = 14 : i64} {
  func.func @_sa_body(%arg0: i32, %arg1: memref<8192x128xf32, #tpu.memory_space<vmem>>, %arg2: memref<128x128xf32, #tpu.memory_space<vmem>>, %arg3: memref<128xf32, #tpu.memory_space<vmem>>, %arg4: memref<128x128xf32, #tpu.memory_space<vmem>>, %arg5: memref<128xf32, #tpu.memory_space<vmem>>, %arg6: memref<128x256xf32, #tpu.memory_space<vmem>>, %arg7: memref<256xf32, #tpu.memory_space<vmem>>, %arg8: memref<256x256xf32, #tpu.memory_space<vmem>>, %arg9: memref<128x256xf32, #tpu.memory_space<vmem>>, %arg10: memref<128x256xf32, #tpu.memory_space<vmem>>) attributes {dimension_semantics = [#tpu.dimension_semantics<arbitrary>], iteration_bounds = array<i64: 16>, scalar_prefetch = 0 : i64, scratch_operands = 0 : i64, tpu.core_type = #tpu.core_type<tc>, window_params = [{transform_indices = @transform_0, window_bounds = array<i64: 8192, 128>}, {transform_indices = @transform_1, window_bounds = array<i64: 128, 128>}, {pipeline_mode = #tpu.pipeline_mode<synchronous>, transform_indices = @transform_2, window_bounds = array<i64: 128>}, {pipeline_mode = #tpu.pipeline_mode<synchronous>, transform_indices = @transform_3, window_bounds = array<i64: 128, 128>}, {pipeline_mode = #tpu.pipeline_mode<synchronous>, transform_indices = @transform_4, window_bounds = array<i64: 128>}, {pipeline_mode = #tpu.pipeline_mode<synchronous>, transform_indices = @transform_5, window_bounds = array<i64: 128, 256>}, {pipeline_mode = #tpu.pipeline_mode<synchronous>, transform_indices = @transform_6, window_bounds = array<i64: 256>}, {pipeline_mode = #tpu.pipeline_mode<synchronous>, transform_indices = @transform_7, window_bounds = array<i64: 256, 256>}, {transform_indices = @transform_8, window_bounds = array<i64: 128, 256>}, {transform_indices = @transform_9, window_bounds = array<i64: 128, 256>}]} {
    %get3A = arith.constant 0 : index
    %get3A_0 = arith.constant 0 : index
    %get3A_1 = vector.load %arg1[%get3A, %get3A_0] : memref<8192x128xf32, #tpu.memory_space<vmem>>, vector<8192x128xf32>
    %get3A_2 = arith.constant 0 : index
    %get3A_3 = arith.constant 0 : index
    %get3A_4 = vector.load %arg2[%get3A_2, %get3A_3] : memref<128x128xf32, #tpu.memory_space<vmem>>, vector<128x128xf32>
    %broadcast_in_dim3A = vector.shape_cast %get3A_4 : vector<128x128xf32> to vector<128x1x128xf32>
    %broadcast_in_dim3A_5 = vector.shape_cast %broadcast_in_dim3A : vector<128x1x128xf32> to vector<128x1x128xf32>
    %broadcast_in_dim3A_6 = vector.broadcast %broadcast_in_dim3A_5 : vector<128x1x128xf32> to vector<128x64x128xf32>
    %reshape3A = vector.shape_cast %broadcast_in_dim3A_6 : vector<128x64x128xf32> to vector<8192x128xf32>
    %sub3A = arith.subf %get3A_1, %reshape3A : vector<8192x128xf32>
    %get3A_7 = arith.constant 0 : index
    %get3A_8 = vector.load %arg3[%get3A_7] : memref<128xf32, #tpu.memory_space<vmem>>, vector<128xf32>
    %broadcast_in_dim3A_9 = vector.shape_cast %get3A_8 : vector<128xf32> to vector<1x128xf32>
    %add3A = vector.broadcast %broadcast_in_dim3A_9 : vector<1x128xf32> to vector<8192x128xf32>
    %add3A_10 = arith.addf %sub3A, %add3A : vector<8192x128xf32>
    %max3A = arith.constant 0.000000e+00 : f32
    %max3A_11 = vector.broadcast %max3A : f32 to vector<8192x128xf32>
    %max3A_12 = arith.maximumf %add3A_10, %max3A_11 : vector<8192x128xf32>
    %get3A_13 = arith.constant 0 : index
    %get3A_14 = arith.constant 0 : index
    %get3A_15 = vector.load %arg4[%get3A_13, %get3A_14] : memref<128x128xf32, #tpu.memory_space<vmem>>, vector<128x128xf32>
    %dot_general3A = arith.constant dense<0.000000e+00> : vector<8192x128xf32>
    %dot_general3A_16 = tpu.matmul %max3A_12, %get3A_15, %dot_general3A {dimension_numbers = #tpu.dot_dimension_numbers<[1], [0], [0], [1], [0, 0, 1, 1], [], []>, transpose_lhs_hint = false} : vector<8192x128xf32>, vector<128x128xf32>, vector<8192x128xf32> -> vector<8192x128xf32>
    %get3A_17 = arith.constant 0 : index
    %get3A_18 = vector.load %arg5[%get3A_17] : memref<128xf32, #tpu.memory_space<vmem>>, vector<128xf32>
    %broadcast_in_dim3A_19 = vector.shape_cast %get3A_18 : vector<128xf32> to vector<1x128xf32>
    %add3A_20 = vector.broadcast %broadcast_in_dim3A_19 : vector<1x128xf32> to vector<8192x128xf32>
    %add3A_21 = arith.addf %dot_general3A_16, %add3A_20 : vector<8192x128xf32>
    %max3A_22 = arith.constant 0.000000e+00 : f32
    %max3A_23 = vector.broadcast %max3A_22 : f32 to vector<8192x128xf32>
    %max3A_24 = arith.maximumf %add3A_21, %max3A_23 : vector<8192x128xf32>
    %get3A_25 = arith.constant 0 : index
    %get3A_26 = arith.constant 0 : index
    %get3A_27 = vector.load %arg6[%get3A_25, %get3A_26] : memref<128x256xf32, #tpu.memory_space<vmem>>, vector<128x256xf32>
    %dot_general3A_28 = arith.constant dense<0.000000e+00> : vector<8192x256xf32>
    %dot_general3A_29 = tpu.matmul %max3A_24, %get3A_27, %dot_general3A_28 {dimension_numbers = #tpu.dot_dimension_numbers<[1], [0], [0], [1], [0, 0, 1, 1], [], []>, transpose_lhs_hint = false} : vector<8192x128xf32>, vector<128x256xf32>, vector<8192x256xf32> -> vector<8192x256xf32>
    %get3A_30 = arith.constant 0 : index
    %get3A_31 = vector.load %arg7[%get3A_30] : memref<256xf32, #tpu.memory_space<vmem>>, vector<256xf32>
    %broadcast_in_dim3A_32 = vector.shape_cast %get3A_31 : vector<256xf32> to vector<1x256xf32>
    %add3A_33 = vector.broadcast %broadcast_in_dim3A_32 : vector<1x256xf32> to vector<8192x256xf32>
    %add3A_34 = arith.addf %dot_general3A_29, %add3A_33 : vector<8192x256xf32>
    %max3A_35 = arith.constant 0.000000e+00 : f32
    %max3A_36 = vector.broadcast %max3A_35 : f32 to vector<8192x256xf32>
    %max3A_37 = arith.maximumf %add3A_34, %max3A_36 : vector<8192x256xf32>
    %reshape3A_38 = vector.shape_cast %max3A_37 : vector<8192x256xf32> to vector<128x64x256xf32>
    %reduce_max3A = arith.constant dense<0xFF800000> : vector<128x256xf32>
    %reduce_max3A_39 = vector.multi_reduction <maximumf>, %reshape3A_38, %reduce_max3A [1] : vector<128x64x256xf32> to vector<128x256xf32>
    %swap3A = arith.constant 0 : index
    %swap3A_40 = arith.constant 0 : index
    %swap3A_41 = vector.load %arg10[%swap3A, %swap3A_40] : memref<128x256xf32, #tpu.memory_space<vmem>>, vector<128x256xf32>
    tpu.vector_store %arg10[%swap3A, %swap3A_40], %reduce_max3A_39 {strides = array<i32>} : memref<128x256xf32, #tpu.memory_space<vmem>>, vector<128x256xf32>,
    return
  }
  func.func @transform_0(%arg0: i32) -> (i32, i32) {
    %c0_i32 = arith.constant 0 : i32
    %c0_i32_0 = arith.constant 0 : i32
    return %arg0, %c0_i32 : i32, i32
  }
  func.func @transform_1(%arg0: i32) -> (i32, i32) {
    %c0_i32 = arith.constant 0 : i32
    %c0_i32_0 = arith.constant 0 : i32
    return %arg0, %c0_i32 : i32, i32
  }
  func.func @transform_2(%arg0: i32) -> i32 {
    %c0_i32 = arith.constant 0 : i32
    %c0_i32_0 = arith.constant 0 : i32
    return %c0_i32 : i32
  }
  func.func @transform_3(%arg0: i32) -> (i32, i32) {
    %c0_i32 = arith.constant 0 : i32
    %c0_i32_0 = arith.constant 0 : i32
    %c0_i32_1 = arith.constant 0 : i32
    return %c0_i32, %c0_i32_0 : i32, i32
  }
  func.func @transform_4(%arg0: i32) -> i32 {
    %c0_i32 = arith.constant 0 : i32
    %c0_i32_0 = arith.constant 0 : i32
    return %c0_i32 : i32
  }
  func.func @transform_5(%arg0: i32) -> (i32, i32) {
    %c0_i32 = arith.constant 0 : i32
    %c0_i32_0 = arith.constant 0 : i32
    %c0_i32_1 = arith.constant 0 : i32
    return %c0_i32, %c0_i32_0 : i32, i32
  }
  func.func @transform_6(%arg0: i32) -> i32 {
    %c0_i32 = arith.constant 0 : i32
    %c0_i32_0 = arith.constant 0 : i32
    return %c0_i32 : i32
  }
  func.func @transform_7(%arg0: i32) -> (i32, i32) {
    %c0_i32 = arith.constant 0 : i32
    %c0_i32_0 = arith.constant 0 : i32
    %c0_i32_1 = arith.constant 0 : i32
    return %c0_i32, %c0_i32_0 : i32, i32
  }
  func.func @transform_8(%arg0: i32) -> (i32, i32) {
    %c0_i32 = arith.constant 0 : i32
    %c0_i32_0 = arith.constant 0 : i32
    return %arg0, %c0_i32 : i32, i32
  }
  func.func @transform_9(%arg0: i32) -> (i32, i32) {
    %c0_i32 = arith.constant 0 : i32
    %c0_i32_0 = arith.constant 0 : i32
    return %arg0, %c0_i32 : i32, i32
  }
}

module attributes {stable_mosaic.version = 14 : i64} {
  func.func @_final_body(%arg0: memref<2048x256xf32, #tpu.memory_space<vmem>>, %arg1: memref<2048x256xf32, #tpu.memory_space<vmem>>, %arg2: memref<2048x1xi32, #tpu.memory_space<vmem>>, %arg3: memref<2xi32, #tpu.memory_space<smem>>, %arg4: memref<256x256xf32, #tpu.memory_space<vmem>>, %arg5: memref<256xf32, #tpu.memory_space<vmem>>, %arg6: memref<256x512xf32, #tpu.memory_space<vmem>>, %arg7: memref<512xf32, #tpu.memory_space<vmem>>, %arg8: memref<512x1024xf32, #tpu.memory_space<vmem>>, %arg9: memref<1024xf32, #tpu.memory_space<vmem>>, %arg10: memref<1280x512xf32, #tpu.memory_space<vmem>>, %arg11: memref<512xf32, #tpu.memory_space<vmem>>, %arg12: memref<512x256xf32, #tpu.memory_space<vmem>>, %arg13: memref<256xf32, #tpu.memory_space<vmem>>, %arg14: memref<256x9xf32, #tpu.memory_space<vmem>>, %arg15: memref<9xf32, #tpu.memory_space<vmem>>, %arg16: memref<2x16xf32, #tpu.memory_space<vmem>>) attributes {dimension_semantics = [], scalar_prefetch = 0 : i64, scratch_operands = 0 : i64, tpu.core_type = #tpu.core_type<tc>} {
    %get3A = arith.constant 0 : index
    %get3A_0 = arith.constant 0 : index
    %get3A_1 = vector.load %arg0[%get3A, %get3A_0] : memref<2048x256xf32, #tpu.memory_space<vmem>>, vector<2048x256xf32>
    %get3A_2 = arith.constant 0 : index
    %get3A_3 = arith.constant 0 : index
    %get3A_4 = vector.load %arg4[%get3A_2, %get3A_3] : memref<256x256xf32, #tpu.memory_space<vmem>>, vector<256x256xf32>
    %dot_general3A = arith.constant dense<0.000000e+00> : vector<2048x256xf32>
    %dot_general3A_5 = tpu.matmul %get3A_1, %get3A_4, %dot_general3A {dimension_numbers = #tpu.dot_dimension_numbers<[1], [0], [0], [1], [0, 0, 1, 1], [], []>, transpose_lhs_hint = false} : vector<2048x256xf32>, vector<256x256xf32>, vector<2048x256xf32> -> vector<2048x256xf32>
    %get3A_6 = arith.constant 0 : index
    %get3A_7 = arith.constant 0 : index
    %get3A_8 = vector.load %arg1[%get3A_6, %get3A_7] : memref<2048x256xf32, #tpu.memory_space<vmem>>, vector<2048x256xf32>
    %add3A = arith.addf %dot_general3A_5, %get3A_8 : vector<2048x256xf32>
    %get3A_9 = arith.constant 0 : index
    %get3A_10 = vector.load %arg5[%get3A_9] : memref<256xf32, #tpu.memory_space<vmem>>, vector<256xf32>
    %broadcast_in_dim3A = vector.shape_cast %get3A_10 : vector<256xf32> to vector<1x256xf32>
    %add3A_11 = vector.broadcast %broadcast_in_dim3A : vector<1x256xf32> to vector<2048x256xf32>
    %add3A_12 = arith.addf %add3A, %add3A_11 : vector<2048x256xf32>
    %max3A = arith.constant 0.000000e+00 : f32
    %max3A_13 = vector.broadcast %max3A : f32 to vector<2048x256xf32>
    %max3A_14 = arith.maximumf %add3A_12, %max3A_13 : vector<2048x256xf32>
    %get3A_15 = arith.constant 0 : index
    %get3A_16 = arith.constant 0 : index
    %get3A_17 = vector.load %arg6[%get3A_15, %get3A_16] : memref<256x512xf32, #tpu.memory_space<vmem>>, vector<256x512xf32>
    %dot_general3A_18 = arith.constant dense<0.000000e+00> : vector<2048x512xf32>
    %dot_general3A_19 = tpu.matmul %max3A_14, %get3A_17, %dot_general3A_18 {dimension_numbers = #tpu.dot_dimension_numbers<[1], [0], [0], [1], [0, 0, 1, 1], [], []>, transpose_lhs_hint = false} : vector<2048x256xf32>, vector<256x512xf32>, vector<2048x512xf32> -> vector<2048x512xf32>
    %get3A_20 = arith.constant 0 : index
    %get3A_21 = vector.load %arg7[%get3A_20] : memref<512xf32, #tpu.memory_space<vmem>>, vector<512xf32>
    %broadcast_in_dim3A_22 = vector.shape_cast %get3A_21 : vector<512xf32> to vector<1x512xf32>
    %add3A_23 = vector.broadcast %broadcast_in_dim3A_22 : vector<1x512xf32> to vector<2048x512xf32>
    %add3A_24 = arith.addf %dot_general3A_19, %add3A_23 : vector<2048x512xf32>
    %max3A_25 = arith.constant 0.000000e+00 : f32
    %max3A_26 = vector.broadcast %max3A_25 : f32 to vector<2048x512xf32>
    %max3A_27 = arith.maximumf %add3A_24, %max3A_26 : vector<2048x512xf32>
    %get3A_28 = arith.constant 0 : index
    %get3A_29 = arith.constant 0 : index
    %get3A_30 = vector.load %arg8[%get3A_28, %get3A_29] : memref<512x1024xf32, #tpu.memory_space<vmem>>, vector<512x1024xf32>
    %dot_general3A_31 = arith.constant dense<0.000000e+00> : vector<2048x1024xf32>
    %dot_general3A_32 = tpu.matmul %max3A_27, %get3A_30, %dot_general3A_31 {dimension_numbers = #tpu.dot_dimension_numbers<[1], [0], [0], [1], [0, 0, 1, 1], [], []>, transpose_lhs_hint = false} : vector<2048x512xf32>, vector<512x1024xf32>, vector<2048x1024xf32> -> vector<2048x1024xf32>
    %get3A_33 = arith.constant 0 : index
    %get3A_34 = vector.load %arg9[%get3A_33] : memref<1024xf32, #tpu.memory_space<vmem>>, vector<1024xf32>
    %broadcast_in_dim3A_35 = vector.shape_cast %get3A_34 : vector<1024xf32> to vector<1x1024xf32>
    %add3A_36 = vector.broadcast %broadcast_in_dim3A_35 : vector<1x1024xf32> to vector<2048x1024xf32>
    %add3A_37 = arith.addf %dot_general3A_32, %add3A_36 : vector<2048x1024xf32>
    %max3A_38 = arith.constant 0.000000e+00 : f32
    %max3A_39 = vector.broadcast %max3A_38 : f32 to vector<2048x1024xf32>
    %max3A_40 = arith.maximumf %add3A_37, %max3A_39 : vector<2048x1024xf32>
    %get3A_41 = arith.constant 0 : index
    %get3A_42 = arith.constant 0 : index
    %get3A_43 = vector.load %arg2[%get3A_41, %get3A_42] : memref<2048x1xi32, #tpu.memory_space<vmem>>, vector<2048x1xi32>
    %eq3A = arith.constant 0 : i32
    %eq3A_44 = vector.broadcast %eq3A : i32 to vector<2048x1xi32>
    %eq3A_45 = arith.cmpi eq, %get3A_43, %eq3A_44 : vector<2048x1xi32>
    %jit3A = arith.constant -1.000000e+30 : f32
    %broadcast_in_dim3A_46 = vector.shape_cast %eq3A_45 : vector<2048x1xi1> to vector<2048x1xi1>
    %broadcast_in_dim3A_47 = vector.broadcast %broadcast_in_dim3A_46 : vector<2048x1xi1> to vector<2048x1024xi1>
    %broadcast_in_dim3A_48 = vector.broadcast %jit3A : f32 to vector<2048x1024xf32>
    %select_n3A = arith.select %broadcast_in_dim3A_47, %max3A_40, %broadcast_in_dim3A_48 : vector<2048x1024xi1>, vector<2048x1024xf32>
    %reduce_max3A = arith.constant dense<0xFF800000> : vector<1024xf32>
    %reduce_max3A_49 = vector.multi_reduction <maximumf>, %select_n3A, %reduce_max3A [0] : vector<2048x1024xf32> to vector<1024xf32>
    %broadcast_in_dim3A_50 = vector.shape_cast %reduce_max3A_49 : vector<1024xf32> to vector<1x1024xf32>
    %eq3A_51 = arith.constant 1 : i32
    %eq3A_52 = vector.broadcast %eq3A_51 : i32 to vector<2048x1xi32>
    %eq3A_53 = arith.cmpi eq, %get3A_43, %eq3A_52 : vector<2048x1xi32>
    %jit3A_54 = arith.constant -1.000000e+30 : f32
    %broadcast_in_dim3A_55 = vector.shape_cast %eq3A_53 : vector<2048x1xi1> to vector<2048x1xi1>
    %broadcast_in_dim3A_56 = vector.broadcast %broadcast_in_dim3A_55 : vector<2048x1xi1> to vector<2048x1024xi1>
    %broadcast_in_dim3A_57 = vector.broadcast %jit3A_54 : f32 to vector<2048x1024xf32>
    %select_n3A_58 = arith.select %broadcast_in_dim3A_56, %max3A_40, %broadcast_in_dim3A_57 : vector<2048x1024xi1>, vector<2048x1024xf32>
    %reduce_max3A_59 = arith.constant dense<0xFF800000> : vector<1024xf32>
    %reduce_max3A_60 = vector.multi_reduction <maximumf>, %select_n3A_58, %reduce_max3A_59 [0] : vector<2048x1024xf32> to vector<1024xf32>
    %broadcast_in_dim3A_61 = vector.shape_cast %reduce_max3A_60 : vector<1024xf32> to vector<1x1024xf32>
    %concatenate3A = tpu.concatenate %broadcast_in_dim3A_50, %broadcast_in_dim3A_61 in 0 : vector<1x1024xf32>, vector<1x1024xf32> -> vector<2x1024xf32>
    %iota3A = tpu.iota {dimensions = array<i32: 1>} : vector<2x2048xi32>
    %get3A_62 = arith.constant 0 : index
    %get3A_63 = memref.load %arg3[%get3A_62] : memref<2xi32, #tpu.memory_space<smem>>
    %get3A_64 = arith.constant 1 : index
    %get3A_65 = memref.load %arg3[%get3A_64] : memref<2xi32, #tpu.memory_space<smem>>
    %broadcast_in_dim3A_66 = vector.broadcast %get3A_63 : i32 to vector<1x1xi32>
    %broadcast_in_dim3A_67 = vector.broadcast %get3A_65 : i32 to vector<1x1xi32>
    %concatenate3A_68 = tpu.concatenate %broadcast_in_dim3A_66, %broadcast_in_dim3A_67 in 0 : vector<1x1xi32>, vector<1x1xi32> -> vector<2x1xi32>
    %eq3A_69 = vector.broadcast %concatenate3A_68 : vector<2x1xi32> to vector<2x2048xi32>
    %eq3A_70 = arith.cmpi eq, %iota3A, %eq3A_69 : vector<2x2048xi32>
    %convert_element_type3A = arith.extui %eq3A_70 : vector<2x2048xi1> to vector<2x2048xi32>
    %convert_element_type3A_71 = arith.sitofp %convert_element_type3A : vector<2x2048xi32> to vector<2x2048xf32>
    %dot_general3A_72 = arith.constant dense<0.000000e+00> : vector<2x256xf32>
    %dot_general3A_73 = tpu.matmul %convert_element_type3A_71, %get3A_1, %dot_general3A_72 {dimension_numbers = #tpu.dot_dimension_numbers<[1], [0], [0], [1], [0, 0, 1, 1], [], []>, transpose_lhs_hint = false} : vector<2x2048xf32>, vector<2048x256xf32>, vector<2x256xf32> -> vector<2x256xf32>
    %concatenate3A_74 = tpu.concatenate %dot_general3A_73, %concatenate3A in 1 : vector<2x256xf32>, vector<2x1024xf32> -> vector<2x1280xf32>
    %get3A_75 = arith.constant 0 : index
    %get3A_76 = arith.constant 0 : index
    %get3A_77 = vector.load %arg10[%get3A_75, %get3A_76] : memref<1280x512xf32, #tpu.memory_space<vmem>>, vector<1280x512xf32>
    %dot_general3A_78 = arith.constant dense<0.000000e+00> : vector<2x512xf32>
    %dot_general3A_79 = tpu.matmul %concatenate3A_74, %get3A_77, %dot_general3A_78 {dimension_numbers = #tpu.dot_dimension_numbers<[1], [0], [0], [1], [0, 0, 1, 1], [], []>, transpose_lhs_hint = false} : vector<2x1280xf32>, vector<1280x512xf32>, vector<2x512xf32> -> vector<2x512xf32>
    %get3A_80 = arith.constant 0 : index
    %get3A_81 = vector.load %arg11[%get3A_80] : memref<512xf32, #tpu.memory_space<vmem>>, vector<512xf32>
    %broadcast_in_dim3A_82 = vector.shape_cast %get3A_81 : vector<512xf32> to vector<1x512xf32>
    %add3A_83 = vector.broadcast %broadcast_in_dim3A_82 : vector<1x512xf32> to vector<2x512xf32>
    %add3A_84 = arith.addf %dot_general3A_79, %add3A_83 : vector<2x512xf32>
    %max3A_85 = arith.constant 0.000000e+00 : f32
    %max3A_86 = vector.broadcast %max3A_85 : f32 to vector<2x512xf32>
    %max3A_87 = arith.maximumf %add3A_84, %max3A_86 : vector<2x512xf32>
    %get3A_88 = arith.constant 0 : index
    %get3A_89 = arith.constant 0 : index
    %get3A_90 = vector.load %arg12[%get3A_88, %get3A_89] : memref<512x256xf32, #tpu.memory_space<vmem>>, vector<512x256xf32>
    %dot_general3A_91 = arith.constant dense<0.000000e+00> : vector<2x256xf32>
    %dot_general3A_92 = tpu.matmul %max3A_87, %get3A_90, %dot_general3A_91 {dimension_numbers = #tpu.dot_dimension_numbers<[1], [0], [0], [1], [0, 0, 1, 1], [], []>, transpose_lhs_hint = false} : vector<2x512xf32>, vector<512x256xf32>, vector<2x256xf32> -> vector<2x256xf32>
    %get3A_93 = arith.constant 0 : index
    %get3A_94 = vector.load %arg13[%get3A_93] : memref<256xf32, #tpu.memory_space<vmem>>, vector<256xf32>
    %broadcast_in_dim3A_95 = vector.shape_cast %get3A_94 : vector<256xf32> to vector<1x256xf32>
    %add3A_96 = vector.broadcast %broadcast_in_dim3A_95 : vector<1x256xf32> to vector<2x256xf32>
    %add3A_97 = arith.addf %dot_general3A_92, %add3A_96 : vector<2x256xf32>
    %max3A_98 = arith.constant 0.000000e+00 : f32
    %max3A_99 = vector.broadcast %max3A_98 : f32 to vector<2x256xf32>
    %max3A_100 = arith.maximumf %add3A_97, %max3A_99 : vector<2x256xf32>
    %get3A_101 = arith.constant 0 : index
    %get3A_102 = arith.constant 0 : index
    %get3A_103 = vector.load %arg14[%get3A_101, %get3A_102] : memref<256x9xf32, #tpu.memory_space<vmem>>, vector<256x9xf32>
    %dot_general3A_104 = arith.constant dense<0.000000e+00> : vector<2x9xf32>
    %dot_general3A_105 = tpu.matmul %max3A_100, %get3A_103, %dot_general3A_104 {dimension_numbers = #tpu.dot_dimension_numbers<[1], [0], [0], [1], [0, 0, 1, 1], [], []>, transpose_lhs_hint = false} : vector<2x256xf32>, vector<256x9xf32>, vector<2x9xf32> -> vector<2x9xf32>
    %get3A_106 = arith.constant 0 : index
    %get3A_107 = vector.load %arg15[%get3A_106] : memref<9xf32, #tpu.memory_space<vmem>>, vector<9xf32>
    %broadcast_in_dim3A_108 = vector.shape_cast %get3A_107 : vector<9xf32> to vector<1x9xf32>
    %add3A_109 = vector.broadcast %broadcast_in_dim3A_108 : vector<1x9xf32> to vector<2x9xf32>
    %add3A_110 = arith.addf %dot_general3A_105, %add3A_109 : vector<2x9xf32>
    %slice3A = vector.extract_strided_slice %add3A_110 {offsets = [0, 0], sizes = [2, 3], strides = [1, 1]} : vector<2x9xf32> to vector<2x3xf32>
    %slice3A_111 = vector.extract_strided_slice %add3A_110 {offsets = [0, 3], sizes = [2, 3], strides = [1, 1]} : vector<2x9xf32> to vector<2x3xf32>
    %slice3A_112 = vector.extract_strided_slice %add3A_110 {offsets = [0, 6], sizes = [2, 3], strides = [1, 1]} : vector<2x9xf32> to vector<2x3xf32>
    %mul3A = arith.mulf %slice3A_111, %slice3A_111 : vector<2x3xf32>
    %reduce_sum3A = arith.constant dense<0.000000e+00> : vector<2xf32>
    %reduce_sum3A_113 = vector.multi_reduction <add>, %mul3A, %reduce_sum3A [1] : vector<2x3xf32> to vector<2xf32>
    %broadcast_in_dim3A_114 = vector.shape_cast %reduce_sum3A_113 : vector<2xf32> to vector<2x1xf32>
    %rsqrt3A = math.rsqrt %broadcast_in_dim3A_114 : vector<2x1xf32>
    %mul3A_115 = vector.broadcast %rsqrt3A : vector<2x1xf32> to vector<2x3xf32>
    %mul3A_116 = arith.mulf %slice3A_111, %mul3A_115 : vector<2x3xf32>
    %mul3A_117 = arith.mulf %mul3A_116, %slice3A_112 : vector<2x3xf32>
    %reduce_sum3A_118 = arith.constant dense<0.000000e+00> : vector<2xf32>
    %reduce_sum3A_119 = vector.multi_reduction <add>, %mul3A_117, %reduce_sum3A_118 [1] : vector<2x3xf32> to vector<2xf32>
    %broadcast_in_dim3A_120 = vector.shape_cast %reduce_sum3A_119 : vector<2xf32> to vector<2x1xf32>
    %mul3A_121 = vector.broadcast %broadcast_in_dim3A_120 : vector<2x1xf32> to vector<2x3xf32>
    %mul3A_122 = arith.mulf %mul3A_121, %mul3A_116 : vector<2x3xf32>
    %sub3A = arith.subf %slice3A_112, %mul3A_122 : vector<2x3xf32>
    %mul3A_123 = arith.mulf %sub3A, %sub3A : vector<2x3xf32>
    %reduce_sum3A_124 = arith.constant dense<0.000000e+00> : vector<2xf32>
    %reduce_sum3A_125 = vector.multi_reduction <add>, %mul3A_123, %reduce_sum3A_124 [1] : vector<2x3xf32> to vector<2xf32>
    %broadcast_in_dim3A_126 = vector.shape_cast %reduce_sum3A_125 : vector<2xf32> to vector<2x1xf32>
    %rsqrt3A_127 = math.rsqrt %broadcast_in_dim3A_126 : vector<2x1xf32>
    %mul3A_128 = vector.broadcast %rsqrt3A_127 : vector<2x1xf32> to vector<2x3xf32>
    %mul3A_129 = arith.mulf %sub3A, %mul3A_128 : vector<2x3xf32>
    %slice3A_130 = vector.extract_strided_slice %mul3A_116 {offsets = [0, 0], sizes = [2, 1], strides = [1, 1]} : vector<2x3xf32> to vector<2x1xf32>
    %slice3A_131 = vector.extract_strided_slice %mul3A_116 {offsets = [0, 1], sizes = [2, 1], strides = [1, 1]} : vector<2x3xf32> to vector<2x1xf32>
    %slice3A_132 = vector.extract_strided_slice %mul3A_116 {offsets = [0, 2], sizes = [2, 1], strides = [1, 1]} : vector<2x3xf32> to vector<2x1xf32>
    %slice3A_133 = vector.extract_strided_slice %mul3A_129 {offsets = [0, 0], sizes = [2, 1], strides = [1, 1]} : vector<2x3xf32> to vector<2x1xf32>
    %slice3A_134 = vector.extract_strided_slice %mul3A_129 {offsets = [0, 1], sizes = [2, 1], strides = [1, 1]} : vector<2x3xf32> to vector<2x1xf32>
    %slice3A_135 = vector.extract_strided_slice %mul3A_129 {offsets = [0, 2], sizes = [2, 1], strides = [1, 1]} : vector<2x3xf32> to vector<2x1xf32>
    %mul3A_136 = arith.mulf %slice3A_131, %slice3A_135 : vector<2x1xf32>
    %mul3A_137 = arith.mulf %slice3A_132, %slice3A_134 : vector<2x1xf32>
    %sub3A_138 = arith.subf %mul3A_136, %mul3A_137 : vector<2x1xf32>
    %mul3A_139 = arith.mulf %slice3A_132, %slice3A_133 : vector<2x1xf32>
    %mul3A_140 = arith.mulf %slice3A_130, %slice3A_135 : vector<2x1xf32>
    %sub3A_141 = arith.subf %mul3A_139, %mul3A_140 : vector<2x1xf32>
    %mul3A_142 = arith.mulf %slice3A_130, %slice3A_134 : vector<2x1xf32>
    %mul3A_143 = arith.mulf %slice3A_131, %slice3A_133 : vector<2x1xf32>
    %sub3A_144 = arith.subf %mul3A_142, %mul3A_143 : vector<2x1xf32>
    %broadcast_in_dim3A_145 = arith.constant 0.000000e+00 : f32
    %broadcast_in_dim3A_146 = vector.broadcast %broadcast_in_dim3A_145 : f32 to vector<2x1xf32>
    %broadcast_in_dim3A_147 = arith.constant 1.000000e+00 : f32
    %broadcast_in_dim3A_148 = vector.broadcast %broadcast_in_dim3A_147 : f32 to vector<2x1xf32>
    %slice3A_149 = vector.extract_strided_slice %slice3A {offsets = [0, 0], sizes = [2, 1], strides = [1, 1]} : vector<2x3xf32> to vector<2x1xf32>
    %slice3A_150 = vector.extract_strided_slice %slice3A {offsets = [0, 1], sizes = [2, 1], strides = [1, 1]} : vector<2x3xf32> to vector<2x1xf32>
    %slice3A_151 = vector.extract_strided_slice %slice3A {offsets = [0, 2], sizes = [2, 1], strides = [1, 1]} : vector<2x3xf32> to vector<2x1xf32>
    %concatenate3A_152 = tpu.concatenate %slice3A_130, %slice3A_133, %sub3A_138, %slice3A_149, %slice3A_131, %slice3A_134, %sub3A_141, %slice3A_150, %slice3A_132, %slice3A_135, %sub3A_144, %slice3A_151, %broadcast_in_dim3A_146, %broadcast_in_dim3A_146, %broadcast_in_dim3A_146, %broadcast_in_dim3A_148 in 1 : vector<2x1xf32>, vector<2x1xf32>, vector<2x1xf32>, vector<2x1xf32>, vector<2x1xf32>, vector<2x1xf32>, vector<2x1xf32>, vector<2x1xf32>, vector<2x1xf32>, vector<2x1xf32>, vector<2x1xf32>, vector<2x1xf32>, vector<2x1xf32>, vector<2x1xf32>, vector<2x1xf32>, vector<2x1xf32> -> vector<2x16xf32>
    %swap3A = arith.constant 0 : index
    %swap3A_153 = arith.constant 0 : index
    %swap3A_154 = vector.load %arg16[%swap3A, %swap3A_153] : memref<2x16xf32, #tpu.memory_space<vmem>>, vector<2x16xf32>
    tpu.vector_store %arg16[%swap3A, %swap3A_153], %concatenate3A_152 {strides = array<i32>} : memref<2x16xf32, #tpu.memory_space<vmem>>, vector<2x16xf32>,
    return
  }
}

</mosaic_0001>

<sc_bundles>
// kernel: kernel.11.cloned.1.call-start
scs
__scs_entry_jumppad:
0x0: {  	(pc) =	sbr.rel $0x88, $3  }
0x1: {  	(tag) =	ssettag $0x0;
	lr =	simm.s32 $0x1  }
0x2: {  	[smem:$0x3F86] =	sst lr;
	_ =	strace $0xD0000000  }
0x3: {  	_ = 	snop  }
0x4: {  	_ = 	snop  }
0x5: {  	_ = 	snop  }
0x6: {  	_ = 	snop  }
0x7: {  	_ = 	snop  }
__scs_overlays_trampoline_lowered:
0x8: {  	[smem:$0x3F95] =	sst s0  }
0x9: {  	[smem:$0x3F96] =	sst s1  }
0xa: {  	[smem:$0x3F97] =	sst s2  }
0xb: {  	[smem:$0x3F98] =	sst s3  }
0xc: {  	[smem:$0x3F99] =	sst s4  }
0xd: {  	[smem:$0x3F9A] =	sst s5  }
0xe: {  	[smem:$0x3F9B] =	sst s6  }
0xf: {  	[smem:$0x3F9C] =	sst s7  }
0x10: {  	[smem:$0x3F9D] =	sst s8  }
0x11: {  	[smem:$0x3F9E] =	sst s9;
	s0 =	simm.s32 @!p0 $0x0  }
0x12: {  	s1 =	sld [smem:$0x3F84];
	s0 =	simm.s32 @p0 $0x1  }
0x13: {  	[smem:$0x3F9F] =	sst s0;
	s0 =	simm.s32 @!p1 $0x0  }
0x14: {  	s2 =	sld [smem:$0x3F83];
	s0 =	simm.s32 @p1 $0x1  }
0x15: {  	[smem:$0x3FA0] =	sst s0;
	s0 =	simm.s32 @!p2 $0x0  }
0x16: {  	s3 =	sld [smem:$0x3FDB];
	s0 =	simm.s32 @p2 $0x1  }
0x17: {  	s4 =	simm.s32 $0x1BF5;
	[smem:$0x3FA2] =	sst s0  }
0x18: {  	s0 =	sld [smem:$0x3F85];
	_ =	swait.ge [sflag:s4], $0x0  }
0x19: {  	s7 =	sld [smem:$0x3F86]  }
0x1a: {  	s8 =	sadd.s32 $0xFFFFE003, lr  }
0x1b: {  	s9 =	sadd.s32 $0xFFFFFEF7, lr;
	s5 =	simm.s32 $0xFFFFFFFF;
	p2 =	slt.u32 s8, $0xFFFFF086  }
0x1c: {  	p1 =	slt.u32 s9, $0xF7A;
	s5 =	simm.s32 @!p2 $0x0  }
0x1d: {  	s5 =	simm.s32 @p1 $0x1;
	p0 =	seq.s32 s7, s2  }
0x1e: {  	s7 =	smul.u32 @!p0 $0xF7A, s2;
	p2 =	seq.s32 @!p0 s5, $0x0  }
0x1f: {  	s9 =	smul.u32 $0xF7A, s1;
	s8 =	simm.s32 @!p0 $0x1BF5;
	p2 =	por !p2, p0  }
0x20: {  	[sflag:s8] =	ssyncset.s32 @!p0 $0xFFFFF086;
	s6 =	sadd.s32 @!p0 s3, s7;
	s7 =	simm.s32 @!p0 $0x108  }
0x21: {  	s3 =	sadd.s32 s3, s9;
	s6 =	sadd.s32 @!p0 $0x88, s6;
	s7 =	simm.s32 @p2 $0x1082  }
0x22: {  	[simem:s7], [sflag:s8] =	dma.local @!p0 [hbm:s6], $0xF7A  }
0x23: {  	s9 =	sor.u32 $0xD0000000, s2;
	s6 =	simm.s32 $0x108;
	_ =	swait.ge @!p0 [sflag:s8], $0x0  }
0x24: {  	s3 =	sadd.s32 $0x88, s3;
	s6 =	simm.s32 @!p1 $0x1082;
	[sflag:s4] =	ssyncset.s32 $0xFFFFF086  }
0x25: {  	[simem:s6], [sflag:s4] =	dma.local [hbm:s3], $0xF7A  }
0x26: {  	[smem:$0x3F86] =	sst s1;
	(tag) =	ssettag s2;
	_ =	strace s9  }
0x27: {  	s1 =	sld [smem:$0x3F96]  }
0x28: {  	s2 =	sld [smem:$0x3F97]  }
0x29: {  	s4 =	sld [smem:$0x3F99]  }
0x2a: {  	p0 =	seq.s32 s5, $0x0;
	s5 =	sld [smem:$0x3F9A]  }
0x2b: {  	s6 =	sld [smem:$0x3F9B]  }
0x2c: {  	s7 =	sld [smem:$0x3F9C]  }
0x2d: {  	s3 =	simm.s32 $0x108;
	s8 =	sld [smem:$0x3F9D]  }
0x2e: {  	s3 =	simm.s32 @!p0 $0x1082;
	s9 =	sld [smem:$0x3F9E]  }
0x2f: {  	lr =	sadd.s32 s0, s3;
	s0 =	sld [smem:$0x3F95]  }
0x30: {  	s3 =	sld [smem:$0x3F98]  }
0x31: {  	[smem:$0x3FA1] =	sst s10  }
0x32: {  	s10 =	sld [smem:$0x3F9F];
	_ =	sdelay $0x3  }
0x33: {  	p0 =	seq.s32 s10, $0x1;
	s10 =	sld [smem:$0x3FA1];
	_ =	sdelay $0x3  }
0x34: {  	[smem:$0x3FA1] =	sst s10  }
0x35: {  	s10 =	sld [smem:$0x3FA0];
	_ =	sdelay $0x3  }
0x36: {  	p1 =	seq.s32 s10, $0x1;
	s10 =	sld [smem:$0x3FA1];
	_ =	sdelay $0x3  }
0x37: {  	[smem:$0x3FA1] =	sst s10  }
0x38: {  	s10 =	sld [smem:$0x3FA2]  }
0x39: {  	_ = 	snop;
	(pc) =	sbr.ind lr, $3  }
0x3a: {  	_ = 	snop  }
0x3b: {  	_ = 	snop  }
0x3c: {  	p2 =	seq.s32 s10, $0x1;
	s10 =	sld [smem:$0x3FA1]  }
0x3d: {  	_ =	shalt  }
0x3e: {  	_ =	shalt  }
0x3f: {  	_ =	shalt  }
0x40: {  	_ =	shalt  }
0x41: {  	_ =	shalt  }
0x42: {  	_ =	shalt  }
0x43: {  	_ =	shalt  }
0x44: {  	_ =	shalt  }
0x45: {  	_ =	shalt  }
0x46: {  	_ =	shalt  }
0x47: {  	_ =	shalt  }
0x48: {  	_ =	shalt  }
0x49: {  	_ =	shalt  }
0x4a: {  	_ =	shalt  }
0x4b: {  	_ =	shalt  }
0x4c: {  	_ =	shalt  }
0x4d: {  	_ =	shalt  }
0x4e: {  	_ =	shalt  }
0x4f: {  	_ =	shalt  }
0x50: {  	_ =	shalt  }
0x51: {  	_ =	shalt  }
0x52: {  	_ =	shalt  }
0x53: {  	_ =	shalt  }
0x54: {  	_ =	shalt  }
0x55: {  	_ =	shalt  }
0x56: {  	_ =	shalt  }
0x57: {  	_ =	shalt  }
0x58: {  	_ =	shalt  }
0x59: {  	_ =	shalt  }
0x5a: {  	_ =	shalt  }
0x5b: {  	_ =	shalt  }
0x5c: {  	_ =	shalt  }
0x5d: {  	_ =	shalt  }
0x5e: {  	_ =	shalt  }
0x5f: {  	_ =	shalt  }
0x60: {  	_ =	shalt  }
0x61: {  	_ =	shalt  }
0x62: {  	_ =	shalt  }
0x63: {  	_ =	shalt  }
0x64: {  	_ =	shalt  }
0x65: {  	_ =	shalt  }
0x66: {  	_ =	shalt  }
0x67: {  	_ =	shalt  }
0x68: {  	_ =	shalt  }
0x69: {  	_ =	shalt  }
0x6a: {  	_ =	shalt  }
0x6b: {  	_ =	shalt  }
0x6c: {  	_ =	shalt  }
0x6d: {  	_ =	shalt  }
0x6e: {  	_ =	shalt  }
0x6f: {  	_ =	shalt  }
0x70: {  	_ =	shalt  }
0x71: {  	_ =	shalt  }
0x72: {  	_ =	shalt  }
0x73: {  	_ =	shalt  }
0x74: {  	_ =	shalt  }
0x75: {  	_ =	shalt  }
0x76: {  	_ =	shalt  }
0x77: {  	_ =	shalt  }
0x78: {  	_ =	shalt  }
0x79: {  	_ =	shalt  }
0x7a: {  	_ =	shalt  }
0x7b: {  	_ =	shalt  }
0x7c: {  	_ =	shalt  }
0x7d: {  	_ =	shalt  }
0x7e: {  	_ =	shalt  }
0x7f: {  	_ =	shalt  }
0x80: {  	_ =	shalt  }
0x81: {  	_ =	shalt  }
0x82: {  	_ =	shalt  }
0x83: {  	_ =	shalt  }
0x84: {  	_ =	shalt  }
0x85: {  	_ =	shalt  }
0x86: {  	_ =	shalt  }
0x87: {  	_ =	shalt  }
.Lfunc_end0:
.L_simem_size_0:
called_computation.1_lowered:
.L_overlay_start_0:
0x88: {  	s2 =	sld [smem:$0x3FD9]  }
0x89: {  	s3 =	sld [smem:$0x3FFE];
	_ =	sdelay $0x1  }
0x8a: {  	s1 =	srdreg.scid  }
0x8b: {  	s0 =	sand.u32 $0x1, s1  }
0x8c: {  	s16 =	sshll.u32 s0, $0xA;
	s2 =	sadd.s32 s3, s2  }
0x8d: {  	s2 =	sadd.s32 s2, s16  }
0x8e: {  	[smem:$0x3FAD] =	sst s2  }
0x8f: {  	_ = 	snop  }
0x90: {  	(tm) =	ssettm $0x1  }
0x91: {  	s17 =	sld [smem:$0x3FFB];
	_ =	sdelay $0x3  }
0x92: {  	_ =	strace s17  }
0x93: {  	s2 =	sld [smem:$0x3FFC];
	_ =	sdelay $0x3  }
0x94: {  	_ =	strace s2  }
0x95: {  	s2 =	sld [smem:$0x3FFD];
	_ =	sdelay $0x3  }
0x96: {  	_ =	strace s2  }
0x97: {  	_ =	strace $0x8FFFFFFF  }
0x98: {  	s18 =	sld [smem:$0x3FDB];
	_ =	sdelay $0x1  }
0x99: {  	s19 =	simm.s32 $_scs_section_size  }
0x9a: {  	s4 =	simm.s32 $_size__tile_overlayer_lowered;
	s5 =	simm.s32 $_tile_overlayer_lowered  }
0x9b: {  	s22 =	simm.s32 $0x1BFF;
	s21 =	sshll.u32 s5, $0x1;
	s2 =	sadd.s32 s19, s18  }
0x9c: {  	s6 =	simm.s32 $0x0;
	s20 =	sshll.u32 s4, $0x1;
	s4 =	sadd.s32 s21, s2  }
0x9d: {  	[timem:s6], [sflag:s22] =	dma.local [hbm:s4], s20  }
0x9e: {  	_ =	swait.ge [sflag:s22], s20  }
0x9f: {  	s3 =	ssub.s32 $0x0, s20;
	[sflag:s22] =	ssyncset.done $0x0  }
0xa0: {  	[sflag:s22] =	ssyncadd.s32 s3;
	_ =	sdelay $0x1  }
0xa1: {  	s23 =	simm.s32 $0x1B8B  }
0xa2: {  	_ =	swait.ge [sflag:s23], $0x1  }
0xa3: {  	[sflag:s23] =	ssyncset.done $0x0  }
0xa4: {  	s25 =	simm.s32 $0x1B8E;
	s24 =	sld [smem:$0x3FFE];
	[sflag:s23] =	ssyncadd.s32 $0xFFFFFFFF  }
0xa5: {  	s26 =	simm.s32 $execute0_lowered;
	[smem:$0x3FD2] =	sst s25  }
0xa6: {  	s4 =	sshll.u32 s26, $0x1;
	_ =	strace $0x80000049;
	[dreg:$0x1] =	wrdreg $0xFFFFFFFF  }
0xa7: {  	s28 =	simm.s32 $_size_execute0_lowered;
	s2 =	sadd.s32 s2, s4;
	[dreg:$0x0] =	wrdreg $0x0  }
0xa8: {  	s4 =	sshll.u32 s28, $0x1;
	[dreg:$0x2] =	wrdreg s2  }
0xa9: {  	[dreg:$0x3] =	wrdreg s4  }
0xaa: {  	[dreg:$0x4] =	wrdreg $0xC0  }
0xab: {  	_ =	task [dreg:s6], $0x5FFFF  }
0xac: {  	[dreg:$0x1] =	wrdreg $0xFFFFFFFF  }
0xad: {  	[dreg:$0x0] =	wrdreg $0x60  }
0xae: {  	[dreg:$0x2] =	wrdreg s24  }
0xaf: {  	[dreg:$0x3] =	wrdreg $0x110000  }
0xb0: {  	[dreg:$0x4] =	wrdreg $0x9  }
0xb1: {  	_ =	task.clear_ibuf [dreg:s6], $0x5FFFF;
	_ =	strace $0x90000049  }
0xb2: {  	s29 =	simm.s32 $0x9;
	_ =	strace $0x8000004B  }
0xb3: {  	_ =	swait.ge [sflag:s29], $0x1  }
0xb4: {  	[sflag:s29] =	ssyncadd.s32 $0xFFFFFFFF  }
0xb5: {  	_ =	strace $0x9000004B  }
0xb6: {  	_ =	sfence  }
0xb7: {  	s30 =	sld [smem:$0x0];
	_ =	sdelay $0x2  }
0xb8: {  	s31 =	sshll.u32 s1, $0xD;
	s1 =	sshrl.u32 s1, $0x2  }
0xb9: {  	s3 =	sand.u32 $0x4000, s31;
	s1 =	sadd.s32 s1, s30  }
0xba: {  	s0 =	sor.u32 s3, s0;
	s1 =	sshll.u32 s1, $0x11  }
0xbb: {  	s0 =	sor.u32 s1, s0  }
0xbc: {  	s0 =	sadd.s32 $0x8F2B, s0  }
0xbd: {  	[sflag:s0] =	ssyncadd.remote.s32 $0x1  }
0xbe: {  	_ =	sfence.sel $0xFFFF  }
0xbf: {  	[dreg:$0x0] =	wrdreg $0xFFFFFFFF;
	(pc) =	sbr.abs _section_cstart, $3  }
0xc0: {  	[dreg:$0x1] =	wrdreg $0xFFFFFFFF  }
0xc1: {  	_ =	task.clear_ibuf [dreg:s6], $0x2FFFF;
	_ =	strace $0x9FFFFFFF  }
0xc2: {  	(tm) =	ssettm $0x7FFFFFFF  }
0xc3: {  	_ =	shalt  }
tec
execute0_lowered:
.L_overlay_start_1:
0x0: {  	(tag) =	ssettag $0x1  }
0x1: {  	s3 =	rddreg [dreg:$0x0];
	s2 =	srdreg.scid  }
0x2: {  	s1 =	rddreg [dreg:$0x1];
	s4 =	stileid.u32;
	s30 =	sand.u32 $0x1, s2  }
0x3: {  	s2 =	simm.s32 $0x0;
	s5 =	sshll.u32 s4, $0xD;
	s6 =	sshll.u32 s30, $0xC  }
0x4: {  	[smem:$0x7FF] =	sst s2;
	s5 =	sor.u32 s6, s5  }
0x5: {  	s7 =	sadd.s32 $0x5200, s3;
	_ =	strace $0x8000004A;
	s6 =	sshrl.u32 s5, $0x3  }
0x6: {  	[dreg:$0x3] =	wrdreg s7;
	s5 =	sshll.u32 s5, $0x4;
	s6 =	sadd.s32 s6, s3  }
0x7: {  	s31 =	sadd.s32 s5, s3;
	s13 =	sadd.s32 $0x20D800, s6;
	s6 =	rddreg [dreg:$0x3]  }
0x8: {  	s14 =	sadd.s32 $0xD200, s31;
	[dreg:$0x4] =	wrdreg s13  }
0x9: {  	s15 =	sadd.s32 $0xE200, s31;
	[dreg:$0x5] =	wrdreg s14  }
0xa: {  	s16 =	sadd.s32 $0xF200, s31;
	[dreg:$0x6] =	wrdreg s15  }
0xb: {  	s17 =	sadd.s32 $0x10200, s31;
	[dreg:$0x7] =	wrdreg s16  }
0xc: {  	s18 =	sadd.s32 $0x11200, s31;
	[dreg:$0x8] =	wrdreg s17  }
0xd: {  	s19 =	sadd.s32 $0x12200, s31;
	[dreg:$0x9] =	wrdreg s18  }
0xe: {  	s20 =	sadd.s32 $0x13200, s31;
	[dreg:$0xa] =	wrdreg s19  }
0xf: {  	s21 =	sadd.s32 $0x14200, s31;
	[dreg:$0xb] =	wrdreg s20  }
0x10: {  	s22 =	sadd.s32 $0x15200, s31;
	[dreg:$0xc] =	wrdreg s21  }
0x11: {  	s23 =	sadd.s32 $0x16200, s31;
	[dreg:$0xd] =	wrdreg s22  }
0x12: {  	p0 =	sne.s32 s4, $0x0;
	s24 =	sadd.s32 $0x17200, s31;
	[dreg:$0xe] =	wrdreg s23  }
0x13: {  	s4 =	simm.s32 @!p0 $0x1C03;
	s25 =	sadd.s32 $0x18200, s31;
	[dreg:$0xf] =	wrdreg s24  }
0x14: {  	s3 =	sshrl.u32 @!p0 s1, $0x3;
	s5 =	simm.s32 @!p0 $0x3;
	[dreg:$0x10] =	wrdreg s25  }
0x15: {  	[spmem:s3], [sflag:s4] =	dma.local @!p0 [hbm:s6], $0x8000  }
0x16: {  	_ =	swait.ge @!p0 [sflag:s5], $0x8000  }
0x17: {  	[sflag:s5] =	ssyncset.done @!p0 $0x0  }
0x18: {  	s6 =	simm.s32 $0x3;
	s26 =	rddreg [dreg:$0x4];
	[sflag:s5] =	ssyncadd.s32 @!p0 $0xFFFF8000  }
0x19: {  	[tilespmem:s2], [sflag:$0x3] =	stream.linear.gather [hbm4b:s26+s2], $0x1000, $0x38;
	[tilespmem:$0x15000] =	vst v63  }
0x1a: {  	_ =	swait.ge [sflag:s6], $0x1000  }
0x1b: {  	[sflag:s6] =	ssyncset.done $0x0  }
0x1c: {  	[sflag:s6] =	ssyncadd.s32 $0xFFFFF000  }
0x1d: {  	s8 =	simm.s32 $0x1000;
	s7 =	simm.s32 $0x100;
	[bflag:$0x0] =	sbarrier.arrive $0xFFFF  }
0x1e: {  	[tilespmem:s8], [sflag:$0x1] =	stream.indirect.gather [spmem:s1], $0x80, s2, s7, $0xb8;
	[tilespmem:$0x15000] =	vst v63  }
0x1f: {  	s9 =	simm.s32 $0x9000;
	s10 =	simm.s32 $0x1  }
0x20: {  	[tilespmem:s9], [sflag:$0x2] =	stream.indirect.gather [spmem:s1], $0x80, s7, s7, $0xb8;
	[tilespmem:$0x15000] =	vst v63  }
0x21: {  	_ =	swait.ge [sflag:s10], $0x8000  }
0x22: {  	[sflag:s10] =	ssyncset.done $0x0  }
0x23: {  	s11 =	rddreg [dreg:$0x5];
	[sflag:s10] =	ssyncadd.s32 $0xFFFF8000  }
0x24: {  	[hbm4b:s11+s2] =	stream.linear.scatter [tilespmem:s8], [sflag:$0x3], $0x8000, $0x38;
	[tilespmem:$0x15000] =	vst v63  }
0x25: {  	_ =	swait.ge [sflag:s6], $0x8000  }
0x26: {  	[sflag:s6] =	ssyncset.done $0x0  }
0x27: {  	s12 =	simm.s32 $0x2;
	s11 =	simm.s32 $0x200;
	[sflag:s6] =	ssyncadd.s32 $0xFFFF8000  }
0x28: {  	[tilespmem:s8], [sflag:$0x1] =	stream.indirect.gather [spmem:s1], $0x80, s11, s7, $0xb8;
	[tilespmem:$0x15000] =	vst v63  }
0x29: {  	_ =	swait.ge [sflag:s12], $0x8000  }
0x2a: {  	[sflag:s12] =	ssyncset.done $0x0  }
0x2b: {  	s13 =	rddreg [dreg:$0x6];
	[sflag:s12] =	ssyncadd.s32 $0xFFFF8000  }
0x2c: {  	[hbm4b:s13+s2] =	stream.linear.scatter [tilespmem:s9], [sflag:$0x3], $0x8000, $0x38;
	[tilespmem:$0x15000] =	vst v63  }
0x2d: {  	_ =	swait.ge [sflag:s6], $0x8000  }
0x2e: {  	[sflag:s6] =	ssyncset.done $0x0  }
0x2f: {  	s13 =	simm.s32 $0x300;
	[sflag:s6] =	ssyncadd.s32 $0xFFFF8000  }
0x30: {  	[tilespmem:s9], [sflag:$0x2] =	stream.indirect.gather [spmem:s1], $0x80, s13, s7, $0xb8;
	[tilespmem:$0x15000] =	vst v63  }
0x31: {  	_ =	swait.ge [sflag:s10], $0x8000  }
0x32: {  	[sflag:s10] =	ssyncset.done $0x0  }
0x33: {  	s14 =	rddreg [dreg:$0x7];
	[sflag:s10] =	ssyncadd.s32 $0xFFFF8000  }
0x34: {  	[hbm4b:s14+s2] =	stream.linear.scatter [tilespmem:s8], [sflag:$0x3], $0x8000, $0x38;
	[tilespmem:$0x15000] =	vst v63  }
0x35: {  	_ =	swait.ge [sflag:s6], $0x8000  }
0x36: {  	[sflag:s6] =	ssyncset.done $0x0  }
0x37: {  	s14 =	simm.s32 $0x400;
	[sflag:s6] =	ssyncadd.s32 $0xFFFF8000  }
0x38: {  	[tilespmem:s8], [sflag:$0x1] =	stream.indirect.gather [spmem:s1], $0x80, s14, s7, $0xb8;
	[tilespmem:$0x15000] =	vst v63  }
0x39: {  	_ =	swait.ge [sflag:s12], $0x8000  }
0x3a: {  	[sflag:s12] =	ssyncset.done $0x0  }
0x3b: {  	s15 =	rddreg [dreg:$0x8];
	[sflag:s12] =	ssyncadd.s32 $0xFFFF8000  }
0x3c: {  	[hbm4b:s15+s2] =	stream.linear.scatter [tilespmem:s9], [sflag:$0x3], $0x8000, $0x38;
	[tilespmem:$0x15000] =	vst v63  }
0x3d: {  	_ =	swait.ge [sflag:s6], $0x8000  }
0x3e: {  	[sflag:s6] =	ssyncset.done $0x0  }
0x3f: {  	s15 =	simm.s32 $0x500;
	[sflag:s6] =	ssyncadd.s32 $0xFFFF8000  }
0x40: {  	[tilespmem:s9], [sflag:$0x2] =	stream.indirect.gather [spmem:s1], $0x80, s15, s7, $0xb8;
	[tilespmem:$0x15000] =	vst v63  }
0x41: {  	_ =	swait.ge [sflag:s10], $0x8000  }
0x42: {  	[sflag:s10] =	ssyncset.done $0x0  }
0x43: {  	s16 =	rddreg [dreg:$0x9];
	[sflag:s10] =	ssyncadd.s32 $0xFFFF8000  }
0x44: {  	[hbm4b:s16+s2] =	stream.linear.scatter [tilespmem:s8], [sflag:$0x3], $0x8000, $0x38;
	[tilespmem:$0x15000] =	vst v63  }
0x45: {  	_ =	swait.ge [sflag:s6], $0x8000  }
0x46: {  	[sflag:s6] =	ssyncset.done $0x0  }
0x47: {  	s16 =	simm.s32 $0x600;
	[sflag:s6] =	ssyncadd.s32 $0xFFFF8000  }
0x48: {  	[tilespmem:s8], [sflag:$0x1] =	stream.indirect.gather [spmem:s1], $0x80, s16, s7, $0xb8;
	[tilespmem:$0x15000] =	vst v63  }
0x49: {  	_ =	swait.ge [sflag:s12], $0x8000  }
0x4a: {  	[sflag:s12] =	ssyncset.done $0x0  }
0x4b: {  	s17 =	rddreg [dreg:$0xa];
	[sflag:s12] =	ssyncadd.s32 $0xFFFF8000  }
0x4c: {  	[hbm4b:s17+s2] =	stream.linear.scatter [tilespmem:s9], [sflag:$0x3], $0x8000, $0x38;
	[tilespmem:$0x15000] =	vst v63  }
0x4d: {  	_ =	swait.ge [sflag:s6], $0x8000  }
0x4e: {  	[sflag:s6] =	ssyncset.done $0x0  }
0x4f: {  	s17 =	simm.s32 $0x700;
	[sflag:s6] =	ssyncadd.s32 $0xFFFF8000  }
0x50: {  	[tilespmem:s9], [sflag:$0x2] =	stream.indirect.gather [spmem:s1], $0x80, s17, s7, $0xb8;
	[tilespmem:$0x15000] =	vst v63  }
0x51: {  	_ =	swait.ge [sflag:s10], $0x8000  }
0x52: {  	[sflag:s10] =	ssyncset.done $0x0  }
0x53: {  	s18 =	rddreg [dreg:$0xb];
	[sflag:s10] =	ssyncadd.s32 $0xFFFF8000  }
0x54: {  	[hbm4b:s18+s2] =	stream.linear.scatter [tilespmem:s8], [sflag:$0x3], $0x8000, $0x38;
	[tilespmem:$0x15000] =	vst v63  }
0x55: {  	_ =	swait.ge [sflag:s6], $0x8000  }
0x56: {  	[sflag:s6] =	ssyncset.done $0x0  }
0x57: {  	s18 =	simm.s32 $0x800;
	[sflag:s6] =	ssyncadd.s32 $0xFFFF8000  }
0x58: {  	[tilespmem:s8], [sflag:$0x1] =	stream.indirect.gather [spmem:s1], $0x80, s18, s7, $0xb8;
	[tilespmem:$0x15000] =	vst v63  }
0x59: {  	_ =	swait.ge [sflag:s12], $0x8000  }
0x5a: {  	[sflag:s12] =	ssyncset.done $0x0  }
0x5b: {  	s19 =	rddreg [dreg:$0xc];
	[sflag:s12] =	ssyncadd.s32 $0xFFFF8000  }
0x5c: {  	[hbm4b:s19+s2] =	stream.linear.scatter [tilespmem:s9], [sflag:$0x3], $0x8000, $0x38;
	[tilespmem:$0x15000] =	vst v63  }
0x5d: {  	_ =	swait.ge [sflag:s6], $0x8000  }
0x5e: {  	[sflag:s6] =	ssyncset.done $0x0  }
0x5f: {  	s19 =	simm.s32 $0x900;
	[sflag:s6] =	ssyncadd.s32 $0xFFFF8000  }
0x60: {  	[tilespmem:s9], [sflag:$0x2] =	stream.indirect.gather [spmem:s1], $0x80, s19, s7, $0xb8;
	[tilespmem:$0x15000] =	vst v63  }
0x61: {  	_ =	swait.ge [sflag:s10], $0x8000  }
0x62: {  	[sflag:s10] =	ssyncset.done $0x0  }
0x63: {  	s20 =	rddreg [dreg:$0xd];
	[sflag:s10] =	ssyncadd.s32 $0xFFFF8000  }
0x64: {  	[hbm4b:s20+s2] =	stream.linear.scatter [tilespmem:s8], [sflag:$0x3], $0x8000, $0x38;
	[tilespmem:$0x15000] =	vst v63  }
0x65: {  	_ =	swait.ge [sflag:s6], $0x8000  }
0x66: {  	[sflag:s6] =	ssyncset.done $0x0  }
0x67: {  	s20 =	simm.s32 $0xA00;
	[sflag:s6] =	ssyncadd.s32 $0xFFFF8000  }
0x68: {  	[tilespmem:s8], [sflag:$0x1] =	stream.indirect.gather [spmem:s1], $0x80, s20, s7, $0xb8;
	[tilespmem:$0x15000] =	vst v63  }
0x69: {  	_ =	swait.ge [sflag:s12], $0x8000  }
0x6a: {  	[sflag:s12] =	ssyncset.done $0x0  }
0x6b: {  	s21 =	rddreg [dreg:$0xe];
	[sflag:s12] =	ssyncadd.s32 $0xFFFF8000  }
0x6c: {  	[hbm4b:s21+s2] =	stream.linear.scatter [tilespmem:s9], [sflag:$0x3], $0x8000, $0x38;
	[tilespmem:$0x15000] =	vst v63  }
0x6d: {  	_ =	swait.ge [sflag:s6], $0x8000  }
0x6e: {  	[sflag:s6] =	ssyncset.done $0x0  }
0x6f: {  	s21 =	simm.s32 $0xB00;
	[sflag:s6] =	ssyncadd.s32 $0xFFFF8000  }
0x70: {  	[tilespmem:s9], [sflag:$0x2] =	stream.indirect.gather [spmem:s1], $0x80, s21, s7, $0xb8;
	[tilespmem:$0x15000] =	vst v63  }
0x71: {  	_ =	swait.ge [sflag:s10], $0x8000  }
0x72: {  	[sflag:s10] =	ssyncset.done $0x0  }
0x73: {  	s22 =	rddreg [dreg:$0xf];
	[sflag:s10] =	ssyncadd.s32 $0xFFFF8000  }
0x74: {  	[hbm4b:s22+s2] =	stream.linear.scatter [tilespmem:s8], [sflag:$0x3], $0x8000, $0x38;
	[tilespmem:$0x15000] =	vst v63  }
0x75: {  	_ =	swait.ge [sflag:s6], $0x8000  }
0x76: {  	[sflag:s6] =	ssyncset.done $0x0  }
0x77: {  	s22 =	simm.s32 $0xC00;
	[sflag:s6] =	ssyncadd.s32 $0xFFFF8000  }
0x78: {  	[tilespmem:s8], [sflag:$0x1] =	stream.indirect.gather [spmem:s1], $0x80, s22, s7, $0xb8;
	[tilespmem:$0x15000] =	vst v63  }
0x79: {  	_ =	swait.ge [sflag:s12], $0x8000  }
0x7a: {  	[sflag:s12] =	ssyncset.done $0x0  }
0x7b: {  	s23 =	rddreg [dreg:$0x10];
	[sflag:s12] =	ssyncadd.s32 $0xFFFF8000  }
0x7c: {  	[hbm4b:s23+s2] =	stream.linear.scatter [tilespmem:s9], [sflag:$0x3], $0x8000, $0x38;
	[tilespmem:$0x15000] =	vst v63  }
0x7d: {  	_ =	swait.ge [sflag:s6], $0x8000  }
0x7e: {  	[sflag:s6] =	ssyncset.done $0x0  }
0x7f: {  	s23 =	simm.s32 $0xD00;
	[sflag:s6] =	ssyncadd.s32 $0xFFFF8000  }
0x80: {  	[tilespmem:s9], [sflag:$0x2] =	stream.indirect.gather [spmem:s1], $0x80, s23, s7, $0xb8;
	[tilespmem:$0x15000] =	vst v63  }
0x81: {  	_ =	swait.ge [sflag:s10], $0x8000  }
0x82: {  	[sflag:s10] =	ssyncset.done $0x0  }
0x83: {  	s24 =	sadd.s32 $0x19200, s31;
	[sflag:s10] =	ssyncadd.s32 $0xFFFF8000  }
0x84: {  	[hbm4b:s24+s2] =	stream.linear.scatter [tilespmem:s8], [sflag:$0x3], $0x8000, $0x38;
	[tilespmem:$0x15000] =	vst v63  }
0x85: {  	_ =	swait.ge [sflag:s6], $0x8000  }
0x86: {  	[sflag:s6] =	ssyncset.done $0x0  }
0x87: {  	s25 =	simm.s32 $0xE00;
	[sflag:s6] =	ssyncadd.s32 $0xFFFF8000  }
0x88: {  	[tilespmem:s8], [sflag:$0x1] =	stream.indirect.gather [spmem:s1], $0x80, s25, s7, $0xb8;
	[tilespmem:$0x15000] =	vst v63  }
0x89: {  	_ =	swait.ge [sflag:s12], $0x8000  }
0x8a: {  	[sflag:s12] =	ssyncset.done $0x0  }
0x8b: {  	s26 =	sadd.s32 $0x1A200, s31;
	[sflag:s12] =	ssyncadd.s32 $0xFFFF8000  }
0x8c: {  	[hbm4b:s26+s2] =	stream.linear.scatter [tilespmem:s9], [sflag:$0x3], $0x8000, $0x38;
	[tilespmem:$0x15000] =	vst v63  }
0x8d: {  	_ =	swait.ge [sflag:s6], $0x8000  }
0x8e: {  	[sflag:s6] =	ssyncset.done $0x0  }
0x8f: {  	s28 =	simm.s32 $0xF00;
	[sflag:s6] =	ssyncadd.s32 $0xFFFF8000  }
0x90: {  	[tilespmem:s9], [sflag:$0x2] =	stream.indirect.gather [spmem:s1], $0x80, s28, s7, $0xb8;
	[tilespmem:$0x15000] =	vst v63  }
0x91: {  	s30 =	ssub.s32 $0x2, s30;
	_ =	swait.ge [sflag:s10], $0x8000  }
0x92: {  	s0 =	sshrl.u32 s30, $0x1;
	[sflag:s10] =	ssyncset.done $0x0  }
0x93: {  	s0 =	ssub.s32 s30, s0;
	s29 =	sadd.s32 $0x1B200, s31;
	[sflag:s10] =	ssyncadd.s32 $0xFFFF8000  }
0x94: {  	[hbm4b:s29+s2] =	stream.linear.scatter [tilespmem:s8], [sflag:$0x3], $0x8000, $0x38;
	[tilespmem:$0x15000] =	vst v63  }
0x95: {  	s0 =	smax.u32 s0, $0x1;
	_ =	swait.ge [sflag:s6], $0x8000  }
0x96: {  	s30 =	sadd.s32 $0x1C200, s31;
	s31 =	sadd.s32 $0xFFFFFFFF, s0;
	[sflag:s6] =	ssyncset.done $0x0  }
0x97: {  	p1 =	sne.s32 s31, $0x0;
	[sflag:s6] =	ssyncadd.s32 $0xFFFF8000  }
.Ltmp0:
0x98: {  	_ =	swait.ge [sflag:s12], $0x8000;
	(pc) =	sbr.rel @!p1 .LBB2_2-.Ltmp0, $4  }
0x99: {  	[sflag:s12] =	ssyncset.done $0x0  }
0x9a: {  	[sflag:s12] =	ssyncadd.s32 $0xFFFF8000  }
0x9b: {  	[hbm4b:s30+s2] =	stream.linear.scatter [tilespmem:s9], [sflag:$0x3], $0x8000, $0x38;
	[tilespmem:$0x15000] =	vst v63  }
0x9c: {  	_ =	swait.ge [sflag:s6], $0x8000  }
.LBB2_1:
0x9d: {  	[sflag:s6] =	ssyncset.done $0x0  }
0x9e: {  	s0 =	rddreg [dreg:$0x3];
	[sflag:s6] =	ssyncadd.s32 $0xFFFF8000  }
0x9f: {  	[spmem:s3], [sflag:s4] =	dma.local @!p0 [hbm:s0], $0x8000  }
0xa0: {  	_ =	swait.ge @!p0 [sflag:s5], $0x8000  }
0xa1: {  	[sflag:s5] =	ssyncset.done @!p0 $0x0  }
0xa2: {  	s0 =	rddreg [dreg:$0x4];
	[sflag:s5] =	ssyncadd.s32 @!p0 $0xFFFF8000  }
0xa3: {  	[tilespmem:s2], [sflag:$0x3] =	stream.linear.gather [hbm4b:s0+s2], $0x1000, $0x38;
	[tilespmem:$0x15000] =	vst v63  }
0xa4: {  	_ =	swait.ge [sflag:s6], $0x1000  }
0xa5: {  	[sflag:s6] =	ssyncset.done $0x0  }
0xa6: {  	[sflag:s6] =	ssyncadd.s32 $0xFFFFF000  }
0xa7: {  	[bflag:$0x0] =	sbarrier.arrive $0xFFFF  }
0xa8: {  	[tilespmem:s8], [sflag:$0x1] =	stream.indirect.gather [spmem:s1], $0x80, s2, s7, $0xb8;
	[tilespmem:$0x15000] =	vst v63  }
0xa9: {  	_ = 	snop  }
0xaa: {  	[tilespmem:s9], [sflag:$0x2] =	stream.indirect.gather [spmem:s1], $0x80, s7, s7, $0xb8;
	[tilespmem:$0x15000] =	vst v63  }
0xab: {  	_ =	swait.ge [sflag:s10], $0x8000  }
0xac: {  	[sflag:s10] =	ssyncset.done $0x0  }
0xad: {  	s0 =	rddreg [dreg:$0x5];
	[sflag:s10] =	ssyncadd.s32 $0xFFFF8000  }
0xae: {  	[hbm4b:s0+s2] =	stream.linear.scatter [tilespmem:s8], [sflag:$0x3], $0x8000, $0x38;
	[tilespmem:$0x15000] =	vst v63  }
0xaf: {  	_ =	swait.ge [sflag:s6], $0x8000  }
0xb0: {  	[sflag:s6] =	ssyncset.done $0x0  }
0xb1: {  	[sflag:s6] =	ssyncadd.s32 $0xFFFF8000  }
0xb2: {  	[tilespmem:s8], [sflag:$0x1] =	stream.indirect.gather [spmem:s1], $0x80, s11, s7, $0xb8;
	[tilespmem:$0x15000] =	vst v63  }
0xb3: {  	_ =	swait.ge [sflag:s12], $0x8000  }
0xb4: {  	[sflag:s12] =	ssyncset.done $0x0  }
0xb5: {  	s0 =	rddreg [dreg:$0x6];
	[sflag:s12] =	ssyncadd.s32 $0xFFFF8000  }
0xb6: {  	[hbm4b:s0+s2] =	stream.linear.scatter [tilespmem:s9], [sflag:$0x3], $0x8000, $0x38;
	[tilespmem:$0x15000] =	vst v63  }
0xb7: {  	_ =	swait.ge [sflag:s6], $0x8000  }
0xb8: {  	[sflag:s6] =	ssyncset.done $0x0  }
0xb9: {  	[sflag:s6] =	ssyncadd.s32 $0xFFFF8000  }
0xba: {  	[tilespmem:s9], [sflag:$0x2] =	stream.indirect.gather [spmem:s1], $0x80, s13, s7, $0xb8;
	[tilespmem:$0x15000] =	vst v63  }
0xbb: {  	_ =	swait.ge [sflag:s10], $0x8000  }
0xbc: {  	[sflag:s10] =	ssyncset.done $0x0  }
0xbd: {  	s0 =	rddreg [dreg:$0x7];
	[sflag:s10] =	ssyncadd.s32 $0xFFFF8000  }
0xbe: {  	[hbm4b:s0+s2] =	stream.linear.scatter [tilespmem:s8], [sflag:$0x3], $0x8000, $0x38;
	[tilespmem:$0x15000] =	vst v63  }
0xbf: {  	_ =	swait.ge [sflag:s6], $0x8000  }
0xc0: {  	[sflag:s6] =	ssyncset.done $0x0  }
0xc1: {  	[sflag:s6] =	ssyncadd.s32 $0xFFFF8000  }
0xc2: {  	[tilespmem:s8], [sflag:$0x1] =	stream.indirect.gather [spmem:s1], $0x80, s14, s7, $0xb8;
	[tilespmem:$0x15000] =	vst v63  }
0xc3: {  	_ =	swait.ge [sflag:s12], $0x8000  }
0xc4: {  	[sflag:s12] =	ssyncset.done $0x0  }
0xc5: {  	s0 =	rddreg [dreg:$0x8];
	[sflag:s12] =	ssyncadd.s32 $0xFFFF8000  }
0xc6: {  	[hbm4b:s0+s2] =	stream.linear.scatter [tilespmem:s9], [sflag:$0x3], $0x8000, $0x38;
	[tilespmem:$0x15000] =	vst v63  }
0xc7: {  	_ =	swait.ge [sflag:s6], $0x8000  }
0xc8: {  	[sflag:s6] =	ssyncset.done $0x0  }
0xc9: {  	[sflag:s6] =	ssyncadd.s32 $0xFFFF8000  }
0xca: {  	[tilespmem:s9], [sflag:$0x2] =	stream.indirect.gather [spmem:s1], $0x80, s15, s7, $0xb8;
	[tilespmem:$0x15000] =	vst v63  }
0xcb: {  	_ =	swait.ge [sflag:s10], $0x8000  }
0xcc: {  	[sflag:s10] =	ssyncset.done $0x0  }
0xcd: {  	s0 =	rddreg [dreg:$0x9];
	[sflag:s10] =	ssyncadd.s32 $0xFFFF8000  }
0xce: {  	[hbm4b:s0+s2] =	stream.linear.scatter [tilespmem:s8], [sflag:$0x3], $0x8000, $0x38;
	[tilespmem:$0x15000] =	vst v63  }
0xcf: {  	_ =	swait.ge [sflag:s6], $0x8000  }
0xd0: {  	[sflag:s6] =	ssyncset.done $0x0  }
0xd1: {  	[sflag:s6] =	ssyncadd.s32 $0xFFFF8000  }
0xd2: {  	[tilespmem:s8], [sflag:$0x1] =	stream.indirect.gather [spmem:s1], $0x80, s16, s7, $0xb8;
	[tilespmem:$0x15000] =	vst v63  }
0xd3: {  	_ =	swait.ge [sflag:s12], $0x8000  }
0xd4: {  	[sflag:s12] =	ssyncset.done $0x0  }
0xd5: {  	s0 =	rddreg [dreg:$0xa];
	[sflag:s12] =	ssyncadd.s32 $0xFFFF8000  }
0xd6: {  	[hbm4b:s0+s2] =	stream.linear.scatter [tilespmem:s9], [sflag:$0x3], $0x8000, $0x38;
	[tilespmem:$0x15000] =	vst v63  }
0xd7: {  	_ =	swait.ge [sflag:s6], $0x8000  }
0xd8: {  	[sflag:s6] =	ssyncset.done $0x0  }
0xd9: {  	[sflag:s6] =	ssyncadd.s32 $0xFFFF8000  }
0xda: {  	[tilespmem:s9], [sflag:$0x2] =	stream.indirect.gather [spmem:s1], $0x80, s17, s7, $0xb8;
	[tilespmem:$0x15000] =	vst v63  }
0xdb: {  	_ =	swait.ge [sflag:s10], $0x8000  }
0xdc: {  	[sflag:s10] =	ssyncset.done $0x0  }
0xdd: {  	s0 =	rddreg [dreg:$0xb];
	[sflag:s10] =	ssyncadd.s32 $0xFFFF8000  }
0xde: {  	[hbm4b:s0+s2] =	stream.linear.scatter [tilespmem:s8], [sflag:$0x3], $0x8000, $0x38;
	[tilespmem:$0x15000] =	vst v63  }
0xdf: {  	_ =	swait.ge [sflag:s6], $0x8000  }
0xe0: {  	[sflag:s6] =	ssyncset.done $0x0  }
0xe1: {  	[sflag:s6] =	ssyncadd.s32 $0xFFFF8000  }
0xe2: {  	[tilespmem:s8], [sflag:$0x1] =	stream.indirect.gather [spmem:s1], $0x80, s18, s7, $0xb8;
	[tilespmem:$0x15000] =	vst v63  }
0xe3: {  	_ =	swait.ge [sflag:s12], $0x8000  }
0xe4: {  	[sflag:s12] =	ssyncset.done $0x0  }
0xe5: {  	s0 =	rddreg [dreg:$0xc];
	[sflag:s12] =	ssyncadd.s32 $0xFFFF8000  }
0xe6: {  	[hbm4b:s0+s2] =	stream.linear.scatter [tilespmem:s9], [sflag:$0x3], $0x8000, $0x38;
	[tilespmem:$0x15000] =	vst v63  }
0xe7: {  	_ =	swait.ge [sflag:s6], $0x8000  }
0xe8: {  	[sflag:s6] =	ssyncset.done $0x0  }
0xe9: {  	[sflag:s6] =	ssyncadd.s32 $0xFFFF8000  }
0xea: {  	[tilespmem:s9], [sflag:$0x2] =	stream.indirect.gather [spmem:s1], $0x80, s19, s7, $0xb8;
	[tilespmem:$0x15000] =	vst v63  }
0xeb: {  	_ =	swait.ge [sflag:s10], $0x8000  }
0xec: {  	[sflag:s10] =	ssyncset.done $0x0  }
0xed: {  	s0 =	rddreg [dreg:$0xd];
	[sflag:s10] =	ssyncadd.s32 $0xFFFF8000  }
0xee: {  	[hbm4b:s0+s2] =	stream.linear.scatter [tilespmem:s8], [sflag:$0x3], $0x8000, $0x38;
	[tilespmem:$0x15000] =	vst v63  }
0xef: {  	_ =	swait.ge [sflag:s6], $0x8000  }
0xf0: {  	[sflag:s6] =	ssyncset.done $0x0  }
0xf1: {  	[sflag:s6] =	ssyncadd.s32 $0xFFFF8000  }
0xf2: {  	[tilespmem:s8], [sflag:$0x1] =	stream.indirect.gather [spmem:s1], $0x80, s20, s7, $0xb8;
	[tilespmem:$0x15000] =	vst v63  }
0xf3: {  	_ =	swait.ge [sflag:s12], $0x8000  }
0xf4: {  	[sflag:s12] =	ssyncset.done $0x0  }
0xf5: {  	s0 =	rddreg [dreg:$0xe];
	[sflag:s12] =	ssyncadd.s32 $0xFFFF8000  }
0xf6: {  	[hbm4b:s0+s2] =	stream.linear.scatter [tilespmem:s9], [sflag:$0x3], $0x8000, $0x38;
	[tilespmem:$0x15000] =	vst v63  }
0xf7: {  	_ =	swait.ge [sflag:s6], $0x8000  }
0xf8: {  	[sflag:s6] =	ssyncset.done $0x0  }
0xf9: {  	[sflag:s6] =	ssyncadd.s32 $0xFFFF8000  }
0xfa: {  	[tilespmem:s9], [sflag:$0x2] =	stream.indirect.gather [spmem:s1], $0x80, s21, s7, $0xb8;
	[tilespmem:$0x15000] =	vst v63  }
0xfb: {  	_ =	swait.ge [sflag:s10], $0x8000  }
0xfc: {  	[sflag:s10] =	ssyncset.done $0x0  }
0xfd: {  	s0 =	rddreg [dreg:$0xf];
	[sflag:s10] =	ssyncadd.s32 $0xFFFF8000  }
0xfe: {  	[hbm4b:s0+s2] =	stream.linear.scatter [tilespmem:s8], [sflag:$0x3], $0x8000, $0x38;
	[tilespmem:$0x15000] =	vst v63  }
0xff: {  	_ =	swait.ge [sflag:s6], $0x8000  }
0x100: {  	[sflag:s6] =	ssyncset.done $0x0  }
0x101: {  	[sflag:s6] =	ssyncadd.s32 $0xFFFF8000  }
0x102: {  	[tilespmem:s8], [sflag:$0x1] =	stream.indirect.gather [spmem:s1], $0x80, s22, s7, $0xb8;
	[tilespmem:$0x15000] =	vst v63  }
0x103: {  	_ =	swait.ge [sflag:s12], $0x8000  }
0x104: {  	[sflag:s12] =	ssyncset.done $0x0  }
0x105: {  	s0 =	rddreg [dreg:$0x10];
	[sflag:s12] =	ssyncadd.s32 $0xFFFF8000  }
0x106: {  	[hbm4b:s0+s2] =	stream.linear.scatter [tilespmem:s9], [sflag:$0x3], $0x8000, $0x38;
	[tilespmem:$0x15000] =	vst v63  }
0x107: {  	_ =	swait.ge [sflag:s6], $0x8000  }
0x108: {  	[sflag:s6] =	ssyncset.done $0x0  }
0x109: {  	[sflag:s6] =	ssyncadd.s32 $0xFFFF8000  }
0x10a: {  	[tilespmem:s9], [sflag:$0x2] =	stream.indirect.gather [spmem:s1], $0x80, s23, s7, $0xb8;
	[tilespmem:$0x15000] =	vst v63  }
0x10b: {  	_ =	swait.ge [sflag:s10], $0x8000  }
0x10c: {  	[sflag:s10] =	ssyncset.done $0x0  }
0x10d: {  	[sflag:s10] =	ssyncadd.s32 $0xFFFF8000  }
0x10e: {  	[hbm4b:s24+s2] =	stream.linear.scatter [tilespmem:s8], [sflag:$0x3], $0x8000, $0x38;
	[tilespmem:$0x15000] =	vst v63  }
0x10f: {  	_ =	swait.ge [sflag:s6], $0x8000  }
0x110: {  	[sflag:s6] =	ssyncset.done $0x0  }
0x111: {  	[sflag:s6] =	ssyncadd.s32 $0xFFFF8000  }
0x112: {  	[tilespmem:s8], [sflag:$0x1] =	stream.indirect.gather [spmem:s1], $0x80, s25, s7, $0xb8;
	[tilespmem:$0x15000] =	vst v63  }
0x113: {  	_ =	swait.ge [sflag:s12], $0x8000  }
0x114: {  	[sflag:s12] =	ssyncset.done $0x0  }
0x115: {  	[sflag:s12] =	ssyncadd.s32 $0xFFFF8000  }
0x116: {  	[hbm4b:s26+s2] =	stream.linear.scatter [tilespmem:s9], [sflag:$0x3], $0x8000, $0x38;
	[tilespmem:$0x15000] =	vst v63  }
0x117: {  	_ =	swait.ge [sflag:s6], $0x8000  }
0x118: {  	[sflag:s6] =	ssyncset.done $0x0  }
0x119: {  	[sflag:s6] =	ssyncadd.s32 $0xFFFF8000  }
0x11a: {  	[tilespmem:s9], [sflag:$0x2] =	stream.indirect.gather [spmem:s1], $0x80, s28, s7, $0xb8;
	[tilespmem:$0x15000] =	vst v63  }
0x11b: {  	_ =	swait.ge [sflag:s10], $0x8000  }
0x11c: {  	[sflag:s10] =	ssyncset.done $0x0  }
0x11d: {  	[sflag:s10] =	ssyncadd.s32 $0xFFFF8000  }
0x11e: {  	[hbm4b:s29+s2] =	stream.linear.scatter [tilespmem:s8], [sflag:$0x3], $0x8000, $0x38;
	[tilespmem:$0x15000] =	vst v63  }
0x11f: {  	_ =	swait.ge [sflag:s6], $0x8000  }
0x120: {  	s31 =	sadd.s32 $0xFFFFFFFF, s31;
	[sflag:s6] =	ssyncset.done $0x0  }
0x121: {  	p1 =	sne.s32 s31, $0x0;
	[sflag:s6] =	ssyncadd.s32 $0xFFFF8000  }
.Ltmp1:
0x122: {  	_ =	swait.ge [sflag:s12], $0x8000;
	(pc) =	sbr.rel @p1 .LBB2_1-.Ltmp1, $4  }
0x123: {  	[sflag:s12] =	ssyncset.done $0x0  }
0x124: {  	[sflag:s12] =	ssyncadd.s32 $0xFFFF8000  }
0x125: {  	[hbm4b:s30+s2] =	stream.linear.scatter [tilespmem:s9], [sflag:$0x3], $0x8000, $0x38;
	[tilespmem:$0x15000] =	vst v63  }
0x126: {  	_ =	swait.ge [sflag:s6], $0x8000  }
.LBB2_2:
0x127: {  	[sflag:s6] =	ssyncset.done $0x0  }
0x128: {  	[sflag:s6] =	ssyncadd.s32 $0xFFFF8000  }
0x129: {  	_ =	sfence.sel $0x180000  }
0x12a: {  	[bflag:$0x0] =	sbarrier.arrive $0xFFFF  }
0x12b: {  	_ =	strace $0x9000004A  }
0x12c: {  	[bflag:$0x2] =	sbarrier.arrive $0xFFFF  }
0x12d: {  	s0 =	rddreg [dreg:$0x2]  }
0x12e: {  	s0 =	sadd.s32 @!p0 $0x100000, s0  }
0x12f: {  	[sflag:s0] =	ssyncadd.tile.s32 @!p0 $0x1;
	_ =	shalt  }
.Lfunc_end2:
_tile_overlayer_lowered:
.L_overlay_start_2:
0x130: {  	(tag) =	ssettag $0x2  }
0x131: {  	s0 =	rddreg [dreg:$0x0];
	s2 =	stileid.u32  }
0x132: {  	s1 =	rddreg [dreg:$0x1];
	p0 =	sne.s32 s2, $0x0  }
0x133: {  	s3 =	rddreg [dreg:$0x2];
	[bflag:$0x3] =	sbarrier.arrive $0xFFFF;
	s2 =	simm.s32 @!p0 $0x1C03  }
0x134: {  	[timem:s3], [sflag:s2] =	dma.local @!p0 [hbm:s0], s1  }
0x135: {  	s0 =	simm.s32 @!p0 $0x3  }
0x136: {  	_ =	swait.ge @!p0 [sflag:s0], s1  }
0x137: {  	s1 =	ssub.s32 @!p0 $0x0, s1;
	[sflag:s0] =	ssyncset.done @!p0 $0x0  }
0x138: {  	[sflag:s0] =	ssyncadd.s32 @!p0 s1  }
0x139: {  	[bflag:$0x3] =	sbarrier.arrive $0xFFFF  }
0x13a: {  	_ =	shalt  }

// kernel: kernel.8.cloned.1.call-start
scs
__scs_entry_jumppad:
0x0: {  	(pc) =	sbr.rel $0x88, $3  }
0x1: {  	(tag) =	ssettag $0x0;
	lr =	simm.s32 $0x1  }
0x2: {  	[smem:$0x3F86] =	sst lr;
	_ =	strace $0xD0000000  }
0x3: {  	_ = 	snop  }
0x4: {  	_ = 	snop  }
0x5: {  	_ = 	snop  }
0x6: {  	_ = 	snop  }
0x7: {  	_ = 	snop  }
__scs_overlays_trampoline_lowered:
0x8: {  	[smem:$0x3F95] =	sst s0  }
0x9: {  	[smem:$0x3F96] =	sst s1  }
0xa: {  	[smem:$0x3F97] =	sst s2  }
0xb: {  	[smem:$0x3F98] =	sst s3  }
0xc: {  	[smem:$0x3F99] =	sst s4  }
0xd: {  	[smem:$0x3F9A] =	sst s5  }
0xe: {  	[smem:$0x3F9B] =	sst s6  }
0xf: {  	[smem:$0x3F9C] =	sst s7  }
0x10: {  	[smem:$0x3F9D] =	sst s8  }
0x11: {  	[smem:$0x3F9E] =	sst s9;
	s0 =	simm.s32 @!p0 $0x0  }
0x12: {  	s1 =	sld [smem:$0x3F84];
	s0 =	simm.s32 @p0 $0x1  }
0x13: {  	[smem:$0x3F9F] =	sst s0;
	s0 =	simm.s32 @!p1 $0x0  }
0x14: {  	s2 =	sld [smem:$0x3F83];
	s0 =	simm.s32 @p1 $0x1  }
0x15: {  	[smem:$0x3FA0] =	sst s0;
	s0 =	simm.s32 @!p2 $0x0  }
0x16: {  	s3 =	sld [smem:$0x3FDB];
	s0 =	simm.s32 @p2 $0x1  }
0x17: {  	s4 =	simm.s32 $0x1BF5;
	[smem:$0x3FA2] =	sst s0  }
0x18: {  	s0 =	sld [smem:$0x3F85];
	_ =	swait.ge [sflag:s4], $0x0  }
0x19: {  	s7 =	sld [smem:$0x3F86]  }
0x1a: {  	s8 =	sadd.s32 $0xFFFFE003, lr  }
0x1b: {  	s9 =	sadd.s32 $0xFFFFFEF7, lr;
	s5 =	simm.s32 $0xFFFFFFFF;
	p2 =	slt.u32 s8, $0xFFFFF086  }
0x1c: {  	p1 =	slt.u32 s9, $0xF7A;
	s5 =	simm.s32 @!p2 $0x0  }
0x1d: {  	s5 =	simm.s32 @p1 $0x1;
	p0 =	seq.s32 s7, s2  }
0x1e: {  	s7 =	smul.u32 @!p0 $0xF7A, s2;
	p2 =	seq.s32 @!p0 s5, $0x0  }
0x1f: {  	s9 =	smul.u32 $0xF7A, s1;
	s8 =	simm.s32 @!p0 $0x1BF5;
	p2 =	por !p2, p0  }
0x20: {  	[sflag:s8] =	ssyncset.s32 @!p0 $0xFFFFF086;
	s6 =	sadd.s32 @!p0 s3, s7;
	s7 =	simm.s32 @!p0 $0x108  }
0x21: {  	s3 =	sadd.s32 s3, s9;
	s6 =	sadd.s32 @!p0 $0x88, s6;
	s7 =	simm.s32 @p2 $0x1082  }
0x22: {  	[simem:s7], [sflag:s8] =	dma.local @!p0 [hbm:s6], $0xF7A  }
0x23: {  	s9 =	sor.u32 $0xD0000000, s2;
	s6 =	simm.s32 $0x108;
	_ =	swait.ge @!p0 [sflag:s8], $0x0  }
0x24: {  	s3 =	sadd.s32 $0x88, s3;
	s6 =	simm.s32 @!p1 $0x1082;
	[sflag:s4] =	ssyncset.s32 $0xFFFFF086  }
0x25: {  	[simem:s6], [sflag:s4] =	dma.local [hbm:s3], $0xF7A  }
0x26: {  	[smem:$0x3F86] =	sst s1;
	(tag) =	ssettag s2;
	_ =	strace s9  }
0x27: {  	s1 =	sld [smem:$0x3F96]  }
0x28: {  	s2 =	sld [smem:$0x3F97]  }
0x29: {  	s4 =	sld [smem:$0x3F99]  }
0x2a: {  	p0 =	seq.s32 s5, $0x0;
	s5 =	sld [smem:$0x3F9A]  }
0x2b: {  	s6 =	sld [smem:$0x3F9B]  }
0x2c: {  	s7 =	sld [smem:$0x3F9C]  }
0x2d: {  	s3 =	simm.s32 $0x108;
	s8 =	sld [smem:$0x3F9D]  }
0x2e: {  	s3 =	simm.s32 @!p0 $0x1082;
	s9 =	sld [smem:$0x3F9E]  }
0x2f: {  	lr =	sadd.s32 s0, s3;
	s0 =	sld [smem:$0x3F95]  }
0x30: {  	s3 =	sld [smem:$0x3F98]  }
0x31: {  	[smem:$0x3FA1] =	sst s10  }
0x32: {  	s10 =	sld [smem:$0x3F9F];
	_ =	sdelay $0x3  }
0x33: {  	p0 =	seq.s32 s10, $0x1;
	s10 =	sld [smem:$0x3FA1];
	_ =	sdelay $0x3  }
0x34: {  	[smem:$0x3FA1] =	sst s10  }
0x35: {  	s10 =	sld [smem:$0x3FA0];
	_ =	sdelay $0x3  }
0x36: {  	p1 =	seq.s32 s10, $0x1;
	s10 =	sld [smem:$0x3FA1];
	_ =	sdelay $0x3  }
0x37: {  	[smem:$0x3FA1] =	sst s10  }
0x38: {  	s10 =	sld [smem:$0x3FA2]  }
0x39: {  	_ = 	snop;
	(pc) =	sbr.ind lr, $3  }
0x3a: {  	_ = 	snop  }
0x3b: {  	_ = 	snop  }
0x3c: {  	p2 =	seq.s32 s10, $0x1;
	s10 =	sld [smem:$0x3FA1]  }
0x3d: {  	_ =	shalt  }
0x3e: {  	_ =	shalt  }
0x3f: {  	_ =	shalt  }
0x40: {  	_ =	shalt  }
0x41: {  	_ =	shalt  }
0x42: {  	_ =	shalt  }
0x43: {  	_ =	shalt  }
0x44: {  	_ =	shalt  }
0x45: {  	_ =	shalt  }
0x46: {  	_ =	shalt  }
0x47: {  	_ =	shalt  }
0x48: {  	_ =	shalt  }
0x49: {  	_ =	shalt  }
0x4a: {  	_ =	shalt  }
0x4b: {  	_ =	shalt  }
0x4c: {  	_ =	shalt  }
0x4d: {  	_ =	shalt  }
0x4e: {  	_ =	shalt  }
0x4f: {  	_ =	shalt  }
0x50: {  	_ =	shalt  }
0x51: {  	_ =	shalt  }
0x52: {  	_ =	shalt  }
0x53: {  	_ =	shalt  }
0x54: {  	_ =	shalt  }
0x55: {  	_ =	shalt  }
0x56: {  	_ =	shalt  }
0x57: {  	_ =	shalt  }
0x58: {  	_ =	shalt  }
0x59: {  	_ =	shalt  }
0x5a: {  	_ =	shalt  }
0x5b: {  	_ =	shalt  }
0x5c: {  	_ =	shalt  }
0x5d: {  	_ =	shalt  }
0x5e: {  	_ =	shalt  }
0x5f: {  	_ =	shalt  }
0x60: {  	_ =	shalt  }
0x61: {  	_ =	shalt  }
0x62: {  	_ =	shalt  }
0x63: {  	_ =	shalt  }
0x64: {  	_ =	shalt  }
0x65: {  	_ =	shalt  }
0x66: {  	_ =	shalt  }
0x67: {  	_ =	shalt  }
0x68: {  	_ =	shalt  }
0x69: {  	_ =	shalt  }
0x6a: {  	_ =	shalt  }
0x6b: {  	_ =	shalt  }
0x6c: {  	_ =	shalt  }
0x6d: {  	_ =	shalt  }
0x6e: {  	_ =	shalt  }
0x6f: {  	_ =	shalt  }
0x70: {  	_ =	shalt  }
0x71: {  	_ =	shalt  }
0x72: {  	_ =	shalt  }
0x73: {  	_ =	shalt  }
0x74: {  	_ =	shalt  }
0x75: {  	_ =	shalt  }
0x76: {  	_ =	shalt  }
0x77: {  	_ =	shalt  }
0x78: {  	_ =	shalt  }
0x79: {  	_ =	shalt  }
0x7a: {  	_ =	shalt  }
0x7b: {  	_ =	shalt  }
0x7c: {  	_ =	shalt  }
0x7d: {  	_ =	shalt  }
0x7e: {  	_ =	shalt  }
0x7f: {  	_ =	shalt  }
0x80: {  	_ =	shalt  }
0x81: {  	_ =	shalt  }
0x82: {  	_ =	shalt  }
0x83: {  	_ =	shalt  }
0x84: {  	_ =	shalt  }
0x85: {  	_ =	shalt  }
0x86: {  	_ =	shalt  }
0x87: {  	_ =	shalt  }
.Lfunc_end0:
.L_simem_size_0:
called_computation_lowered:
.L_overlay_start_0:
0x88: {  	s2 =	sld [smem:$0x3FD9]  }
0x89: {  	s3 =	sld [smem:$0x3FFE];
	_ =	sdelay $0x1  }
0x8a: {  	s1 =	srdreg.scid  }
0x8b: {  	s0 =	sand.u32 $0x1, s1  }
0x8c: {  	s17 =	sshll.u32 s0, $0xA;
	s2 =	sadd.s32 s3, s2  }
0x8d: {  	s2 =	sadd.s32 s2, s17  }
0x8e: {  	[smem:$0x3FAD] =	sst s2  }
0x8f: {  	_ = 	snop  }
0x90: {  	s2 =	sld [smem:$0x3FC8];
	(tm) =	ssettm $0x1  }
0x91: {  	s18 =	sld [smem:$0x3FFB];
	_ =	sdelay $0x3  }
0x92: {  	_ =	strace s18  }
0x93: {  	s3 =	sld [smem:$0x3FFC];
	_ =	sdelay $0x3  }
0x94: {  	_ =	strace s3  }
0x95: {  	s3 =	sld [smem:$0x3FFD];
	_ =	sdelay $0x3  }
0x96: {  	_ =	strace s3  }
0x97: {  	_ =	strace $0x8FFFFFFF  }
0x98: {  	s19 =	sld [smem:$0x3FDB];
	_ =	sdelay $0x1  }
0x99: {  	s4 =	simm.s32 $_scs_section_size  }
0x9a: {  	s5 =	simm.s32 $_size__tile_overlayer_lowered;
	s6 =	simm.s32 $_tile_overlayer_lowered  }
0x9b: {  	s22 =	simm.s32 $0x1BFF;
	s21 =	sshll.u32 s6, $0x1;
	s3 =	sadd.s32 s4, s19  }
0x9c: {  	s7 =	simm.s32 $0x0;
	s20 =	sshll.u32 s5, $0x1;
	s5 =	sadd.s32 s21, s3  }
0x9d: {  	[timem:s7], [sflag:s22] =	dma.local [hbm:s5], s20  }
0x9e: {  	_ =	swait.ge [sflag:s22], s20  }
0x9f: {  	s4 =	ssub.s32 $0x0, s20;
	[sflag:s22] =	ssyncset.done $0x0  }
0xa0: {  	[sflag:s22] =	ssyncadd.s32 s4;
	_ =	sdelay $0x1  }
0xa1: {  	s23 =	simm.s32 $0x1B8B  }
0xa2: {  	_ =	swait.ge [sflag:s23], $0x1  }
0xa3: {  	[sflag:s23] =	ssyncset.done $0x0  }
0xa4: {  	s25 =	simm.s32 $0x1B8E;
	s24 =	sld [smem:$0x3FFE];
	[sflag:s23] =	ssyncadd.s32 $0xFFFFFFFF  }
0xa5: {  	s26 =	simm.s32 $execute0_lowered;
	[smem:$0x3FD2] =	sst s25  }
0xa6: {  	s5 =	sshll.u32 s26, $0x1;
	_ =	strace $0x80000046;
	[dreg:$0x1] =	wrdreg $0xFFFFFFFF  }
0xa7: {  	s28 =	simm.s32 $_size_execute0_lowered;
	s3 =	sadd.s32 s3, s5;
	[dreg:$0x0] =	wrdreg $0x0  }
0xa8: {  	s5 =	sshll.u32 s28, $0x1;
	[dreg:$0x2] =	wrdreg s3  }
0xa9: {  	[dreg:$0x3] =	wrdreg s5  }
0xaa: {  	[dreg:$0x4] =	wrdreg $0xC0  }
0xab: {  	_ =	task [dreg:s7], $0x5FFFF  }
0xac: {  	[dreg:$0x1] =	wrdreg $0xFFFFFFFF  }
0xad: {  	[dreg:$0x0] =	wrdreg $0x60  }
0xae: {  	[dreg:$0x2] =	wrdreg s24  }
0xaf: {  	[dreg:$0x3] =	wrdreg s2  }
0xb0: {  	[dreg:$0x4] =	wrdreg $0x140000  }
0xb1: {  	[dreg:$0x5] =	wrdreg $0x9  }
0xb2: {  	_ =	task.clear_ibuf [dreg:s7], $0x6FFFF;
	_ =	strace $0x90000046  }
0xb3: {  	s29 =	simm.s32 $0x9;
	_ =	strace $0x80000048  }
0xb4: {  	_ =	swait.ge [sflag:s29], $0x1  }
0xb5: {  	[sflag:s29] =	ssyncadd.s32 $0xFFFFFFFF  }
0xb6: {  	_ =	strace $0x90000048  }
0xb7: {  	_ =	sfence  }
0xb8: {  	s30 =	sld [smem:$0x0];
	_ =	sdelay $0x2  }
0xb9: {  	s31 =	sshll.u32 s1, $0xD;
	s1 =	sshrl.u32 s1, $0x2  }
0xba: {  	s3 =	sand.u32 $0x4000, s31;
	s1 =	sadd.s32 s1, s30  }
0xbb: {  	s0 =	sor.u32 s3, s0;
	s1 =	sshll.u32 s1, $0x11  }
0xbc: {  	s0 =	sor.u32 s1, s0  }
0xbd: {  	s0 =	sadd.s32 $0x8F2B, s0  }
0xbe: {  	[sflag:s0] =	ssyncadd.remote.s32 $0x1  }
0xbf: {  	_ =	sfence.sel $0xFFFF  }
0xc0: {  	[dreg:$0x0] =	wrdreg $0xFFFFFFFF;
	(pc) =	sbr.abs _section_cstart, $3  }
0xc1: {  	[dreg:$0x1] =	wrdreg $0xFFFFFFFF  }
0xc2: {  	_ =	task.clear_ibuf [dreg:s7], $0x2FFFF;
	_ =	strace $0x9FFFFFFF  }
0xc3: {  	(tm) =	ssettm $0x7FFFFFFF  }
tec
execute0_lowered:
.L_overlay_start_1:
0x0: {  	(tag) =	ssettag $0x1  }
0x1: {  	s0 =	rddreg [dreg:$0x0]  }
0x2: {  	s2 =	rddreg [dreg:$0x2];
	s3 =	simm.s32 $0x0;
	s25 =	srdreg.scid  }
0x3: {  	s4 =	stileid.u32;
	[smem:$0x7FF] =	sst s3;
	s1 =	sadd.s32 $0x5600, s0  }
0x4: {  	s5 =	sadd.s32 $0x5400, s0;
	s26 =	sshll.u32 s4, $0x1;
	s6 =	sadd.s32 $0x5200, s0  }
0x5: {  	_ =	strace $0x80000047;
	[dreg:$0x4] =	wrdreg s1;
	s1 =	sand.u32 $0x1, s25  }
0x6: {  	s7 =	sadd.s32 $0x5800, s0;
	[dreg:$0x5] =	wrdreg s5;
	s5 =	sor.u32 s1, s26  }
0x7: {  	[dreg:$0x7] =	wrdreg s7;
	s8 =	sshll.u32 s5, $0x10;
	s7 =	sshll.u32 s5, $0x9  }
0x8: {  	[dreg:$0x6] =	wrdreg s6;
	s6 =	sadd.s32 s8, s0;
	s0 =	sadd.s32 s7, s0  }
0x9: {  	s0 =	sadd.s32 $0x20D800, s0  }
0xa: {  	s10 =	sadd.s32 $0xD800, s6;
	[dreg:$0x8] =	wrdreg s0  }
0xb: {  	s28 =	simm.s32 $0x3;
	s11 =	sadd.s32 $0xE800, s6;
	[dreg:$0x9] =	wrdreg s10  }
0xc: {  	s29 =	simm.s32 $0x800;
	s12 =	sadd.s32 $0xF800, s6;
	[dreg:$0xa] =	wrdreg s11  }
0xd: {  	s30 =	simm.s32 $0x1000;
	s13 =	sadd.s32 $0x10800, s6;
	[dreg:$0xb] =	wrdreg s12  }
0xe: {  	s31 =	simm.s32 $0x1800;
	s14 =	sadd.s32 $0x11800, s6;
	[dreg:$0xc] =	wrdreg s13  }
0xf: {  	p0 =	sne.s32 s4, $0x0;
	s15 =	sadd.s32 $0x12800, s6;
	[dreg:$0xd] =	wrdreg s14  }
0x10: {  	s4 =	simm.s32 $0x3000;
	s16 =	sadd.s32 $0x13800, s6;
	[dreg:$0xe] =	wrdreg s15  }
0x11: {  	s1 =	ssub.s32 $0x2, s1;
	s17 =	sadd.s32 $0x14800, s6;
	[dreg:$0xf] =	wrdreg s16  }
0x12: {  	s9 =	sshrl.u32 s1, $0x1;
	s18 =	sadd.s32 $0x15800, s6;
	[dreg:$0x10] =	wrdreg s17  }
0x13: {  	s1 =	ssub.s32 s1, s9;
	s19 =	sadd.s32 $0x16800, s6;
	[dreg:$0x11] =	wrdreg s18  }
0x14: {  	s8 =	sshll.u32 s5, $0x6;
	s20 =	sadd.s32 $0x17800, s6;
	[dreg:$0x12] =	wrdreg s19  }
0x15: {  	s5 =	simm.s32 $0x100;
	s21 =	sadd.s32 $0x18800, s6;
	[dreg:$0x13] =	wrdreg s20  }
0x16: {  	s7 =	simm.s32 $0xC000;
	s22 =	sadd.s32 $0x19800, s6;
	[dreg:$0x14] =	wrdreg s21  }
.Ltmp0:
0x17: {  	s23 =	sadd.s32 $0x1A800, s6;
	[dreg:$0x15] =	wrdreg s22;
	(pc) =	sbr.rel .LBB2_1-.Ltmp0, $4  }
0x18: {  	s9 =	simm.s32 $0x2;
	s24 =	sadd.s32 $0x1B800, s6;
	[dreg:$0x16] =	wrdreg s23  }
0x19: {  	s25 =	sadd.s32 $0x1C800, s6;
	s26 =	smax.u32 s1, $0x1;
	[dreg:$0x17] =	wrdreg s24  }
0x1a: {  	v0 =	vimm.s32 $0x0;
	v1 =	vlaneseq.u32;
	s1 =	simm.s32 $0x2000;
	s6 =	simm.s32 $0x4000;
	[dreg:$0x18] =	wrdreg s25  }
0x1b: {  	v2 =	vor.u32 $0x10, v1;
	v3 =	vor.u32 $0x20, v1;
	v4 =	vor.u32 $0x30, v1;
	[dreg:$0x19] =	wrdreg s26;
	s0 =	simm.s32 $0x1;
	s11 =	simm.s32 $0x0  }
.LBB2_12:
0x1c: {  	s10 =	rddreg [dreg:$0x8]  }
0x1d: {  	[hbm4b:s10+s3] =	stream.linear.scatter [tilespmem:s4], [sflag:$0x3], $0x1000, $0x38;
	[tilespmem:$0x18000] =	vst v63  }
0x1e: {  	_ =	swait.ge [sflag:s28], $0x1000  }
0x1f: {  	[sflag:s28] =	ssyncset.done $0x0  }
0x20: {  	[sflag:s28] =	ssyncadd.s32 $0xFFFFF000  }
0x21: {  	[tilespmem:s6], [sflag:$0x1] =	stream.indirect.gather [spmem:s2], $0x80, s1, s5, $0xb8;
	[tilespmem:$0x18000] =	vst v63  }
0x22: {  	s11 =	simm.s32 $0x2100  }
0x23: {  	[tilespmem:s7], [sflag:$0x2] =	stream.indirect.gather [spmem:s2], $0x80, s11, s5, $0xb8;
	[tilespmem:$0x18000] =	vst v63  }
0x24: {  	_ =	swait.ge [sflag:s0], $0x8000  }
0x25: {  	[sflag:s0] =	ssyncset.done $0x0  }
0x26: {  	s12 =	rddreg [dreg:$0x9];
	[sflag:s0] =	ssyncadd.s32 $0xFFFF8000  }
0x27: {  	[hbm4b:s12+s3] =	stream.linear.scatter [tilespmem:s6], [sflag:$0x3], $0x8000, $0x38;
	[tilespmem:$0x18000] =	vst v63  }
0x28: {  	_ =	swait.ge [sflag:s28], $0x8000  }
0x29: {  	[sflag:s28] =	ssyncset.done $0x0  }
0x2a: {  	s13 =	simm.s32 $0x2200;
	[sflag:s28] =	ssyncadd.s32 $0xFFFF8000  }
0x2b: {  	[tilespmem:s6], [sflag:$0x1] =	stream.indirect.gather [spmem:s2], $0x80, s13, s5, $0xb8;
	[tilespmem:$0x18000] =	vst v63  }
0x2c: {  	_ =	swait.ge [sflag:s9], $0x8000  }
0x2d: {  	[sflag:s9] =	ssyncset.done $0x0  }
0x2e: {  	s14 =	rddreg [dreg:$0xa];
	[sflag:s9] =	ssyncadd.s32 $0xFFFF8000  }
0x2f: {  	[hbm4b:s14+s3] =	stream.linear.scatter [tilespmem:s7], [sflag:$0x3], $0x8000, $0x38;
	[tilespmem:$0x18000] =	vst v63  }
0x30: {  	_ =	swait.ge [sflag:s28], $0x8000  }
0x31: {  	[sflag:s28] =	ssyncset.done $0x0  }
0x32: {  	s15 =	simm.s32 $0x2300;
	[sflag:s28] =	ssyncadd.s32 $0xFFFF8000  }
0x33: {  	[tilespmem:s7], [sflag:$0x2] =	stream.indirect.gather [spmem:s2], $0x80, s15, s5, $0xb8;
	[tilespmem:$0x18000] =	vst v63  }
0x34: {  	_ =	swait.ge [sflag:s0], $0x8000  }
0x35: {  	[sflag:s0] =	ssyncset.done $0x0  }
0x36: {  	s16 =	rddreg [dreg:$0xb];
	[sflag:s0] =	ssyncadd.s32 $0xFFFF8000  }
0x37: {  	[hbm4b:s16+s3] =	stream.linear.scatter [tilespmem:s6], [sflag:$0x3], $0x8000, $0x38;
	[tilespmem:$0x18000] =	vst v63  }
0x38: {  	_ =	swait.ge [sflag:s28], $0x8000  }
0x39: {  	[sflag:s28] =	ssyncset.done $0x0  }
0x3a: {  	s17 =	simm.s32 $0x2400;
	[sflag:s28] =	ssyncadd.s32 $0xFFFF8000  }
0x3b: {  	[tilespmem:s6], [sflag:$0x1] =	stream.indirect.gather [spmem:s2], $0x80, s17, s5, $0xb8;
	[tilespmem:$0x18000] =	vst v63  }
0x3c: {  	_ =	swait.ge [sflag:s9], $0x8000  }
0x3d: {  	[sflag:s9] =	ssyncset.done $0x0  }
0x3e: {  	s18 =	rddreg [dreg:$0xc];
	[sflag:s9] =	ssyncadd.s32 $0xFFFF8000  }
0x3f: {  	[hbm4b:s18+s3] =	stream.linear.scatter [tilespmem:s7], [sflag:$0x3], $0x8000, $0x38;
	[tilespmem:$0x18000] =	vst v63  }
0x40: {  	_ =	swait.ge [sflag:s28], $0x8000  }
0x41: {  	[sflag:s28] =	ssyncset.done $0x0  }
0x42: {  	s19 =	simm.s32 $0x2500;
	[sflag:s28] =	ssyncadd.s32 $0xFFFF8000  }
0x43: {  	[tilespmem:s7], [sflag:$0x2] =	stream.indirect.gather [spmem:s2], $0x80, s19, s5, $0xb8;
	[tilespmem:$0x18000] =	vst v63  }
0x44: {  	_ =	swait.ge [sflag:s0], $0x8000  }
0x45: {  	[sflag:s0] =	ssyncset.done $0x0  }
0x46: {  	s20 =	rddreg [dreg:$0xd];
	[sflag:s0] =	ssyncadd.s32 $0xFFFF8000  }
0x47: {  	[hbm4b:s20+s3] =	stream.linear.scatter [tilespmem:s6], [sflag:$0x3], $0x8000, $0x38;
	[tilespmem:$0x18000] =	vst v63  }
0x48: {  	_ =	swait.ge [sflag:s28], $0x8000  }
0x49: {  	[sflag:s28] =	ssyncset.done $0x0  }
0x4a: {  	s21 =	simm.s32 $0x2600;
	[sflag:s28] =	ssyncadd.s32 $0xFFFF8000  }
0x4b: {  	[tilespmem:s6], [sflag:$0x1] =	stream.indirect.gather [spmem:s2], $0x80, s21, s5, $0xb8;
	[tilespmem:$0x18000] =	vst v63  }
0x4c: {  	_ =	swait.ge [sflag:s9], $0x8000  }
0x4d: {  	[sflag:s9] =	ssyncset.done $0x0  }
0x4e: {  	s22 =	rddreg [dreg:$0xe];
	[sflag:s9] =	ssyncadd.s32 $0xFFFF8000  }
0x4f: {  	[hbm4b:s22+s3] =	stream.linear.scatter [tilespmem:s7], [sflag:$0x3], $0x8000, $0x38;
	[tilespmem:$0x18000] =	vst v63  }
0x50: {  	_ =	swait.ge [sflag:s28], $0x8000  }
0x51: {  	[sflag:s28] =	ssyncset.done $0x0  }
0x52: {  	s23 =	simm.s32 $0x2700;
	[sflag:s28] =	ssyncadd.s32 $0xFFFF8000  }
0x53: {  	[tilespmem:s7], [sflag:$0x2] =	stream.indirect.gather [spmem:s2], $0x80, s23, s5, $0xb8;
	[tilespmem:$0x18000] =	vst v63  }
0x54: {  	_ =	swait.ge [sflag:s0], $0x8000  }
0x55: {  	[sflag:s0] =	ssyncset.done $0x0  }
0x56: {  	s24 =	rddreg [dreg:$0xf];
	[sflag:s0] =	ssyncadd.s32 $0xFFFF8000  }
0x57: {  	[hbm4b:s24+s3] =	stream.linear.scatter [tilespmem:s6], [sflag:$0x3], $0x8000, $0x38;
	[tilespmem:$0x18000] =	vst v63  }
0x58: {  	_ =	swait.ge [sflag:s28], $0x8000  }
0x59: {  	[sflag:s28] =	ssyncset.done $0x0  }
0x5a: {  	s25 =	simm.s32 $0x2800;
	[sflag:s28] =	ssyncadd.s32 $0xFFFF8000  }
0x5b: {  	[tilespmem:s6], [sflag:$0x1] =	stream.indirect.gather [spmem:s2], $0x80, s25, s5, $0xb8;
	[tilespmem:$0x18000] =	vst v63  }
0x5c: {  	_ =	swait.ge [sflag:s9], $0x8000  }
0x5d: {  	[sflag:s9] =	ssyncset.done $0x0  }
0x5e: {  	s26 =	rddreg [dreg:$0x10];
	[sflag:s9] =	ssyncadd.s32 $0xFFFF8000  }
0x5f: {  	[hbm4b:s26+s3] =	stream.linear.scatter [tilespmem:s7], [sflag:$0x3], $0x8000, $0x38;
	[tilespmem:$0x18000] =	vst v63  }
0x60: {  	_ =	swait.ge [sflag:s28], $0x8000  }
0x61: {  	[sflag:s28] =	ssyncset.done $0x0  }
0x62: {  	s11 =	simm.s32 $0x2900;
	[sflag:s28] =	ssyncadd.s32 $0xFFFF8000  }
0x63: {  	[tilespmem:s7], [sflag:$0x2] =	stream.indirect.gather [spmem:s2], $0x80, s11, s5, $0xb8;
	[tilespmem:$0x18000] =	vst v63  }
0x64: {  	_ =	swait.ge [sflag:s0], $0x8000  }
0x65: {  	[sflag:s0] =	ssyncset.done $0x0  }
0x66: {  	s12 =	rddreg [dreg:$0x11];
	[sflag:s0] =	ssyncadd.s32 $0xFFFF8000  }
0x67: {  	[hbm4b:s12+s3] =	stream.linear.scatter [tilespmem:s6], [sflag:$0x3], $0x8000, $0x38;
	[tilespmem:$0x18000] =	vst v63  }
0x68: {  	_ =	swait.ge [sflag:s28], $0x8000  }
0x69: {  	[sflag:s28] =	ssyncset.done $0x0  }
0x6a: {  	s13 =	simm.s32 $0x2A00;
	[sflag:s28] =	ssyncadd.s32 $0xFFFF8000  }
0x6b: {  	[tilespmem:s6], [sflag:$0x1] =	stream.indirect.gather [spmem:s2], $0x80, s13, s5, $0xb8;
	[tilespmem:$0x18000] =	vst v63  }
0x6c: {  	_ =	swait.ge [sflag:s9], $0x8000  }
0x6d: {  	[sflag:s9] =	ssyncset.done $0x0  }
0x6e: {  	s14 =	rddreg [dreg:$0x12];
	[sflag:s9] =	ssyncadd.s32 $0xFFFF8000  }
0x6f: {  	[hbm4b:s14+s3] =	stream.linear.scatter [tilespmem:s7], [sflag:$0x3], $0x8000, $0x38;
	[tilespmem:$0x18000] =	vst v63  }
0x70: {  	_ =	swait.ge [sflag:s28], $0x8000  }
0x71: {  	[sflag:s28] =	ssyncset.done $0x0  }
0x72: {  	s15 =	simm.s32 $0x2B00;
	[sflag:s28] =	ssyncadd.s32 $0xFFFF8000  }
0x73: {  	[tilespmem:s7], [sflag:$0x2] =	stream.indirect.gather [spmem:s2], $0x80, s15, s5, $0xb8;
	[tilespmem:$0x18000] =	vst v63  }
0x74: {  	_ =	swait.ge [sflag:s0], $0x8000  }
0x75: {  	[sflag:s0] =	ssyncset.done $0x0  }
0x76: {  	s16 =	rddreg [dreg:$0x13];
	[sflag:s0] =	ssyncadd.s32 $0xFFFF8000  }
0x77: {  	[hbm4b:s16+s3] =	stream.linear.scatter [tilespmem:s6], [sflag:$0x3], $0x8000, $0x38;
	[tilespmem:$0x18000] =	vst v63  }
0x78: {  	_ =	swait.ge [sflag:s28], $0x8000  }
0x79: {  	[sflag:s28] =	ssyncset.done $0x0  }
0x7a: {  	s17 =	simm.s32 $0x2C00;
	[sflag:s28] =	ssyncadd.s32 $0xFFFF8000  }
0x7b: {  	[tilespmem:s6], [sflag:$0x1] =	stream.indirect.gather [spmem:s2], $0x80, s17, s5, $0xb8;
	[tilespmem:$0x18000] =	vst v63  }
0x7c: {  	_ =	swait.ge [sflag:s9], $0x8000  }
0x7d: {  	[sflag:s9] =	ssyncset.done $0x0  }
0x7e: {  	s18 =	rddreg [dreg:$0x14];
	[sflag:s9] =	ssyncadd.s32 $0xFFFF8000  }
0x7f: {  	[hbm4b:s18+s3] =	stream.linear.scatter [tilespmem:s7], [sflag:$0x3], $0x8000, $0x38;
	[tilespmem:$0x18000] =	vst v63  }
0x80: {  	_ =	swait.ge [sflag:s28], $0x8000  }
0x81: {  	[sflag:s28] =	ssyncset.done $0x0  }
0x82: {  	s19 =	simm.s32 $0x2D00;
	[sflag:s28] =	ssyncadd.s32 $0xFFFF8000  }
0x83: {  	[tilespmem:s7], [sflag:$0x2] =	stream.indirect.gather [spmem:s2], $0x80, s19, s5, $0xb8;
	[tilespmem:$0x18000] =	vst v63  }
0x84: {  	_ =	swait.ge [sflag:s0], $0x8000  }
0x85: {  	[sflag:s0] =	ssyncset.done $0x0  }
0x86: {  	s20 =	rddreg [dreg:$0x15];
	[sflag:s0] =	ssyncadd.s32 $0xFFFF8000  }
0x87: {  	[hbm4b:s20+s3] =	stream.linear.scatter [tilespmem:s6], [sflag:$0x3], $0x8000, $0x38;
	[tilespmem:$0x18000] =	vst v63  }
0x88: {  	_ =	swait.ge [sflag:s28], $0x8000  }
0x89: {  	[sflag:s28] =	ssyncset.done $0x0  }
0x8a: {  	s21 =	simm.s32 $0x2E00;
	[sflag:s28] =	ssyncadd.s32 $0xFFFF8000  }
0x8b: {  	[tilespmem:s6], [sflag:$0x1] =	stream.indirect.gather [spmem:s2], $0x80, s21, s5, $0xb8;
	[tilespmem:$0x18000] =	vst v63  }
0x8c: {  	_ =	swait.ge [sflag:s9], $0x8000  }
0x8d: {  	[sflag:s9] =	ssyncset.done $0x0  }
0x8e: {  	s22 =	rddreg [dreg:$0x16];
	[sflag:s9] =	ssyncadd.s32 $0xFFFF8000  }
0x8f: {  	[hbm4b:s22+s3] =	stream.linear.scatter [tilespmem:s7], [sflag:$0x3], $0x8000, $0x38;
	[tilespmem:$0x18000] =	vst v63  }
0x90: {  	_ =	swait.ge [sflag:s28], $0x8000  }
0x91: {  	[sflag:s28] =	ssyncset.done $0x0  }
0x92: {  	s23 =	simm.s32 $0x2F00;
	[sflag:s28] =	ssyncadd.s32 $0xFFFF8000  }
0x93: {  	[tilespmem:s7], [sflag:$0x2] =	stream.indirect.gather [spmem:s2], $0x80, s23, s5, $0xb8;
	[tilespmem:$0x18000] =	vst v63  }
0x94: {  	_ =	swait.ge [sflag:s0], $0x8000  }
0x95: {  	[sflag:s0] =	ssyncset.done $0x0  }
0x96: {  	s24 =	rddreg [dreg:$0x17];
	[sflag:s0] =	ssyncadd.s32 $0xFFFF8000  }
0x97: {  	[hbm4b:s24+s3] =	stream.linear.scatter [tilespmem:s6], [sflag:$0x3], $0x8000, $0x38;
	[tilespmem:$0x18000] =	vst v63  }
0x98: {  	_ =	swait.ge [sflag:s28], $0x8000  }
0x99: {  	[sflag:s28] =	ssyncset.done $0x0  }
0x9a: {  	[sflag:s28] =	ssyncadd.s32 $0xFFFF8000  }
0x9b: {  	_ =	swait.ge [sflag:s9], $0x8000  }
0x9c: {  	[sflag:s9] =	ssyncset.done $0x0  }
0x9d: {  	s25 =	rddreg [dreg:$0x18];
	[sflag:s9] =	ssyncadd.s32 $0xFFFF8000  }
0x9e: {  	[hbm4b:s25+s3] =	stream.linear.scatter [tilespmem:s7], [sflag:$0x3], $0x8000, $0x38;
	[tilespmem:$0x18000] =	vst v63  }
0x9f: {  	_ =	swait.ge [sflag:s28], $0x8000  }
0xa0: {  	s11 =	rddreg [dreg:$0x1a]  }
0xa1: {  	s26 =	rddreg [dreg:$0x19];
	s11 =	sadd.s32 $0x1, s11  }
0xa2: {  	p1 =	sne.s32 s11, s26  }
.Ltmp1:
0xa3: {  	_ = 	snop;
	(pc) =	sbr.rel @!p1 .LBB2_13-.Ltmp1, $3  }
0xa4: {  	_ =	sdelay $0x1  }
0xa5: {  	[sflag:s28] =	ssyncset.done $0x0  }
0xa6: {  	[sflag:s28] =	ssyncadd.s32 $0xFFFF8000  }
.LBB2_1:
0xa7: {  	[dreg:$0x1a] =	wrdreg s11  }
0xa8: {  	s11 =	sshrl.u32 @!p0 s2, $0x3;
	s12 =	simm.s32 @!p0 $0x1C03;
	s10 =	rddreg [dreg:$0x7]  }
0xa9: {  	[spmem:s11], [sflag:s12] =	dma.local @!p0 [hbm:s10], $0x8000  }
0xaa: {  	s11 =	simm.s32 @!p0 $0x3  }
0xab: {  	_ =	swait.ge @!p0 [sflag:s11], $0x8000  }
0xac: {  	[sflag:s11] =	ssyncset.done @!p0 $0x0  }
0xad: {  	s17 =	rddreg [dreg:$0x4];
	[sflag:s11] =	ssyncadd.s32 @!p0 $0xFFFF8000  }
0xae: {  	[tilespmem:s3], [sflag:$0x3] =	stream.linear.gather [hbm4b:s17+s3], $0x800, $0x38;
	[tilespmem:$0x18000] =	vst v63  }
0xaf: {  	_ =	swait.ge [sflag:s28], $0x800  }
0xb0: {  	[sflag:s28] =	ssyncset.done $0x0  }
0xb1: {  	s18 =	rddreg [dreg:$0x5];
	[sflag:s28] =	ssyncadd.s32 $0xFFFFF800  }
0xb2: {  	[tilespmem:s29], [sflag:$0x3] =	stream.linear.gather [hbm4b:s18+s3], $0x800, $0x38;
	[tilespmem:$0x18000] =	vst v63  }
0xb3: {  	_ =	swait.ge [sflag:s28], $0x800  }
0xb4: {  	[sflag:s28] =	ssyncset.done $0x0  }
0xb5: {  	s19 =	rddreg [dreg:$0x6];
	[sflag:s28] =	ssyncadd.s32 $0xFFFFF800  }
0xb6: {  	[tilespmem:s30], [sflag:$0x3] =	stream.linear.gather [hbm4b:s19+s3], $0x800, $0x38;
	[tilespmem:$0x18000] =	vst v63  }
0xb7: {  	_ =	swait.ge [sflag:s28], $0x800  }
0xb8: {  	[sflag:s28] =	ssyncset.done $0x0  }
0xb9: {  	[sflag:s28] =	ssyncadd.s32 $0xFFFFF800  }
0xba: {  	s20 =	rddreg [dreg:$0x1]  }
0xbb: {  	[tilespmem:s31], [sflag:$0x3] =	stream.linear.gather [hbm4b:s20+s3], $0x800, $0x38;
	[tilespmem:$0x18000] =	vst v63  }
0xbc: {  	_ =	swait.ge [sflag:s28], $0x800  }
0xbd: {  	[sflag:s28] =	ssyncset.done $0x0  }
0xbe: {  	[sflag:s28] =	ssyncadd.s32 $0xFFFFF800  }
0xbf: {  	s21 =	simm.s32 $0x0;
	[bflag:$0x0] =	sbarrier.arrive $0xFFFF  }
0xc0: {  	v5 =	vld [tilespmem:s21+$0x1800];
	_ =	sdelay $0x4  }
0xc1: {  	vm0 =	veq.s32 v5, $0x0  }
0xc2: {  	s22 =	simm.s32 $0x10;
	v5 =	vsel vm0, $0x1, v0  }
0xc3: {  	v6 =	vld [tilespmem:s22+$0x1800];
	(xrf0) =	vadd.scan.msk.s32 $0xffff, v5  }
0xc4: {  	s23 =	simm.s32 $0x20  }
0xc5: {  	v5 =	vld [tilespmem:s23+$0x1800];
	_ =	sdelay $0x2  }
0xc6: {  	vm12 =	veq.s32 v6, $0x0  }
0xc7: {  	v6 =	vsel vm12, $0x1, v0;
	v7, _, _ =	vpop (xrf0)  }
0xc8: {  	vm13 =	veq.s32 v5, $0x0;
	(xrf0) =	vadd.scan.msk.s32 $0xffff, v6;
	v6 =	vxor.u32 $0x80000000, v7  }
0xc9: {  	s24 =	simm.s32 $0x30;
	v5 =	vsel vm13, $0x1, v0;
	(xrf0) =	vmax.scan.msk.u32 $0xffff, v6  }
0xca: {  	v6 =	vld [tilespmem:s24+$0x1800];
	(xrf0) =	vadd.scan.msk.s32 $0xffff, v5;
	_ =	sdelay $0x3  }
0xcb: {  	v5, _, _ =	vpop (xrf0)  }
0xcc: {  	v5 =	vxor.u32 $0x80000000, v5;
	vm14 =	veq.s32 v6, $0x0;
	v7, _, _ =	vpop (xrf0)  }
0xcd: {  	(xrf0) =	vmax.scan.msk.u32 $0xffff, v5;
	v5 =	vsel vm14, $0x1, v0;
	v6, _, _ =	vpop (xrf0)  }
0xce: {  	(xrf0) =	vadd.scan.msk.s32 $0xffff, v5;
	v6 =	vxor.u32 $0x80000000, v6  }
0xcf: {  	(xrf0) =	vmax.scan.msk.u32 $0xffff, v6;
	_ =	sdelay $0x2  }
0xd0: {  	s25 =	simm.s32 $0x40  }
0xd1: {  	v5 =	vld [tilespmem:s25+$0x1800];
	(v2sf) =	vpush v7, $0xF;
	v6, _, _ =	vpop (xrf0)  }
0xd2: {  	v7, _, _ =	vpop (xrf0)  }
0xd3: {  	(v2sf) =	vpush v6, $0xF;
	v6, _, _ =	vpop (xrf0)  }
0xd4: {  	(v2sf) =	vpush v6, $0xF;
	_ =	sdelay $0x1  }
0xd5: {  	vm15 =	veq.s32 v5, $0x0  }
0xd6: {  	v5 =	vsel vm15, $0x1, v0  }
0xd7: {  	s26 =	simm.s32 $0x50;
	(xrf0) =	vadd.scan.msk.s32 $0xffff, v5;
	v5 =	vxor.u32 $0x80000000, v7  }
0xd8: {  	(xrf0) =	vmax.scan.msk.u32 $0xffff, v5;
	v5 =	vld [tilespmem:s26+$0x1800];
	_ =	sdelay $0x3  }
0xd9: {  	s12 =	simm.s32 $0x180;
	s11 =	simm.s32 $0x0  }
.LBB2_2:
0xda: {  	s13 =	sshra.s32 s12, $0x2;
	p1 =	seq.s32 s12, $0x1FC0;
	s12 =	sadd.s32 $0x40, s12;
	vm0 =	veq.s32 v5, $0x0  }
.Ltmp2:
0xdb: {  	v5 =	vld [tilespmem:s13+$0x1800];
	v7 =	vsel vm0, $0x1, v0;
	(pc) =	sbr.rel @!p1 .LBB2_2-.Ltmp2, $4  }
0xdc: {  	(xrf0) =	vadd.scan.msk.s32 $0xffff, v7;
	v6, _, _ =	vpop (xrf0);
	s13 =	spop (v2sf)  }
0xdd: {  	v7 =	vxor.u32 $0x80000000, v6;
	s11 =	sadd.s32 s13, s11  }
0xde: {  	(xrf0) =	vmax.scan.msk.u32 $0xffff, v7;
	v6, _, _ =	vpop (xrf0);
	s11 =	sadd.s32 $0x80000000, s11  }
0xdf: {  	(v2sf) =	vpush v6, $0xF  }
0xe0: {  	vm0 =	veq.s32 v5, $0x0  }
0xe1: {  	v5 =	vsel vm0, $0x1, v0  }
0xe2: {  	(xrf0) =	vadd.scan.msk.s32 $0xffff, v5;
	_ =	sdelay $0x1  }
0xe3: {  	v5, _, _ =	vpop (xrf0)  }
0xe4: {  	v5 =	vxor.u32 $0x80000000, v5;
	_ =	sdelay $0x1  }
0xe5: {  	v6, _, _ =	vpop (xrf0)  }
0xe6: {  	(xrf0) =	vmax.scan.msk.u32 $0xffff, v5;
	v5, _, _ =	vpop (xrf0)  }
0xe7: {  	v5 =	vxor.u32 $0x80000000, v5  }
0xe8: {  	(xrf0) =	vmax.scan.msk.u32 $0xffff, v5;
	_ =	sdelay $0x2  }
0xe9: {  	(v2sf) =	vpush v6, $0xF  }
0xea: {  	v5, _, _ =	vpop (xrf0)  }
0xeb: {  	(v2sf) =	vpush v5, $0xF  }
0xec: {  	v5, _, _ =	vpop (xrf0)  }
0xed: {  	(v2sf) =	vpush v5, $0xF;
	_ =	sdelay $0x4  }
0xee: {  	s12 =	spop (v2sf)  }
0xef: {  	s11 =	sadd.s32 s12, s11  }
0xf0: {  	s22 =	spop (v2sf);
	s11 =	sadd.s32 $0x80000000, s11  }
0xf1: {  	s11 =	sadd.s32 s22, s11  }
0xf2: {  	s11 =	sadd.s32 $0x80000000, s11;
	s23 =	spop (v2sf)  }
0xf3: {  	s11 =	sadd.s32 s23, s11  }
0xf4: {  	s11 =	sadd.s32 $0x80000000, s11;
	s24 =	spop (v2sf)  }
0xf5: {  	s11 =	sadd.s32 s24, s11  }
0xf6: {  	s11 =	sadd.s32 $0x80000000, s11;
	s25 =	spop (v2sf)  }
.Ltmp3:
0xf7: {  	s11 =	sadd.s32 s25, s11;
	(pc) =	sbr.rel .LBB2_4-.Ltmp3, $4  }
0xf8: {  	s11 =	sadd.s32 $0x80000000, s11;
	s26 =	spop (v2sf)  }
0xf9: {  	s11 =	sadd.s32 s26, s11  }
0xfa: {  	s11 =	sadd.s32 $0x80000000, s11  }
0xfb: {  	s13 =	simm.s32 $0x0;
	s14 =	simm.s32 $0x0;
	s12 =	sadd.s32 $0xF, s11  }
.LBB2_6:
0xfc: {  	s23 =	simm.s32 $0x0;
	s16 =	smov.u32 s19;
	s18 =	simm.s32 $0x0  }
.LBB2_10:
0xfd: {  	vm1 =	vmand vm0, vm1;
	vm14 =	vmand vm0, vm2  }
0xfe: {  	v6 =	vsel vm1, $0x1, v0;
	v7 =	vsel vm14, $0x10000, v0  }
0xff: {  	v6 =	vor.u32 v6, v7  }
0x100: {  	(xrf0) =	vadd.scan.msk.s32 $0xffff, v6;
	_ =	sdelay $0x5  }
0x101: {  	v6, _, _ =	vpop (xrf0)  }
0x102: {  	v7 =	vxor.u32 $0x80000000, v6  }
0x103: {  	(xrf0) =	vmax.scan.msk.u32 $0xffff, v7;
	_ =	sdelay $0x5  }
0x104: {  	v7, _, _ =	vpop (xrf0)  }
0x105: {  	(v2sf) =	vpush v7, $0xF;
	_ =	sdelay $0x3  }
0x106: {  	s10 =	sadd.s32 @p1 s23, s26  }
0x107: {  	s15 =	smov.u32 @p1 s10;
	v7 =	vmov s18  }
0x108: {  	v8 =	vmov s15;
	v7 =	vadd.s32 $0xFFFFFFFF, v7  }
0x109: {  	v8 =	vadd.s32 $0xFFFFFFFF, v8;
	v7 =	vbroadcast v7, $0x0  }
0x10a: {  	v8 =	vbroadcast v8, $0x0;
	v9 =	vand.u32 $0xFFFF, v6  }
0x10b: {  	v6 =	vshrl.u32 v6, $0x10;
	v7 =	vadd.s32 v9, v7  }
0x10c: {  	v6 =	vadd.s32 v6, v8;
	vm15 =	vlt.s32 v7, $0x40  }
0x10d: {  	vm3 =	vlt.s32 v6, $0x40;
	vm1 =	vmand vm1, vm15  }
0x10e: {  	vm0 =	vmand vm14, vm3;
	v7 =	vadd.s32 v5, v7  }
0x10f: {  	v6 =	vadd.s32 v5, v6  }
0x110: {  	s10 =	sadd.s32 @p1 $0x10, s16  }
0x111: {  	s19 =	smov.u32 @p1 s10;
	s25 =	spop (v2sf)  }
0x112: {  	v63 =	vor.u32 s19, v1;
	s26 =	sshrl.u32 s25, $0x10  }
0x113: {  	[tilespmem:v7+s1+$0x0] =	vst.idx.msk vm1, v63;
	s10 =	sand.u32 $0xFFFF, s25;
	s16 =	sxor.u32 $0x8000, s26  }
0x114: {  	[tilespmem:v6+s4+$0x0] =	vst.idx.msk vm0, v63;
	s18 =	sadd.s32 s18, s10;
	s16 =	sadd.s32 s15, s16  }
.LBB2_11:
0x115: {  	_ = 	snop  }
0x116: {  	v6 =	vor.u32 v1, v5;
	_ =	sdelay $0x2  }
0x117: {  	v7 =	vld.idx.msk [tilespmem:v5+s1+$0x0], $0xffff  }
0x118: {  	v8 =	vld.idx.msk [tilespmem:v5+s4+$0x0], $0xffff  }
0x119: {  	v9 =	vld.idx.msk [tilespmem:v6+s1+$0x0], $0xffff  }
0x11a: {  	v10 =	vld.idx.msk [tilespmem:v6+s4+$0x0], $0xffff;
	_ =	sdelay $0x1  }
0x11b: {  	v11 =	vmov s18;
	v12 =	vor.u32 v2, v5  }
0x11c: {  	v13 =	vmov s16;
	vm0 =	vgt.s32 v11, v1  }
0x11d: {  	vm9 =	vgt.s32 v13, v1;
	v9 =	vsel vm0, v9, v7  }
0x11e: {  	v60 =	vsel vm9, v10, v8;
	[tilespmem:v6+s1+$0x0] =	vst.idx.msk $0xffff, v9  }
0x11f: {  	[tilespmem:v6+s4+$0x0] =	vst.idx.msk $0xffff, v60  }
0x120: {  	v6 =	vld.idx.msk [tilespmem:v12+s1+$0x0], $0xffff  }
0x121: {  	v9 =	vld.idx.msk [tilespmem:v12+s4+$0x0], $0xffff;
	_ =	sdelay $0x1  }
0x122: {  	v61 =	vor.u32 v3, v5  }
0x123: {  	vm10 =	vgt.s32 v11, v2  }
0x124: {  	vm11 =	vgt.s32 v13, v2;
	v6 =	vsel vm10, v6, v7  }
0x125: {  	[tilespmem:v12+s1+$0x0] =	vst.idx.msk $0xffff, v6;
	v6 =	vsel vm11, v9, v8  }
0x126: {  	[tilespmem:v12+s4+$0x0] =	vst.idx.msk $0xffff, v6  }
0x127: {  	v6 =	vld.idx.msk [tilespmem:v61+s1+$0x0], $0xffff  }
0x128: {  	v62 =	vld.idx.msk [tilespmem:v61+s4+$0x0], $0xffff;
	_ =	sdelay $0x1  }
0x129: {  	v5 =	vor.u32 v4, v5  }
0x12a: {  	vm12 =	vgt.s32 v11, v3  }
0x12b: {  	vm13 =	vgt.s32 v13, v3;
	v6 =	vsel vm12, v6, v7  }
0x12c: {  	[tilespmem:v61+s1+$0x0] =	vst.idx.msk $0xffff, v6;
	v6 =	vsel vm13, v62, v8  }
0x12d: {  	[tilespmem:v61+s4+$0x0] =	vst.idx.msk $0xffff, v6  }
0x12e: {  	v6 =	vld.idx.msk [tilespmem:v5+s1+$0x0], $0xffff  }
0x12f: {  	s14 =	sadd.s32 $0x1, s14;
	v63 =	vld.idx.msk [tilespmem:v5+s4+$0x0], $0xffff  }
0x130: {  	p1 =	sne.s32 s14, $0x40  }
.Ltmp4:
0x131: {  	_ = 	snop;
	(pc) =	sbr.rel @!p1 .LBB2_12-.Ltmp4, $4  }
0x132: {  	vm14 =	vgt.s32 v11, v4  }
0x133: {  	vm15 =	vgt.s32 v13, v4;
	v6 =	vsel vm14, v6, v7  }
0x134: {  	[tilespmem:v5+s1+$0x0] =	vst.idx.msk $0xffff, v6;
	v6 =	vsel vm15, v63, v8  }
0x135: {  	[tilespmem:v5+s4+$0x0] =	vst.idx.msk $0xffff, v6  }
.LBB2_4:
0x136: {  	s15 =	sadd.s32 s8, s14  }
0x137: {  	v5 =	vmov s15;
	_ =	sdelay $0x4  }
0x138: {  	v6 =	vld.idx.msk [tilespmem:v5+s31+$0x0], $0xffff;
	_ =	sdelay $0x4  }
0x139: {  	v7 =	vxor.u32 $0x80000000, v6  }
0x13a: {  	(xrf0) =	vmax.scan.msk.u32 $0xffff, v7;
	_ =	sdelay $0x5  }
0x13b: {  	v7, _, _ =	vpop (xrf0)  }
0x13c: {  	(v2sf) =	vpush v7, $0xF;
	_ =	sdelay $0xe  }
0x13d: {  	s24 =	spop (v2sf)  }
0x13e: {  	s15 =	smov.u32 s11;
	p1 =	seq.s32 s24, $0x80000000  }
0x13f: {  	s15 =	simm.s32 @p1 $0x0  }
0x140: {  	s16 =	sshra.s32 s15, $0x1F;
	s17 =	sand.u32 $0xF, s15;
	p2 =	slt.s32 s15, $0x1  }
0x141: {  	s16 =	sshrl.u32 s16, $0x1C;
	p3 =	sne.s32 s17, $0x0;
	s17 =	smov.u32 s12  }
0x142: {  	s15 =	sadd.s32 s16, s15;
	p2 =	por !p2, !p3;
	s17 =	simm.s32 @!p1 $0x80F  }
0x143: {  	s16 =	simm.s32 $0x1;
	s15 =	sshra.s32 s15, $0x4;
	s25 =	sand.u32 $0xF, s17  }
0x144: {  	s18 =	sshra.s32 s17, $0x1F;
	p5 =	slt.s32 s17, $0x1;
	p6 =	sne.s32 s25, $0x0  }
0x145: {  	p1 =	por !p2, !p2;
	s18 =	sshrl.u32 s18, $0x1C;
	p2 =	por !p5, !p6  }
0x146: {  	s17 =	sadd.s32 s18, s17;
	s18 =	simm.s32 $0x1;
	p2 =	por !p2, !p2  }
0x147: {  	s16 =	simm.s32 @!p1 $0x0;
	s17 =	sshra.s32 s17, $0x4;
	s18 =	simm.s32 @!p2 $0x0  }
0x148: {  	s15 =	ssub.s32 s15, s16;
	s17 =	ssub.s32 s17, s18  }
0x149: {  	p1 =	sge.s32 s15, s17  }
.Ltmp5:
0x14a: {  	_ = 	snop;
	(pc) =	sbr.rel @p1 .LBB2_11-.Ltmp5, $4  }
0x14b: {  	_ = 	snop  }
0x14c: {  	v8 =	vld.idx.msk [tilespmem:v5+s29+$0x0], $0xffff  }
0x14d: {  	s26 =	sshll.u32 s14, $0x6;
	v9 =	vld.idx.msk [tilespmem:v5+s30+$0x0], $0xffff  }
0x14e: {  	v7 =	vld.idx.msk [tilespmem:v5+s13+$0x0], $0xffff;
	v5 =	vmov s26;
	s16 =	simm.s32 $0x0;
	s18 =	simm.s32 $0x0  }
0x14f: {  	s16 =	sshll.u32 s15, $0x6  }
0x150: {  	s18 =	sshra.s32 s16, $0x2  }
0x151: {  	s20 =	sadd.s32 $0x800, s18;
	v11 =	vld [tilespmem:s18+$0x0]  }
0x152: {  	v10 =	vld [tilespmem:s20+$0x0]  }
0x153: {  	s22 =	sadd.s32 $0x1000, s18  }
0x154: {  	v12 =	vld [tilespmem:s22+$0x0];
	_ =	sdelay $0x2  }
0x155: {  	v11 =	vsub.f32 v11, v7;
	v10 =	vsub.f32 v10, v8;
	_ =	sdelay $0x1  }
0x156: {  	s23 =	sadd.s32 $0x1, s15;
	s16 =	sadd.s32 $0x1800, s18;
	v12 =	vsub.f32 v12, v9;
	v11 =	vmul.f32 v11, v11;
	v10 =	vmul.f32 v10, v10  }
0x157: {  	p2 =	slt.s32 s23, s17;
	v13 =	vld [tilespmem:s16+$0x0]  }
.Ltmp6:
0x158: {  	v10 =	vadd.f32 v10, v11;
	v11 =	vmul.f32 v12, v12;
	(pc) =	sbr.rel @!p2 .LBB2_6-.Ltmp6, $3  }
0x159: {  	_ = 	snop  }
0x15a: {  	v10 =	vadd.f32 v11, v10;
	_ =	sdelay $0x1  }
0x15b: {  	s19 =	sshll.u32 s15, $0x4;
	s15 =	simm.s32 $0x0;
	p1 =	por $0x0, $0x0;
	vm0 =	veq.s32 v13, v6;
	vm1 =	vle.f32 v10, $3.999999910e-02;
	vm2 =	vle.f32 v10, $1.599999960e-01  }
0x15c: {  	vm1 =	vmand vm0, vm1;
	vm0 =	vmand vm0, vm2  }
0x15d: {  	v10 =	vsel vm1, $0x1, v0;
	v11 =	vsel vm0, $0x10000, v0  }
0x15e: {  	v10 =	vor.u32 v10, v11  }
0x15f: {  	(xrf0) =	vadd.scan.msk.s32 $0xffff, v10;
	_ =	sdelay $0x3  }
0x160: {  	v10 =	vmov s15  }
0x161: {  	v10 =	vadd.s32 $0xFFFFFFFF, v10  }
0x162: {  	v10 =	vbroadcast v10, $0x0;
	v11, _, _ =	vpop (xrf0)  }
0x163: {  	v12 =	vxor.u32 $0x80000000, v11;
	v13 =	vand.u32 $0xFFFF, v11  }
0x164: {  	v11 =	vshrl.u32 v11, $0x10;
	(xrf0) =	vmax.scan.msk.u32 $0xffff, v12;
	v60 =	vadd.s32 v13, v10  }
0x165: {  	v10 =	vadd.s32 v11, v10;
	vm2 =	vlt.s32 v60, $0x40  }
0x166: {  	vm3 =	vlt.s32 v10, $0x40;
	vm1 =	vmand vm1, vm2  }
0x167: {  	v11 =	vadd.s32 v5, v60;
	vm0 =	vmand vm0, vm3  }
0x168: {  	v10 =	vadd.s32 v5, v10;
	_ =	sdelay $0x1  }
0x169: {  	v61, _, _ =	vpop (xrf0)  }
0x16a: {  	v62 =	vor.u32 s19, v1;
	(v2sf) =	vpush v61, $0xF  }
0x16b: {  	[tilespmem:v11+s1+$0x0] =	vst.idx.msk vm1, v62  }
0x16c: {  	s20 =	sadd.s32 $0x10, s20;
	[tilespmem:v10+s4+$0x0] =	vst.idx.msk vm0, v62  }
0x16d: {  	s21 =	sadd.s32 $0x10, s18;
	v10 =	vld [tilespmem:s20+$0x0]  }
0x16e: {  	v11 =	vld [tilespmem:s21+$0x0]  }
0x16f: {  	s22 =	sadd.s32 $0x10, s22  }
0x170: {  	v12 =	vld [tilespmem:s22+$0x0];
	_ =	sdelay $0x2  }
0x171: {  	v10 =	vsub.f32 v10, v8;
	v11 =	vsub.f32 v11, v7;
	_ =	sdelay $0x1  }
0x172: {  	s24 =	sadd.s32 $0x10, s16;
	s25 =	sadd.s32 $0x1, s23;
	v12 =	vsub.f32 v12, v9;
	v10 =	vmul.f32 v10, v10;
	v11 =	vmul.f32 v11, v11  }
0x173: {  	p2 =	slt.s32 s25, s17;
	v63 =	vld [tilespmem:s24+$0x0]  }
.Ltmp7:
0x174: {  	v10 =	vadd.f32 v10, v11;
	v11 =	vmul.f32 v12, v12;
	(pc) =	sbr.rel @!p2 .LBB2_8-.Ltmp7, $4  }
0x175: {  	_ = 	snop  }
0x176: {  	p1 =	por $0x1, $0x1;
	v10 =	vadd.f32 v11, v10;
	s18 =	spop (v2sf)  }
0x177: {  	s23 =	simm.s32 $0x0;
	s26 =	sand.u32 $0xFFFF, s18;
	s16 =	sshrl.u32 s18, $0x10  }
0x178: {  	vm0 =	veq.s32 v63, v6;
	vm1 =	vle.f32 v10, $3.999999910e-02;
	vm2 =	vle.f32 v10, $1.599999960e-01;
	s18 =	sadd.s32 $0x0, s26;
	s26 =	sxor.u32 $0x8000, s16;
	s16 =	smov.u32 s19  }
.LBB2_9:
0x179: {  	s25 =	sadd.s32 $0x1, s25;
	vm1 =	vmand vm0, vm1;
	vm0 =	vmand vm0, vm2;
	s23 =	sadd.s32 s23, s26;
	s16 =	sadd.s32 $0x10, s16  }
0x17a: {  	p2 =	slt.s32 s25, s17;
	v10 =	vsel vm1, $0x1, v0;
	v11 =	vsel vm0, $0x10000, v0;
	v12 =	vmov s23  }
0x17b: {  	v10 =	vor.u32 v10, v11;
	v11 =	vadd.s32 $0xFFFFFFFF, v12  }
0x17c: {  	(xrf0) =	vadd.scan.msk.s32 $0xffff, v10;
	_ =	sdelay $0x3  }
0x17d: {  	v10 =	vmov s18  }
0x17e: {  	v10 =	vadd.s32 $0xFFFFFFFF, v10  }
0x17f: {  	v11 =	vbroadcast v11, $0x0;
	v10 =	vbroadcast v10, $0x0;
	v12, _, _ =	vpop (xrf0)  }
0x180: {  	v13 =	vand.u32 $0xFFFF, v12;
	v14 =	vshrl.u32 v12, $0x10;
	v12 =	vxor.u32 $0x80000000, v12  }
0x181: {  	v10 =	vadd.s32 v13, v10;
	v11 =	vadd.s32 v14, v11;
	(xrf0) =	vmax.scan.msk.u32 $0xffff, v12  }
0x182: {  	vm2 =	vlt.s32 v10, $0x40;
	vm3 =	vlt.s32 v11, $0x40  }
0x183: {  	vm1 =	vmand vm1, vm2;
	vm0 =	vmand vm0, vm3  }
0x184: {  	v10 =	vadd.s32 v5, v10  }
0x185: {  	v11 =	vadd.s32 v5, v11;
	_ =	sdelay $0x1  }
0x186: {  	v12, _, _ =	vpop (xrf0)  }
0x187: {  	v13 =	vor.u32 s16, v1;
	(v2sf) =	vpush v12, $0xF  }
0x188: {  	[tilespmem:v10+s1+$0x0] =	vst.idx.msk vm1, v13  }
0x189: {  	s20 =	sadd.s32 $0x10, s20;
	[tilespmem:v11+s4+$0x0] =	vst.idx.msk vm0, v13  }
0x18a: {  	s21 =	sadd.s32 $0x10, s21;
	v10 =	vld [tilespmem:s20+$0x0]  }
0x18b: {  	v11 =	vld [tilespmem:s21+$0x0]  }
0x18c: {  	s22 =	sadd.s32 $0x10, s22  }
0x18d: {  	v12 =	vld [tilespmem:s22+$0x0];
	_ =	sdelay $0x1  }
0x18e: {  	v10 =	vsub.f32 v10, v8  }
0x18f: {  	v11 =	vsub.f32 v11, v7  }
0x190: {  	v10 =	vmul.f32 v10, v10  }
0x191: {  	s24 =	sadd.s32 $0x10, s24;
	v12 =	vsub.f32 v12, v9;
	v11 =	vmul.f32 v11, v11  }
0x192: {  	v13 =	vld [tilespmem:s24+$0x0]  }
.Ltmp8:
0x193: {  	v10 =	vadd.f32 v10, v11;
	v11 =	vmul.f32 v12, v12;
	(pc) =	sbr.rel @p2 .LBB2_9-.Ltmp8, $4  }
0x194: {  	_ = 	snop  }
0x195: {  	v10 =	vadd.f32 v11, v10;
	s26 =	spop (v2sf)  }
0x196: {  	s10 =	sand.u32 $0xFFFF, s26;
	s26 =	sshrl.u32 s26, $0x10  }
0x197: {  	vm0 =	veq.s32 v13, v6;
	vm1 =	vle.f32 v10, $3.999999910e-02;
	vm2 =	vle.f32 v10, $1.599999960e-01;
	s18 =	sadd.s32 s18, s10;
	s26 =	sxor.u32 $0x8000, s26  }
.Ltmp9:
0x198: {  	_ = 	snop;
	(pc) =	sbr.rel .LBB2_10-.Ltmp9, $1  }
0x199: {  	_ =	sdelay $0x3  }
.LBB2_8:
.Ltmp10:
0x19a: {  	(pc) =	sbr.rel .LBB2_10-.Ltmp10, $2  }
0x19b: {  	_ =	sdelay $0x2  }
0x19c: {  	s23 =	simm.s32 $0x0;
	s16 =	smov.u32 s19  }
.LBB2_13:
0x19d: {  	_ =	sfence.sel $0x180000  }
0x19e: {  	[bflag:$0x0] =	sbarrier.arrive $0xFFFF  }
0x19f: {  	_ =	strace $0x90000047  }
0x1a0: {  	[bflag:$0x2] =	sbarrier.arrive $0xFFFF  }
0x1a1: {  	s0 =	rddreg [dreg:$0x3]  }
0x1a2: {  	s0 =	sadd.s32 @!p0 $0x100000, s0  }
0x1a3: {  	[sflag:s0] =	ssyncadd.tile.s32 @!p0 $0x1;
	_ =	shalt  }
.Lfunc_end2:
_tile_overlayer_lowered:
.L_overlay_start_2:
0x1a4: {  	(tag) =	ssettag $0x2  }
0x1a5: {  	s0 =	rddreg [dreg:$0x0];
	s2 =	stileid.u32  }
0x1a6: {  	s1 =	rddreg [dreg:$0x1];
	p0 =	sne.s32 s2, $0x0  }
0x1a7: {  	s3 =	rddreg [dreg:$0x2];
	[bflag:$0x3] =	sbarrier.arrive $0xFFFF;
	s2 =	simm.s32 @!p0 $0x1C03  }
0x1a8: {  	[timem:s3], [sflag:s2] =	dma.local @!p0 [hbm:s0], s1  }
0x1a9: {  	s0 =	simm.s32 @!p0 $0x3  }
0x1aa: {  	_ =	swait.ge @!p0 [sflag:s0], s1  }
0x1ab: {  	s1 =	ssub.s32 @!p0 $0x0, s1;
	[sflag:s0] =	ssyncset.done @!p0 $0x0  }
0x1ac: {  	[sflag:s0] =	ssyncadd.s32 @!p0 s1  }
0x1ad: {  	[bflag:$0x3] =	sbarrier.arrive $0xFFFF  }
0x1ae: {  	_ =	shalt  }

</sc_bundles>
